<compile_context>
chip_gen: v7x
topology: tpu7x:2x2x1
jax: 0.10.2.dev20260603
libtpu: 0.0.44.dev20260713+nightly
codegen_flags: <defaults>
</compile_context>

<pallas_src>
import jax
import jax.numpy as jnp
from jax import lax
from jax.experimental import pallas as pl
from jax.experimental.pallas import tpu as pltpu
from jax.experimental.pallas import tpu_sc as plsc

NC = 2
NS = 16
L = 16
NW = NC * NS

CHUNK = 128


def _pairmf_body(u_hbm, i_hbm, j_hbm, c_hbm, emb_hbm,
                 pi_hbm, pj_hbm,
                 idx_v, rows_u, rows_i, rows_j, rows_c,
                 pi_v, pj_v, sem):
    b_per_w = rows_u.shape[0]
    n_chunks = b_per_w // CHUNK
    D = rows_u.shape[1]
    wid = lax.axis_index("s") * NC + lax.axis_index("c")
    base = wid * b_per_w

    idx_copies = []
    for a, src in enumerate((u_hbm, i_hbm, j_hbm, c_hbm)):
        for k in range(n_chunks):
            idx_copies.append(pltpu.async_copy(
                src.at[pl.ds(base + k * CHUNK, CHUNK)], idx_v.at[a, k], sem))
    for cp in idx_copies:
        cp.wait()

    row_copies = []
    for a, dst in enumerate((rows_u, rows_i, rows_j, rows_c)):
        for k in range(n_chunks):
            row_copies.append(pltpu.async_copy(
                emb_hbm.at[idx_v.at[a, k]],
                dst.at[pl.ds(k * CHUNK, CHUNK)], sem))
    for cp in row_copies:
        cp.wait()

    lanes = lax.iota(jnp.int32, L)

    @pl.loop(0, b_per_w // L)
    def _block(t):
        row = t * L + lanes
        acc_i = jnp.zeros((L,), jnp.float32)
        acc_j = jnp.zeros((L,), jnp.float32)
        for d in range(D):
            col = jnp.full((L,), d, jnp.int32)
            eu = plsc.load_gather(rows_u, [row, col])
            ec = plsc.load_gather(rows_c, [row, col])
            ei = plsc.load_gather(rows_i, [row, col])
            ej = plsc.load_gather(rows_j, [row, col])
            t3 = eu * ec
            acc_i = acc_i + t3 * ei
            acc_j = acc_j + t3 * ej
        pi_v[pl.ds(t * L, L)] = acc_i
        pj_v[pl.ds(t * L, L)] = acc_j

    pltpu.sync_copy(pi_v, pi_hbm.at[pl.ds(base, b_per_w)])
    pltpu.sync_copy(pj_v, pj_hbm.at[pl.ds(base, b_per_w)])


def kernel(u, i, j, context, emb_weight):
    B = u.shape[0]
    V, D = emb_weight.shape
    assert B % (NW * L) == 0 and (B // NW) % CHUNK == 0
    b_per_w = B // NW
    n_chunks = b_per_w // CHUNK

    mesh = plsc.VectorSubcoreMesh(core_axis_name="c", subcore_axis_name="s",
                                  num_cores=NC, num_subcores=NS)
    run = pl.kernel(
        _pairmf_body,
        out_type=(jax.ShapeDtypeStruct((B,), jnp.float32),
                  jax.ShapeDtypeStruct((B,), jnp.float32)),
        mesh=mesh,
        compiler_params=pltpu.CompilerParams(needs_layout_passes=False,
                                             use_tc_tiling_on_sc=False),
        scratch_types=[
            pltpu.VMEM((4, n_chunks, CHUNK), jnp.int32),
            pltpu.VMEM((b_per_w, D), jnp.float32),
            pltpu.VMEM((b_per_w, D), jnp.float32),
            pltpu.VMEM((b_per_w, D), jnp.float32),
            pltpu.VMEM((b_per_w, D), jnp.float32),
            pltpu.VMEM((b_per_w,), jnp.float32),
            pltpu.VMEM((b_per_w,), jnp.float32),
            pltpu.SemaphoreType.DMA,
        ],
    )
    return run(u.astype(jnp.int32), i.astype(jnp.int32),
               j.astype(jnp.int32), context.astype(jnp.int32),
               emb_weight)

# --- scband reference (transcript-rebuilt; emitter-appended) ---
"""Pipeline reference for scband-pair-mf-87471303950715 (READ-ONLY COPY).

The authoritative reference and input builder live on the scoring server;
editing this copy changes nothing except your own understanding.
"""

import jax, jax.numpy as jnp
import numpy as np

B = 16384
V = 1000000
D = 32

def setup_inputs(seed: int = 0) -> dict:
    key = jax.random.key(seed)
    k1, k2, k3, k4, k5 = jax.random.split(key, 5)
    u = jax.random.randint(k1, (B,), 0, V)
    i = jax.random.randint(k2, (B,), 0, V)
    j = jax.random.randint(k3, (B,), 0, V)
    context = jax.random.randint(k4, (B,), 0, V)
    emb_weight = jax.random.normal(k5, (V, D), dtype=jnp.float32) * 0.01
    return {"u": u, "i": i, "j": j, "context": context, "emb_weight": emb_weight}

def reference(u, i, j, context, emb_weight):
    # context is not None branch of PairMF.forward
    idx_ui = jnp.stack((u, i, context), axis=1)   # [B, 3]
    idx_uj = jnp.stack((u, j, context), axis=1)   # [B, 3]
    emb_ui = jnp.take(emb_weight, idx_ui, axis=0)  # [B, 3, D]
    emb_uj = jnp.take(emb_weight, idx_uj, axis=0)  # [B, 3, D]
    pred_i = jnp.prod(emb_ui, axis=1).sum(axis=1)  # [B]
    pred_j = jnp.prod(emb_uj, axis=1).sum(axis=1)  # [B]
    return (pred_i, pred_j)

if __name__ == "__main__":
    import jax
    _d = setup_inputs()
    print(jax.jit(kernel)(*tuple(_d.values())))

</pallas_src>

<mosaic_0001>
#map = affine_map<(d0, d1) -> (0)>
#map1 = affine_map<(d0, d1) -> (0, 0)>
module attributes {stable_mosaic.version = 14 : i64} {
  func.func @_pairmf_body(%arg0: i32, %arg1: i32, %arg2: memref<16384xi32, #tpu.memory_space<hbm>>, %arg3: memref<16384xi32, #tpu.memory_space<hbm>>, %arg4: memref<16384xi32, #tpu.memory_space<hbm>>, %arg5: memref<16384xi32, #tpu.memory_space<hbm>>, %arg6: memref<1000000x32xf32, #tpu.memory_space<hbm>>, %arg7: memref<16384xf32, #tpu.memory_space<hbm>>, %arg8: memref<16384xf32, #tpu.memory_space<hbm>>, %arg9: memref<4x4x128xi32, #tpu.memory_space<vmem>>, %arg10: memref<512x32xf32, #tpu.memory_space<vmem>>, %arg11: memref<512x32xf32, #tpu.memory_space<vmem>>, %arg12: memref<512x32xf32, #tpu.memory_space<vmem>>, %arg13: memref<512x32xf32, #tpu.memory_space<vmem>>, %arg14: memref<512xf32, #tpu.memory_space<vmem>>, %arg15: memref<512xf32, #tpu.memory_space<vmem>>, %arg16: memref<!tpu.dma_semaphore, #tpu.memory_space<semaphore_mem>>) attributes {dimension_semantics = [#tpu.dimension_semantics<core_parallel>, #tpu.dimension_semantics<subcore_parallel>], iteration_bounds = array<i64: 2, 16>, scalar_prefetch = 0 : i64, scratch_operands = 8 : i64, tpu.core_type = #tpu.core_type<sc_vector_subcore>, window_params = [{transform_indices = #map}, {transform_indices = #map}, {transform_indices = #map}, {transform_indices = #map}, {transform_indices = #map1}, {transform_indices = #map}, {transform_indices = #map}]} {
    %mul3A = arith.constant 2 : i32
    %mul3A_0 = arith.muli %arg1, %mul3A : i32
    %add3A = arith.addi %mul3A_0, %arg0 : i32
    %mul3A_1 = arith.constant 512 : i32
    %mul3A_2 = arith.muli %add3A, %mul3A_1 : i32
    %add3A_3 = arith.constant 0 : i32
    %add3A_4 = arith.addi %mul3A_2, %add3A_3 : i32
    %dma_start3A = arith.constant 0 : i32
    %dma_start3A_5 = arith.constant 0 : i32
    %dma_start3A_6 = arith.constant 0 : i32
    %dma_start3A_7 = tpu.memref_slice %arg9[%dma_start3A, %dma_start3A_5, %dma_start3A_6] : memref<4x4x128xi32, #tpu.memory_space<vmem>> -> memref<1x1x128xi32, #tpu.memory_space<vmem>>
    %dma_start3A_8 = tpu.memref_squeeze %dma_start3A_7 : memref<1x1x128xi32, #tpu.memory_space<vmem>> -> memref<128xi32, #tpu.memory_space<vmem>>
    %dma_start3A_9 = tpu.memref_slice %arg2[%add3A_4] : memref<16384xi32, #tpu.memory_space<hbm>> -> memref<128xi32, #tpu.memory_space<hbm>>
    %dma_start3A_10 = arith.constant 0 : i32
    %dma_start3A_11 = tpu.memref_slice %arg9[%dma_start3A, %dma_start3A_5, %dma_start3A_10] : memref<4x4x128xi32, #tpu.memory_space<vmem>> -> memref<1x1x128xi32, #tpu.memory_space<vmem>>
    %dma_start3A_12 = tpu.memref_squeeze %dma_start3A_11 : memref<1x1x128xi32, #tpu.memory_space<vmem>> -> memref<128xi32, #tpu.memory_space<vmem>>
    %dma_start3A_13 = tpu.memref_slice %arg2[%add3A_4] : memref<16384xi32, #tpu.memory_space<hbm>> -> memref<128xi32, #tpu.memory_space<hbm>>
    tpu.enqueue_dma source(%dma_start3A_13 : memref<128xi32, #tpu.memory_space<hbm>>) target(%dma_start3A_12 : memref<128xi32, #tpu.memory_space<vmem>>) target_semaphore(%arg16 : memref<!tpu.dma_semaphore, #tpu.memory_space<semaphore_mem>>)
    %add3A_14 = arith.constant 128 : i32
    %add3A_15 = arith.addi %mul3A_2, %add3A_14 : i32
    %dma_start3A_16 = arith.constant 0 : i32
    %dma_start3A_17 = arith.constant 1 : i32
    %dma_start3A_18 = arith.constant 0 : i32
    %dma_start3A_19 = tpu.memref_slice %arg9[%dma_start3A_16, %dma_start3A_17, %dma_start3A_18] : memref<4x4x128xi32, #tpu.memory_space<vmem>> -> memref<1x1x128xi32, #tpu.memory_space<vmem>>
    %dma_start3A_20 = tpu.memref_squeeze %dma_start3A_19 : memref<1x1x128xi32, #tpu.memory_space<vmem>> -> memref<128xi32, #tpu.memory_space<vmem>>
    %dma_start3A_21 = tpu.memref_slice %arg2[%add3A_15] : memref<16384xi32, #tpu.memory_space<hbm>> -> memref<128xi32, #tpu.memory_space<hbm>>
    %dma_start3A_22 = arith.constant 0 : i32
    %dma_start3A_23 = tpu.memref_slice %arg9[%dma_start3A_16, %dma_start3A_17, %dma_start3A_22] : memref<4x4x128xi32, #tpu.memory_space<vmem>> -> memref<1x1x128xi32, #tpu.memory_space<vmem>>
    %dma_start3A_24 = tpu.memref_squeeze %dma_start3A_23 : memref<1x1x128xi32, #tpu.memory_space<vmem>> -> memref<128xi32, #tpu.memory_space<vmem>>
    %dma_start3A_25 = tpu.memref_slice %arg2[%add3A_15] : memref<16384xi32, #tpu.memory_space<hbm>> -> memref<128xi32, #tpu.memory_space<hbm>>
    tpu.enqueue_dma source(%dma_start3A_25 : memref<128xi32, #tpu.memory_space<hbm>>) target(%dma_start3A_24 : memref<128xi32, #tpu.memory_space<vmem>>) target_semaphore(%arg16 : memref<!tpu.dma_semaphore, #tpu.memory_space<semaphore_mem>>)
    %add3A_26 = arith.constant 256 : i32
    %add3A_27 = arith.addi %mul3A_2, %add3A_26 : i32
    %dma_start3A_28 = arith.constant 0 : i32
    %dma_start3A_29 = arith.constant 2 : i32
    %dma_start3A_30 = arith.constant 0 : i32
    %dma_start3A_31 = tpu.memref_slice %arg9[%dma_start3A_28, %dma_start3A_29, %dma_start3A_30] : memref<4x4x128xi32, #tpu.memory_space<vmem>> -> memref<1x1x128xi32, #tpu.memory_space<vmem>>
    %dma_start3A_32 = tpu.memref_squeeze %dma_start3A_31 : memref<1x1x128xi32, #tpu.memory_space<vmem>> -> memref<128xi32, #tpu.memory_space<vmem>>
    %dma_start3A_33 = tpu.memref_slice %arg2[%add3A_27] : memref<16384xi32, #tpu.memory_space<hbm>> -> memref<128xi32, #tpu.memory_space<hbm>>
    %dma_start3A_34 = arith.constant 0 : i32
    %dma_start3A_35 = tpu.memref_slice %arg9[%dma_start3A_28, %dma_start3A_29, %dma_start3A_34] : memref<4x4x128xi32, #tpu.memory_space<vmem>> -> memref<1x1x128xi32, #tpu.memory_space<vmem>>
    %dma_start3A_36 = tpu.memref_squeeze %dma_start3A_35 : memref<1x1x128xi32, #tpu.memory_space<vmem>> -> memref<128xi32, #tpu.memory_space<vmem>>
    %dma_start3A_37 = tpu.memref_slice %arg2[%add3A_27] : memref<16384xi32, #tpu.memory_space<hbm>> -> memref<128xi32, #tpu.memory_space<hbm>>
    tpu.enqueue_dma source(%dma_start3A_37 : memref<128xi32, #tpu.memory_space<hbm>>) target(%dma_start3A_36 : memref<128xi32, #tpu.memory_space<vmem>>) target_semaphore(%arg16 : memref<!tpu.dma_semaphore, #tpu.memory_space<semaphore_mem>>)
    %add3A_38 = arith.constant 384 : i32
    %add3A_39 = arith.addi %mul3A_2, %add3A_38 : i32
    %dma_start3A_40 = arith.constant 0 : i32
    %dma_start3A_41 = arith.constant 3 : i32
    %dma_start3A_42 = arith.constant 0 : i32
    %dma_start3A_43 = tpu.memref_slice %arg9[%dma_start3A_40, %dma_start3A_41, %dma_start3A_42] : memref<4x4x128xi32, #tpu.memory_space<vmem>> -> memref<1x1x128xi32, #tpu.memory_space<vmem>>
    %dma_start3A_44 = tpu.memref_squeeze %dma_start3A_43 : memref<1x1x128xi32, #tpu.memory_space<vmem>> -> memref<128xi32, #tpu.memory_space<vmem>>
    %dma_start3A_45 = tpu.memref_slice %arg2[%add3A_39] : memref<16384xi32, #tpu.memory_space<hbm>> -> memref<128xi32, #tpu.memory_space<hbm>>
    %dma_start3A_46 = arith.constant 0 : i32
    %dma_start3A_47 = tpu.memref_slice %arg9[%dma_start3A_40, %dma_start3A_41, %dma_start3A_46] : memref<4x4x128xi32, #tpu.memory_space<vmem>> -> memref<1x1x128xi32, #tpu.memory_space<vmem>>
    %dma_start3A_48 = tpu.memref_squeeze %dma_start3A_47 : memref<1x1x128xi32, #tpu.memory_space<vmem>> -> memref<128xi32, #tpu.memory_space<vmem>>
    %dma_start3A_49 = tpu.memref_slice %arg2[%add3A_39] : memref<16384xi32, #tpu.memory_space<hbm>> -> memref<128xi32, #tpu.memory_space<hbm>>
    tpu.enqueue_dma source(%dma_start3A_49 : memref<128xi32, #tpu.memory_space<hbm>>) target(%dma_start3A_48 : memref<128xi32, #tpu.memory_space<vmem>>) target_semaphore(%arg16 : memref<!tpu.dma_semaphore, #tpu.memory_space<semaphore_mem>>)
    %add3A_50 = arith.constant 0 : i32
    %add3A_51 = arith.addi %mul3A_2, %add3A_50 : i32
    %dma_start3A_52 = arith.constant 1 : i32
    %dma_start3A_53 = arith.constant 0 : i32
    %dma_start3A_54 = arith.constant 0 : i32
    %dma_start3A_55 = tpu.memref_slice %arg9[%dma_start3A_52, %dma_start3A_53, %dma_start3A_54] : memref<4x4x128xi32, #tpu.memory_space<vmem>> -> memref<1x1x128xi32, #tpu.memory_space<vmem>>
    %dma_start3A_56 = tpu.memref_squeeze %dma_start3A_55 : memref<1x1x128xi32, #tpu.memory_space<vmem>> -> memref<128xi32, #tpu.memory_space<vmem>>
    %dma_start3A_57 = tpu.memref_slice %arg3[%add3A_51] : memref<16384xi32, #tpu.memory_space<hbm>> -> memref<128xi32, #tpu.memory_space<hbm>>
    %dma_start3A_58 = arith.constant 0 : i32
    %dma_start3A_59 = tpu.memref_slice %arg9[%dma_start3A_52, %dma_start3A_53, %dma_start3A_58] : memref<4x4x128xi32, #tpu.memory_space<vmem>> -> memref<1x1x128xi32, #tpu.memory_space<vmem>>
    %dma_start3A_60 = tpu.memref_squeeze %dma_start3A_59 : memref<1x1x128xi32, #tpu.memory_space<vmem>> -> memref<128xi32, #tpu.memory_space<vmem>>
    %dma_start3A_61 = tpu.memref_slice %arg3[%add3A_51] : memref<16384xi32, #tpu.memory_space<hbm>> -> memref<128xi32, #tpu.memory_space<hbm>>
    tpu.enqueue_dma source(%dma_start3A_61 : memref<128xi32, #tpu.memory_space<hbm>>) target(%dma_start3A_60 : memref<128xi32, #tpu.memory_space<vmem>>) target_semaphore(%arg16 : memref<!tpu.dma_semaphore, #tpu.memory_space<semaphore_mem>>)
    %add3A_62 = arith.constant 128 : i32
    %add3A_63 = arith.addi %mul3A_2, %add3A_62 : i32
    %dma_start3A_64 = arith.constant 1 : i32
    %dma_start3A_65 = arith.constant 1 : i32
    %dma_start3A_66 = arith.constant 0 : i32
    %dma_start3A_67 = tpu.memref_slice %arg9[%dma_start3A_64, %dma_start3A_65, %dma_start3A_66] : memref<4x4x128xi32, #tpu.memory_space<vmem>> -> memref<1x1x128xi32, #tpu.memory_space<vmem>>
    %dma_start3A_68 = tpu.memref_squeeze %dma_start3A_67 : memref<1x1x128xi32, #tpu.memory_space<vmem>> -> memref<128xi32, #tpu.memory_space<vmem>>
    %dma_start3A_69 = tpu.memref_slice %arg3[%add3A_63] : memref<16384xi32, #tpu.memory_space<hbm>> -> memref<128xi32, #tpu.memory_space<hbm>>
    %dma_start3A_70 = arith.constant 0 : i32
    %dma_start3A_71 = tpu.memref_slice %arg9[%dma_start3A_64, %dma_start3A_65, %dma_start3A_70] : memref<4x4x128xi32, #tpu.memory_space<vmem>> -> memref<1x1x128xi32, #tpu.memory_space<vmem>>
    %dma_start3A_72 = tpu.memref_squeeze %dma_start3A_71 : memref<1x1x128xi32, #tpu.memory_space<vmem>> -> memref<128xi32, #tpu.memory_space<vmem>>
    %dma_start3A_73 = tpu.memref_slice %arg3[%add3A_63] : memref<16384xi32, #tpu.memory_space<hbm>> -> memref<128xi32, #tpu.memory_space<hbm>>
    tpu.enqueue_dma source(%dma_start3A_73 : memref<128xi32, #tpu.memory_space<hbm>>) target(%dma_start3A_72 : memref<128xi32, #tpu.memory_space<vmem>>) target_semaphore(%arg16 : memref<!tpu.dma_semaphore, #tpu.memory_space<semaphore_mem>>)
    %add3A_74 = arith.constant 256 : i32
    %add3A_75 = arith.addi %mul3A_2, %add3A_74 : i32
    %dma_start3A_76 = arith.constant 1 : i32
    %dma_start3A_77 = arith.constant 2 : i32
    %dma_start3A_78 = arith.constant 0 : i32
    %dma_start3A_79 = tpu.memref_slice %arg9[%dma_start3A_76, %dma_start3A_77, %dma_start3A_78] : memref<4x4x128xi32, #tpu.memory_space<vmem>> -> memref<1x1x128xi32, #tpu.memory_space<vmem>>
    %dma_start3A_80 = tpu.memref_squeeze %dma_start3A_79 : memref<1x1x128xi32, #tpu.memory_space<vmem>> -> memref<128xi32, #tpu.memory_space<vmem>>
    %dma_start3A_81 = tpu.memref_slice %arg3[%add3A_75] : memref<16384xi32, #tpu.memory_space<hbm>> -> memref<128xi32, #tpu.memory_space<hbm>>
    %dma_start3A_82 = arith.constant 0 : i32
    %dma_start3A_83 = tpu.memref_slice %arg9[%dma_start3A_76, %dma_start3A_77, %dma_start3A_82] : memref<4x4x128xi32, #tpu.memory_space<vmem>> -> memref<1x1x128xi32, #tpu.memory_space<vmem>>
    %dma_start3A_84 = tpu.memref_squeeze %dma_start3A_83 : memref<1x1x128xi32, #tpu.memory_space<vmem>> -> memref<128xi32, #tpu.memory_space<vmem>>
    %dma_start3A_85 = tpu.memref_slice %arg3[%add3A_75] : memref<16384xi32, #tpu.memory_space<hbm>> -> memref<128xi32, #tpu.memory_space<hbm>>
    tpu.enqueue_dma source(%dma_start3A_85 : memref<128xi32, #tpu.memory_space<hbm>>) target(%dma_start3A_84 : memref<128xi32, #tpu.memory_space<vmem>>) target_semaphore(%arg16 : memref<!tpu.dma_semaphore, #tpu.memory_space<semaphore_mem>>)
    %add3A_86 = arith.constant 384 : i32
    %add3A_87 = arith.addi %mul3A_2, %add3A_86 : i32
    %dma_start3A_88 = arith.constant 1 : i32
    %dma_start3A_89 = arith.constant 3 : i32
    %dma_start3A_90 = arith.constant 0 : i32
    %dma_start3A_91 = tpu.memref_slice %arg9[%dma_start3A_88, %dma_start3A_89, %dma_start3A_90] : memref<4x4x128xi32, #tpu.memory_space<vmem>> -> memref<1x1x128xi32, #tpu.memory_space<vmem>>
    %dma_start3A_92 = tpu.memref_squeeze %dma_start3A_91 : memref<1x1x128xi32, #tpu.memory_space<vmem>> -> memref<128xi32, #tpu.memory_space<vmem>>
    %dma_start3A_93 = tpu.memref_slice %arg3[%add3A_87] : memref<16384xi32, #tpu.memory_space<hbm>> -> memref<128xi32, #tpu.memory_space<hbm>>
    %dma_start3A_94 = arith.constant 0 : i32
    %dma_start3A_95 = tpu.memref_slice %arg9[%dma_start3A_88, %dma_start3A_89, %dma_start3A_94] : memref<4x4x128xi32, #tpu.memory_space<vmem>> -> memref<1x1x128xi32, #tpu.memory_space<vmem>>
    %dma_start3A_96 = tpu.memref_squeeze %dma_start3A_95 : memref<1x1x128xi32, #tpu.memory_space<vmem>> -> memref<128xi32, #tpu.memory_space<vmem>>
    %dma_start3A_97 = tpu.memref_slice %arg3[%add3A_87] : memref<16384xi32, #tpu.memory_space<hbm>> -> memref<128xi32, #tpu.memory_space<hbm>>
    tpu.enqueue_dma source(%dma_start3A_97 : memref<128xi32, #tpu.memory_space<hbm>>) target(%dma_start3A_96 : memref<128xi32, #tpu.memory_space<vmem>>) target_semaphore(%arg16 : memref<!tpu.dma_semaphore, #tpu.memory_space<semaphore_mem>>)
    %add3A_98 = arith.constant 0 : i32
    %add3A_99 = arith.addi %mul3A_2, %add3A_98 : i32
    %dma_start3A_100 = arith.constant 2 : i32
    %dma_start3A_101 = arith.constant 0 : i32
    %dma_start3A_102 = arith.constant 0 : i32
    %dma_start3A_103 = tpu.memref_slice %arg9[%dma_start3A_100, %dma_start3A_101, %dma_start3A_102] : memref<4x4x128xi32, #tpu.memory_space<vmem>> -> memref<1x1x128xi32, #tpu.memory_space<vmem>>
    %dma_start3A_104 = tpu.memref_squeeze %dma_start3A_103 : memref<1x1x128xi32, #tpu.memory_space<vmem>> -> memref<128xi32, #tpu.memory_space<vmem>>
    %dma_start3A_105 = tpu.memref_slice %arg4[%add3A_99] : memref<16384xi32, #tpu.memory_space<hbm>> -> memref<128xi32, #tpu.memory_space<hbm>>
    %dma_start3A_106 = arith.constant 0 : i32
    %dma_start3A_107 = tpu.memref_slice %arg9[%dma_start3A_100, %dma_start3A_101, %dma_start3A_106] : memref<4x4x128xi32, #tpu.memory_space<vmem>> -> memref<1x1x128xi32, #tpu.memory_space<vmem>>
    %dma_start3A_108 = tpu.memref_squeeze %dma_start3A_107 : memref<1x1x128xi32, #tpu.memory_space<vmem>> -> memref<128xi32, #tpu.memory_space<vmem>>
    %dma_start3A_109 = tpu.memref_slice %arg4[%add3A_99] : memref<16384xi32, #tpu.memory_space<hbm>> -> memref<128xi32, #tpu.memory_space<hbm>>
    tpu.enqueue_dma source(%dma_start3A_109 : memref<128xi32, #tpu.memory_space<hbm>>) target(%dma_start3A_108 : memref<128xi32, #tpu.memory_space<vmem>>) target_semaphore(%arg16 : memref<!tpu.dma_semaphore, #tpu.memory_space<semaphore_mem>>)
    %add3A_110 = arith.constant 128 : i32
    %add3A_111 = arith.addi %mul3A_2, %add3A_110 : i32
    %dma_start3A_112 = arith.constant 2 : i32
    %dma_start3A_113 = arith.constant 1 : i32
    %dma_start3A_114 = arith.constant 0 : i32
    %dma_start3A_115 = tpu.memref_slice %arg9[%dma_start3A_112, %dma_start3A_113, %dma_start3A_114] : memref<4x4x128xi32, #tpu.memory_space<vmem>> -> memref<1x1x128xi32, #tpu.memory_space<vmem>>
    %dma_start3A_116 = tpu.memref_squeeze %dma_start3A_115 : memref<1x1x128xi32, #tpu.memory_space<vmem>> -> memref<128xi32, #tpu.memory_space<vmem>>
    %dma_start3A_117 = tpu.memref_slice %arg4[%add3A_111] : memref<16384xi32, #tpu.memory_space<hbm>> -> memref<128xi32, #tpu.memory_space<hbm>>
    %dma_start3A_118 = arith.constant 0 : i32
    %dma_start3A_119 = tpu.memref_slice %arg9[%dma_start3A_112, %dma_start3A_113, %dma_start3A_118] : memref<4x4x128xi32, #tpu.memory_space<vmem>> -> memref<1x1x128xi32, #tpu.memory_space<vmem>>
    %dma_start3A_120 = tpu.memref_squeeze %dma_start3A_119 : memref<1x1x128xi32, #tpu.memory_space<vmem>> -> memref<128xi32, #tpu.memory_space<vmem>>
    %dma_start3A_121 = tpu.memref_slice %arg4[%add3A_111] : memref<16384xi32, #tpu.memory_space<hbm>> -> memref<128xi32, #tpu.memory_space<hbm>>
    tpu.enqueue_dma source(%dma_start3A_121 : memref<128xi32, #tpu.memory_space<hbm>>) target(%dma_start3A_120 : memref<128xi32, #tpu.memory_space<vmem>>) target_semaphore(%arg16 : memref<!tpu.dma_semaphore, #tpu.memory_space<semaphore_mem>>)
    %add3A_122 = arith.constant 256 : i32
    %add3A_123 = arith.addi %mul3A_2, %add3A_122 : i32
    %dma_start3A_124 = arith.constant 2 : i32
    %dma_start3A_125 = arith.constant 2 : i32
    %dma_start3A_126 = arith.constant 0 : i32
    %dma_start3A_127 = tpu.memref_slice %arg9[%dma_start3A_124, %dma_start3A_125, %dma_start3A_126] : memref<4x4x128xi32, #tpu.memory_space<vmem>> -> memref<1x1x128xi32, #tpu.memory_space<vmem>>
    %dma_start3A_128 = tpu.memref_squeeze %dma_start3A_127 : memref<1x1x128xi32, #tpu.memory_space<vmem>> -> memref<128xi32, #tpu.memory_space<vmem>>
    %dma_start3A_129 = tpu.memref_slice %arg4[%add3A_123] : memref<16384xi32, #tpu.memory_space<hbm>> -> memref<128xi32, #tpu.memory_space<hbm>>
    %dma_start3A_130 = arith.constant 0 : i32
    %dma_start3A_131 = tpu.memref_slice %arg9[%dma_start3A_124, %dma_start3A_125, %dma_start3A_130] : memref<4x4x128xi32, #tpu.memory_space<vmem>> -> memref<1x1x128xi32, #tpu.memory_space<vmem>>
    %dma_start3A_132 = tpu.memref_squeeze %dma_start3A_131 : memref<1x1x128xi32, #tpu.memory_space<vmem>> -> memref<128xi32, #tpu.memory_space<vmem>>
    %dma_start3A_133 = tpu.memref_slice %arg4[%add3A_123] : memref<16384xi32, #tpu.memory_space<hbm>> -> memref<128xi32, #tpu.memory_space<hbm>>
    tpu.enqueue_dma source(%dma_start3A_133 : memref<128xi32, #tpu.memory_space<hbm>>) target(%dma_start3A_132 : memref<128xi32, #tpu.memory_space<vmem>>) target_semaphore(%arg16 : memref<!tpu.dma_semaphore, #tpu.memory_space<semaphore_mem>>)
    %add3A_134 = arith.constant 384 : i32
    %add3A_135 = arith.addi %mul3A_2, %add3A_134 : i32
    %dma_start3A_136 = arith.constant 2 : i32
    %dma_start3A_137 = arith.constant 3 : i32
    %dma_start3A_138 = arith.constant 0 : i32
    %dma_start3A_139 = tpu.memref_slice %arg9[%dma_start3A_136, %dma_start3A_137, %dma_start3A_138] : memref<4x4x128xi32, #tpu.memory_space<vmem>> -> memref<1x1x128xi32, #tpu.memory_space<vmem>>
    %dma_start3A_140 = tpu.memref_squeeze %dma_start3A_139 : memref<1x1x128xi32, #tpu.memory_space<vmem>> -> memref<128xi32, #tpu.memory_space<vmem>>
    %dma_start3A_141 = tpu.memref_slice %arg4[%add3A_135] : memref<16384xi32, #tpu.memory_space<hbm>> -> memref<128xi32, #tpu.memory_space<hbm>>
    %dma_start3A_142 = arith.constant 0 : i32
    %dma_start3A_143 = tpu.memref_slice %arg9[%dma_start3A_136, %dma_start3A_137, %dma_start3A_142] : memref<4x4x128xi32, #tpu.memory_space<vmem>> -> memref<1x1x128xi32, #tpu.memory_space<vmem>>
    %dma_start3A_144 = tpu.memref_squeeze %dma_start3A_143 : memref<1x1x128xi32, #tpu.memory_space<vmem>> -> memref<128xi32, #tpu.memory_space<vmem>>
    %dma_start3A_145 = tpu.memref_slice %arg4[%add3A_135] : memref<16384xi32, #tpu.memory_space<hbm>> -> memref<128xi32, #tpu.memory_space<hbm>>
    tpu.enqueue_dma source(%dma_start3A_145 : memref<128xi32, #tpu.memory_space<hbm>>) target(%dma_start3A_144 : memref<128xi32, #tpu.memory_space<vmem>>) target_semaphore(%arg16 : memref<!tpu.dma_semaphore, #tpu.memory_space<semaphore_mem>>)
    %add3A_146 = arith.constant 0 : i32
    %add3A_147 = arith.addi %mul3A_2, %add3A_146 : i32
    %dma_start3A_148 = arith.constant 3 : i32
    %dma_start3A_149 = arith.constant 0 : i32
    %dma_start3A_150 = arith.constant 0 : i32
    %dma_start3A_151 = tpu.memref_slice %arg9[%dma_start3A_148, %dma_start3A_149, %dma_start3A_150] : memref<4x4x128xi32, #tpu.memory_space<vmem>> -> memref<1x1x128xi32, #tpu.memory_space<vmem>>
    %dma_start3A_152 = tpu.memref_squeeze %dma_start3A_151 : memref<1x1x128xi32, #tpu.memory_space<vmem>> -> memref<128xi32, #tpu.memory_space<vmem>>
    %dma_start3A_153 = tpu.memref_slice %arg5[%add3A_147] : memref<16384xi32, #tpu.memory_space<hbm>> -> memref<128xi32, #tpu.memory_space<hbm>>
    %dma_start3A_154 = arith.constant 0 : i32
    %dma_start3A_155 = tpu.memref_slice %arg9[%dma_start3A_148, %dma_start3A_149, %dma_start3A_154] : memref<4x4x128xi32, #tpu.memory_space<vmem>> -> memref<1x1x128xi32, #tpu.memory_space<vmem>>
    %dma_start3A_156 = tpu.memref_squeeze %dma_start3A_155 : memref<1x1x128xi32, #tpu.memory_space<vmem>> -> memref<128xi32, #tpu.memory_space<vmem>>
    %dma_start3A_157 = tpu.memref_slice %arg5[%add3A_147] : memref<16384xi32, #tpu.memory_space<hbm>> -> memref<128xi32, #tpu.memory_space<hbm>>
    tpu.enqueue_dma source(%dma_start3A_157 : memref<128xi32, #tpu.memory_space<hbm>>) target(%dma_start3A_156 : memref<128xi32, #tpu.memory_space<vmem>>) target_semaphore(%arg16 : memref<!tpu.dma_semaphore, #tpu.memory_space<semaphore_mem>>)
    %add3A_158 = arith.constant 128 : i32
    %add3A_159 = arith.addi %mul3A_2, %add3A_158 : i32
    %dma_start3A_160 = arith.constant 3 : i32
    %dma_start3A_161 = arith.constant 1 : i32
    %dma_start3A_162 = arith.constant 0 : i32
    %dma_start3A_163 = tpu.memref_slice %arg9[%dma_start3A_160, %dma_start3A_161, %dma_start3A_162] : memref<4x4x128xi32, #tpu.memory_space<vmem>> -> memref<1x1x128xi32, #tpu.memory_space<vmem>>
    %dma_start3A_164 = tpu.memref_squeeze %dma_start3A_163 : memref<1x1x128xi32, #tpu.memory_space<vmem>> -> memref<128xi32, #tpu.memory_space<vmem>>
    %dma_start3A_165 = tpu.memref_slice %arg5[%add3A_159] : memref<16384xi32, #tpu.memory_space<hbm>> -> memref<128xi32, #tpu.memory_space<hbm>>
    %dma_start3A_166 = arith.constant 0 : i32
    %dma_start3A_167 = tpu.memref_slice %arg9[%dma_start3A_160, %dma_start3A_161, %dma_start3A_166] : memref<4x4x128xi32, #tpu.memory_space<vmem>> -> memref<1x1x128xi32, #tpu.memory_space<vmem>>
    %dma_start3A_168 = tpu.memref_squeeze %dma_start3A_167 : memref<1x1x128xi32, #tpu.memory_space<vmem>> -> memref<128xi32, #tpu.memory_space<vmem>>
    %dma_start3A_169 = tpu.memref_slice %arg5[%add3A_159] : memref<16384xi32, #tpu.memory_space<hbm>> -> memref<128xi32, #tpu.memory_space<hbm>>
    tpu.enqueue_dma source(%dma_start3A_169 : memref<128xi32, #tpu.memory_space<hbm>>) target(%dma_start3A_168 : memref<128xi32, #tpu.memory_space<vmem>>) target_semaphore(%arg16 : memref<!tpu.dma_semaphore, #tpu.memory_space<semaphore_mem>>)
    %add3A_170 = arith.constant 256 : i32
    %add3A_171 = arith.addi %mul3A_2, %add3A_170 : i32
    %dma_start3A_172 = arith.constant 3 : i32
    %dma_start3A_173 = arith.constant 2 : i32
    %dma_start3A_174 = arith.constant 0 : i32
    %dma_start3A_175 = tpu.memref_slice %arg9[%dma_start3A_172, %dma_start3A_173, %dma_start3A_174] : memref<4x4x128xi32, #tpu.memory_space<vmem>> -> memref<1x1x128xi32, #tpu.memory_space<vmem>>
    %dma_start3A_176 = tpu.memref_squeeze %dma_start3A_175 : memref<1x1x128xi32, #tpu.memory_space<vmem>> -> memref<128xi32, #tpu.memory_space<vmem>>
    %dma_start3A_177 = tpu.memref_slice %arg5[%add3A_171] : memref<16384xi32, #tpu.memory_space<hbm>> -> memref<128xi32, #tpu.memory_space<hbm>>
    %dma_start3A_178 = arith.constant 0 : i32
    %dma_start3A_179 = tpu.memref_slice %arg9[%dma_start3A_172, %dma_start3A_173, %dma_start3A_178] : memref<4x4x128xi32, #tpu.memory_space<vmem>> -> memref<1x1x128xi32, #tpu.memory_space<vmem>>
    %dma_start3A_180 = tpu.memref_squeeze %dma_start3A_179 : memref<1x1x128xi32, #tpu.memory_space<vmem>> -> memref<128xi32, #tpu.memory_space<vmem>>
    %dma_start3A_181 = tpu.memref_slice %arg5[%add3A_171] : memref<16384xi32, #tpu.memory_space<hbm>> -> memref<128xi32, #tpu.memory_space<hbm>>
    tpu.enqueue_dma source(%dma_start3A_181 : memref<128xi32, #tpu.memory_space<hbm>>) target(%dma_start3A_180 : memref<128xi32, #tpu.memory_space<vmem>>) target_semaphore(%arg16 : memref<!tpu.dma_semaphore, #tpu.memory_space<semaphore_mem>>)
    %add3A_182 = arith.constant 384 : i32
    %add3A_183 = arith.addi %mul3A_2, %add3A_182 : i32
    %dma_start3A_184 = arith.constant 3 : i32
    %dma_start3A_185 = arith.constant 3 : i32
    %dma_start3A_186 = arith.constant 0 : i32
    %dma_start3A_187 = tpu.memref_slice %arg9[%dma_start3A_184, %dma_start3A_185, %dma_start3A_186] : memref<4x4x128xi32, #tpu.memory_space<vmem>> -> memref<1x1x128xi32, #tpu.memory_space<vmem>>
    %dma_start3A_188 = tpu.memref_squeeze %dma_start3A_187 : memref<1x1x128xi32, #tpu.memory_space<vmem>> -> memref<128xi32, #tpu.memory_space<vmem>>
    %dma_start3A_189 = tpu.memref_slice %arg5[%add3A_183] : memref<16384xi32, #tpu.memory_space<hbm>> -> memref<128xi32, #tpu.memory_space<hbm>>
    %dma_start3A_190 = arith.constant 0 : i32
    %dma_start3A_191 = tpu.memref_slice %arg9[%dma_start3A_184, %dma_start3A_185, %dma_start3A_190] : memref<4x4x128xi32, #tpu.memory_space<vmem>> -> memref<1x1x128xi32, #tpu.memory_space<vmem>>
    %dma_start3A_192 = tpu.memref_squeeze %dma_start3A_191 : memref<1x1x128xi32, #tpu.memory_space<vmem>> -> memref<128xi32, #tpu.memory_space<vmem>>
    %dma_start3A_193 = tpu.memref_slice %arg5[%add3A_183] : memref<16384xi32, #tpu.memory_space<hbm>> -> memref<128xi32, #tpu.memory_space<hbm>>
    tpu.enqueue_dma source(%dma_start3A_193 : memref<128xi32, #tpu.memory_space<hbm>>) target(%dma_start3A_192 : memref<128xi32, #tpu.memory_space<vmem>>) target_semaphore(%arg16 : memref<!tpu.dma_semaphore, #tpu.memory_space<semaphore_mem>>)
    %dma_wait3A = arith.constant 0 : i32
    %dma_wait3A_194 = arith.constant 0 : i32
    %dma_wait3A_195 = arith.constant 0 : i32
    %dma_wait3A_196 = tpu.memref_slice %arg9[%dma_wait3A, %dma_wait3A_194, %dma_wait3A_195] : memref<4x4x128xi32, #tpu.memory_space<vmem>> -> memref<1x1x128xi32, #tpu.memory_space<vmem>>
    %dma_wait3A_197 = tpu.memref_squeeze %dma_wait3A_196 : memref<1x1x128xi32, #tpu.memory_space<vmem>> -> memref<128xi32, #tpu.memory_space<vmem>>
    %dma_wait3A_198 = tpu.memref_slice %arg2[%add3A_4] : memref<16384xi32, #tpu.memory_space<hbm>> -> memref<128xi32, #tpu.memory_space<hbm>>
    %dma_wait3A_199 = arith.constant 0 : i32
    %dma_wait3A_200 = tpu.memref_slice %arg9[%dma_wait3A, %dma_wait3A_194, %dma_wait3A_199] : memref<4x4x128xi32, #tpu.memory_space<vmem>> -> memref<1x1x128xi32, #tpu.memory_space<vmem>>
    %dma_wait3A_201 = tpu.memref_squeeze %dma_wait3A_200 : memref<1x1x128xi32, #tpu.memory_space<vmem>> -> memref<128xi32, #tpu.memory_space<vmem>>
    %dma_wait3A_202 = tpu.memref_slice %arg2[%add3A_4] : memref<16384xi32, #tpu.memory_space<hbm>> -> memref<128xi32, #tpu.memory_space<hbm>>
    tpu.wait_dma2 semaphore(%arg16 : memref<!tpu.dma_semaphore, #tpu.memory_space<semaphore_mem>>) src(%dma_wait3A_202 : memref<128xi32, #tpu.memory_space<hbm>>) dst(%dma_wait3A_201 : memref<128xi32, #tpu.memory_space<vmem>>)
    %dma_wait3A_203 = arith.constant 0 : i32
    %dma_wait3A_204 = arith.constant 1 : i32
    %dma_wait3A_205 = arith.constant 0 : i32
    %dma_wait3A_206 = tpu.memref_slice %arg9[%dma_wait3A_203, %dma_wait3A_204, %dma_wait3A_205] : memref<4x4x128xi32, #tpu.memory_space<vmem>> -> memref<1x1x128xi32, #tpu.memory_space<vmem>>
    %dma_wait3A_207 = tpu.memref_squeeze %dma_wait3A_206 : memref<1x1x128xi32, #tpu.memory_space<vmem>> -> memref<128xi32, #tpu.memory_space<vmem>>
    %dma_wait3A_208 = tpu.memref_slice %arg2[%add3A_15] : memref<16384xi32, #tpu.memory_space<hbm>> -> memref<128xi32, #tpu.memory_space<hbm>>
    %dma_wait3A_209 = arith.constant 0 : i32
    %dma_wait3A_210 = tpu.memref_slice %arg9[%dma_wait3A_203, %dma_wait3A_204, %dma_wait3A_209] : memref<4x4x128xi32, #tpu.memory_space<vmem>> -> memref<1x1x128xi32, #tpu.memory_space<vmem>>
    %dma_wait3A_211 = tpu.memref_squeeze %dma_wait3A_210 : memref<1x1x128xi32, #tpu.memory_space<vmem>> -> memref<128xi32, #tpu.memory_space<vmem>>
    %dma_wait3A_212 = tpu.memref_slice %arg2[%add3A_15] : memref<16384xi32, #tpu.memory_space<hbm>> -> memref<128xi32, #tpu.memory_space<hbm>>
    tpu.wait_dma2 semaphore(%arg16 : memref<!tpu.dma_semaphore, #tpu.memory_space<semaphore_mem>>) src(%dma_wait3A_212 : memref<128xi32, #tpu.memory_space<hbm>>) dst(%dma_wait3A_211 : memref<128xi32, #tpu.memory_space<vmem>>)
    %dma_wait3A_213 = arith.constant 0 : i32
    %dma_wait3A_214 = arith.constant 2 : i32
    %dma_wait3A_215 = arith.constant 0 : i32
    %dma_wait3A_216 = tpu.memref_slice %arg9[%dma_wait3A_213, %dma_wait3A_214, %dma_wait3A_215] : memref<4x4x128xi32, #tpu.memory_space<vmem>> -> memref<1x1x128xi32, #tpu.memory_space<vmem>>
    %dma_wait3A_217 = tpu.memref_squeeze %dma_wait3A_216 : memref<1x1x128xi32, #tpu.memory_space<vmem>> -> memref<128xi32, #tpu.memory_space<vmem>>
    %dma_wait3A_218 = tpu.memref_slice %arg2[%add3A_27] : memref<16384xi32, #tpu.memory_space<hbm>> -> memref<128xi32, #tpu.memory_space<hbm>>
    %dma_wait3A_219 = arith.constant 0 : i32
    %dma_wait3A_220 = tpu.memref_slice %arg9[%dma_wait3A_213, %dma_wait3A_214, %dma_wait3A_219] : memref<4x4x128xi32, #tpu.memory_space<vmem>> -> memref<1x1x128xi32, #tpu.memory_space<vmem>>
    %dma_wait3A_221 = tpu.memref_squeeze %dma_wait3A_220 : memref<1x1x128xi32, #tpu.memory_space<vmem>> -> memref<128xi32, #tpu.memory_space<vmem>>
    %dma_wait3A_222 = tpu.memref_slice %arg2[%add3A_27] : memref<16384xi32, #tpu.memory_space<hbm>> -> memref<128xi32, #tpu.memory_space<hbm>>
    tpu.wait_dma2 semaphore(%arg16 : memref<!tpu.dma_semaphore, #tpu.memory_space<semaphore_mem>>) src(%dma_wait3A_222 : memref<128xi32, #tpu.memory_space<hbm>>) dst(%dma_wait3A_221 : memref<128xi32, #tpu.memory_space<vmem>>)
    %dma_wait3A_223 = arith.constant 0 : i32
    %dma_wait3A_224 = arith.constant 3 : i32
    %dma_wait3A_225 = arith.constant 0 : i32
    %dma_wait3A_226 = tpu.memref_slice %arg9[%dma_wait3A_223, %dma_wait3A_224, %dma_wait3A_225] : memref<4x4x128xi32, #tpu.memory_space<vmem>> -> memref<1x1x128xi32, #tpu.memory_space<vmem>>
    %dma_wait3A_227 = tpu.memref_squeeze %dma_wait3A_226 : memref<1x1x128xi32, #tpu.memory_space<vmem>> -> memref<128xi32, #tpu.memory_space<vmem>>
    %dma_wait3A_228 = tpu.memref_slice %arg2[%add3A_39] : memref<16384xi32, #tpu.memory_space<hbm>> -> memref<128xi32, #tpu.memory_space<hbm>>
    %dma_wait3A_229 = arith.constant 0 : i32
    %dma_wait3A_230 = tpu.memref_slice %arg9[%dma_wait3A_223, %dma_wait3A_224, %dma_wait3A_229] : memref<4x4x128xi32, #tpu.memory_space<vmem>> -> memref<1x1x128xi32, #tpu.memory_space<vmem>>
    %dma_wait3A_231 = tpu.memref_squeeze %dma_wait3A_230 : memref<1x1x128xi32, #tpu.memory_space<vmem>> -> memref<128xi32, #tpu.memory_space<vmem>>
    %dma_wait3A_232 = tpu.memref_slice %arg2[%add3A_39] : memref<16384xi32, #tpu.memory_space<hbm>> -> memref<128xi32, #tpu.memory_space<hbm>>
    tpu.wait_dma2 semaphore(%arg16 : memref<!tpu.dma_semaphore, #tpu.memory_space<semaphore_mem>>) src(%dma_wait3A_232 : memref<128xi32, #tpu.memory_space<hbm>>) dst(%dma_wait3A_231 : memref<128xi32, #tpu.memory_space<vmem>>)
    %dma_wait3A_233 = arith.constant 1 : i32
    %dma_wait3A_234 = arith.constant 0 : i32
    %dma_wait3A_235 = arith.constant 0 : i32
    %dma_wait3A_236 = tpu.memref_slice %arg9[%dma_wait3A_233, %dma_wait3A_234, %dma_wait3A_235] : memref<4x4x128xi32, #tpu.memory_space<vmem>> -> memref<1x1x128xi32, #tpu.memory_space<vmem>>
    %dma_wait3A_237 = tpu.memref_squeeze %dma_wait3A_236 : memref<1x1x128xi32, #tpu.memory_space<vmem>> -> memref<128xi32, #tpu.memory_space<vmem>>
    %dma_wait3A_238 = tpu.memref_slice %arg3[%add3A_51] : memref<16384xi32, #tpu.memory_space<hbm>> -> memref<128xi32, #tpu.memory_space<hbm>>
    %dma_wait3A_239 = arith.constant 0 : i32
    %dma_wait3A_240 = tpu.memref_slice %arg9[%dma_wait3A_233, %dma_wait3A_234, %dma_wait3A_239] : memref<4x4x128xi32, #tpu.memory_space<vmem>> -> memref<1x1x128xi32, #tpu.memory_space<vmem>>
    %dma_wait3A_241 = tpu.memref_squeeze %dma_wait3A_240 : memref<1x1x128xi32, #tpu.memory_space<vmem>> -> memref<128xi32, #tpu.memory_space<vmem>>
    %dma_wait3A_242 = tpu.memref_slice %arg3[%add3A_51] : memref<16384xi32, #tpu.memory_space<hbm>> -> memref<128xi32, #tpu.memory_space<hbm>>
    tpu.wait_dma2 semaphore(%arg16 : memref<!tpu.dma_semaphore, #tpu.memory_space<semaphore_mem>>) src(%dma_wait3A_242 : memref<128xi32, #tpu.memory_space<hbm>>) dst(%dma_wait3A_241 : memref<128xi32, #tpu.memory_space<vmem>>)
    %dma_wait3A_243 = arith.constant 1 : i32
    %dma_wait3A_244 = arith.constant 1 : i32
    %dma_wait3A_245 = arith.constant 0 : i32
    %dma_wait3A_246 = tpu.memref_slice %arg9[%dma_wait3A_243, %dma_wait3A_244, %dma_wait3A_245] : memref<4x4x128xi32, #tpu.memory_space<vmem>> -> memref<1x1x128xi32, #tpu.memory_space<vmem>>
    %dma_wait3A_247 = tpu.memref_squeeze %dma_wait3A_246 : memref<1x1x128xi32, #tpu.memory_space<vmem>> -> memref<128xi32, #tpu.memory_space<vmem>>
    %dma_wait3A_248 = tpu.memref_slice %arg3[%add3A_63] : memref<16384xi32, #tpu.memory_space<hbm>> -> memref<128xi32, #tpu.memory_space<hbm>>
    %dma_wait3A_249 = arith.constant 0 : i32
    %dma_wait3A_250 = tpu.memref_slice %arg9[%dma_wait3A_243, %dma_wait3A_244, %dma_wait3A_249] : memref<4x4x128xi32, #tpu.memory_space<vmem>> -> memref<1x1x128xi32, #tpu.memory_space<vmem>>
    %dma_wait3A_251 = tpu.memref_squeeze %dma_wait3A_250 : memref<1x1x128xi32, #tpu.memory_space<vmem>> -> memref<128xi32, #tpu.memory_space<vmem>>
    %dma_wait3A_252 = tpu.memref_slice %arg3[%add3A_63] : memref<16384xi32, #tpu.memory_space<hbm>> -> memref<128xi32, #tpu.memory_space<hbm>>
    tpu.wait_dma2 semaphore(%arg16 : memref<!tpu.dma_semaphore, #tpu.memory_space<semaphore_mem>>) src(%dma_wait3A_252 : memref<128xi32, #tpu.memory_space<hbm>>) dst(%dma_wait3A_251 : memref<128xi32, #tpu.memory_space<vmem>>)
    %dma_wait3A_253 = arith.constant 1 : i32
    %dma_wait3A_254 = arith.constant 2 : i32
    %dma_wait3A_255 = arith.constant 0 : i32
    %dma_wait3A_256 = tpu.memref_slice %arg9[%dma_wait3A_253, %dma_wait3A_254, %dma_wait3A_255] : memref<4x4x128xi32, #tpu.memory_space<vmem>> -> memref<1x1x128xi32, #tpu.memory_space<vmem>>
    %dma_wait3A_257 = tpu.memref_squeeze %dma_wait3A_256 : memref<1x1x128xi32, #tpu.memory_space<vmem>> -> memref<128xi32, #tpu.memory_space<vmem>>
    %dma_wait3A_258 = tpu.memref_slice %arg3[%add3A_75] : memref<16384xi32, #tpu.memory_space<hbm>> -> memref<128xi32, #tpu.memory_space<hbm>>
    %dma_wait3A_259 = arith.constant 0 : i32
    %dma_wait3A_260 = tpu.memref_slice %arg9[%dma_wait3A_253, %dma_wait3A_254, %dma_wait3A_259] : memref<4x4x128xi32, #tpu.memory_space<vmem>> -> memref<1x1x128xi32, #tpu.memory_space<vmem>>
    %dma_wait3A_261 = tpu.memref_squeeze %dma_wait3A_260 : memref<1x1x128xi32, #tpu.memory_space<vmem>> -> memref<128xi32, #tpu.memory_space<vmem>>
    %dma_wait3A_262 = tpu.memref_slice %arg3[%add3A_75] : memref<16384xi32, #tpu.memory_space<hbm>> -> memref<128xi32, #tpu.memory_space<hbm>>
    tpu.wait_dma2 semaphore(%arg16 : memref<!tpu.dma_semaphore, #tpu.memory_space<semaphore_mem>>) src(%dma_wait3A_262 : memref<128xi32, #tpu.memory_space<hbm>>) dst(%dma_wait3A_261 : memref<128xi32, #tpu.memory_space<vmem>>)
    %dma_wait3A_263 = arith.constant 1 : i32
    %dma_wait3A_264 = arith.constant 3 : i32
    %dma_wait3A_265 = arith.constant 0 : i32
    %dma_wait3A_266 = tpu.memref_slice %arg9[%dma_wait3A_263, %dma_wait3A_264, %dma_wait3A_265] : memref<4x4x128xi32, #tpu.memory_space<vmem>> -> memref<1x1x128xi32, #tpu.memory_space<vmem>>
    %dma_wait3A_267 = tpu.memref_squeeze %dma_wait3A_266 : memref<1x1x128xi32, #tpu.memory_space<vmem>> -> memref<128xi32, #tpu.memory_space<vmem>>
    %dma_wait3A_268 = tpu.memref_slice %arg3[%add3A_87] : memref<16384xi32, #tpu.memory_space<hbm>> -> memref<128xi32, #tpu.memory_space<hbm>>
    %dma_wait3A_269 = arith.constant 0 : i32
    %dma_wait3A_270 = tpu.memref_slice %arg9[%dma_wait3A_263, %dma_wait3A_264, %dma_wait3A_269] : memref<4x4x128xi32, #tpu.memory_space<vmem>> -> memref<1x1x128xi32, #tpu.memory_space<vmem>>
    %dma_wait3A_271 = tpu.memref_squeeze %dma_wait3A_270 : memref<1x1x128xi32, #tpu.memory_space<vmem>> -> memref<128xi32, #tpu.memory_space<vmem>>
    %dma_wait3A_272 = tpu.memref_slice %arg3[%add3A_87] : memref<16384xi32, #tpu.memory_space<hbm>> -> memref<128xi32, #tpu.memory_space<hbm>>
    tpu.wait_dma2 semaphore(%arg16 : memref<!tpu.dma_semaphore, #tpu.memory_space<semaphore_mem>>) src(%dma_wait3A_272 : memref<128xi32, #tpu.memory_space<hbm>>) dst(%dma_wait3A_271 : memref<128xi32, #tpu.memory_space<vmem>>)
    %dma_wait3A_273 = arith.constant 2 : i32
    %dma_wait3A_274 = arith.constant 0 : i32
    %dma_wait3A_275 = arith.constant 0 : i32
    %dma_wait3A_276 = tpu.memref_slice %arg9[%dma_wait3A_273, %dma_wait3A_274, %dma_wait3A_275] : memref<4x4x128xi32, #tpu.memory_space<vmem>> -> memref<1x1x128xi32, #tpu.memory_space<vmem>>
    %dma_wait3A_277 = tpu.memref_squeeze %dma_wait3A_276 : memref<1x1x128xi32, #tpu.memory_space<vmem>> -> memref<128xi32, #tpu.memory_space<vmem>>
    %dma_wait3A_278 = tpu.memref_slice %arg4[%add3A_99] : memref<16384xi32, #tpu.memory_space<hbm>> -> memref<128xi32, #tpu.memory_space<hbm>>
    %dma_wait3A_279 = arith.constant 0 : i32
    %dma_wait3A_280 = tpu.memref_slice %arg9[%dma_wait3A_273, %dma_wait3A_274, %dma_wait3A_279] : memref<4x4x128xi32, #tpu.memory_space<vmem>> -> memref<1x1x128xi32, #tpu.memory_space<vmem>>
    %dma_wait3A_281 = tpu.memref_squeeze %dma_wait3A_280 : memref<1x1x128xi32, #tpu.memory_space<vmem>> -> memref<128xi32, #tpu.memory_space<vmem>>
    %dma_wait3A_282 = tpu.memref_slice %arg4[%add3A_99] : memref<16384xi32, #tpu.memory_space<hbm>> -> memref<128xi32, #tpu.memory_space<hbm>>
    tpu.wait_dma2 semaphore(%arg16 : memref<!tpu.dma_semaphore, #tpu.memory_space<semaphore_mem>>) src(%dma_wait3A_282 : memref<128xi32, #tpu.memory_space<hbm>>) dst(%dma_wait3A_281 : memref<128xi32, #tpu.memory_space<vmem>>)
    %dma_wait3A_283 = arith.constant 2 : i32
    %dma_wait3A_284 = arith.constant 1 : i32
    %dma_wait3A_285 = arith.constant 0 : i32
    %dma_wait3A_286 = tpu.memref_slice %arg9[%dma_wait3A_283, %dma_wait3A_284, %dma_wait3A_285] : memref<4x4x128xi32, #tpu.memory_space<vmem>> -> memref<1x1x128xi32, #tpu.memory_space<vmem>>
    %dma_wait3A_287 = tpu.memref_squeeze %dma_wait3A_286 : memref<1x1x128xi32, #tpu.memory_space<vmem>> -> memref<128xi32, #tpu.memory_space<vmem>>
    %dma_wait3A_288 = tpu.memref_slice %arg4[%add3A_111] : memref<16384xi32, #tpu.memory_space<hbm>> -> memref<128xi32, #tpu.memory_space<hbm>>
    %dma_wait3A_289 = arith.constant 0 : i32
    %dma_wait3A_290 = tpu.memref_slice %arg9[%dma_wait3A_283, %dma_wait3A_284, %dma_wait3A_289] : memref<4x4x128xi32, #tpu.memory_space<vmem>> -> memref<1x1x128xi32, #tpu.memory_space<vmem>>
    %dma_wait3A_291 = tpu.memref_squeeze %dma_wait3A_290 : memref<1x1x128xi32, #tpu.memory_space<vmem>> -> memref<128xi32, #tpu.memory_space<vmem>>
    %dma_wait3A_292 = tpu.memref_slice %arg4[%add3A_111] : memref<16384xi32, #tpu.memory_space<hbm>> -> memref<128xi32, #tpu.memory_space<hbm>>
    tpu.wait_dma2 semaphore(%arg16 : memref<!tpu.dma_semaphore, #tpu.memory_space<semaphore_mem>>) src(%dma_wait3A_292 : memref<128xi32, #tpu.memory_space<hbm>>) dst(%dma_wait3A_291 : memref<128xi32, #tpu.memory_space<vmem>>)
    %dma_wait3A_293 = arith.constant 2 : i32
    %dma_wait3A_294 = arith.constant 2 : i32
    %dma_wait3A_295 = arith.constant 0 : i32
    %dma_wait3A_296 = tpu.memref_slice %arg9[%dma_wait3A_293, %dma_wait3A_294, %dma_wait3A_295] : memref<4x4x128xi32, #tpu.memory_space<vmem>> -> memref<1x1x128xi32, #tpu.memory_space<vmem>>
    %dma_wait3A_297 = tpu.memref_squeeze %dma_wait3A_296 : memref<1x1x128xi32, #tpu.memory_space<vmem>> -> memref<128xi32, #tpu.memory_space<vmem>>
    %dma_wait3A_298 = tpu.memref_slice %arg4[%add3A_123] : memref<16384xi32, #tpu.memory_space<hbm>> -> memref<128xi32, #tpu.memory_space<hbm>>
    %dma_wait3A_299 = arith.constant 0 : i32
    %dma_wait3A_300 = tpu.memref_slice %arg9[%dma_wait3A_293, %dma_wait3A_294, %dma_wait3A_299] : memref<4x4x128xi32, #tpu.memory_space<vmem>> -> memref<1x1x128xi32, #tpu.memory_space<vmem>>
    %dma_wait3A_301 = tpu.memref_squeeze %dma_wait3A_300 : memref<1x1x128xi32, #tpu.memory_space<vmem>> -> memref<128xi32, #tpu.memory_space<vmem>>
    %dma_wait3A_302 = tpu.memref_slice %arg4[%add3A_123] : memref<16384xi32, #tpu.memory_space<hbm>> -> memref<128xi32, #tpu.memory_space<hbm>>
    tpu.wait_dma2 semaphore(%arg16 : memref<!tpu.dma_semaphore, #tpu.memory_space<semaphore_mem>>) src(%dma_wait3A_302 : memref<128xi32, #tpu.memory_space<hbm>>) dst(%dma_wait3A_301 : memref<128xi32, #tpu.memory_space<vmem>>)
    %dma_wait3A_303 = arith.constant 2 : i32
    %dma_wait3A_304 = arith.constant 3 : i32
    %dma_wait3A_305 = arith.constant 0 : i32
    %dma_wait3A_306 = tpu.memref_slice %arg9[%dma_wait3A_303, %dma_wait3A_304, %dma_wait3A_305] : memref<4x4x128xi32, #tpu.memory_space<vmem>> -> memref<1x1x128xi32, #tpu.memory_space<vmem>>
    %dma_wait3A_307 = tpu.memref_squeeze %dma_wait3A_306 : memref<1x1x128xi32, #tpu.memory_space<vmem>> -> memref<128xi32, #tpu.memory_space<vmem>>
    %dma_wait3A_308 = tpu.memref_slice %arg4[%add3A_135] : memref<16384xi32, #tpu.memory_space<hbm>> -> memref<128xi32, #tpu.memory_space<hbm>>
    %dma_wait3A_309 = arith.constant 0 : i32
    %dma_wait3A_310 = tpu.memref_slice %arg9[%dma_wait3A_303, %dma_wait3A_304, %dma_wait3A_309] : memref<4x4x128xi32, #tpu.memory_space<vmem>> -> memref<1x1x128xi32, #tpu.memory_space<vmem>>
    %dma_wait3A_311 = tpu.memref_squeeze %dma_wait3A_310 : memref<1x1x128xi32, #tpu.memory_space<vmem>> -> memref<128xi32, #tpu.memory_space<vmem>>
    %dma_wait3A_312 = tpu.memref_slice %arg4[%add3A_135] : memref<16384xi32, #tpu.memory_space<hbm>> -> memref<128xi32, #tpu.memory_space<hbm>>
    tpu.wait_dma2 semaphore(%arg16 : memref<!tpu.dma_semaphore, #tpu.memory_space<semaphore_mem>>) src(%dma_wait3A_312 : memref<128xi32, #tpu.memory_space<hbm>>) dst(%dma_wait3A_311 : memref<128xi32, #tpu.memory_space<vmem>>)
    %dma_wait3A_313 = arith.constant 3 : i32
    %dma_wait3A_314 = arith.constant 0 : i32
    %dma_wait3A_315 = arith.constant 0 : i32
    %dma_wait3A_316 = tpu.memref_slice %arg9[%dma_wait3A_313, %dma_wait3A_314, %dma_wait3A_315] : memref<4x4x128xi32, #tpu.memory_space<vmem>> -> memref<1x1x128xi32, #tpu.memory_space<vmem>>
    %dma_wait3A_317 = tpu.memref_squeeze %dma_wait3A_316 : memref<1x1x128xi32, #tpu.memory_space<vmem>> -> memref<128xi32, #tpu.memory_space<vmem>>
    %dma_wait3A_318 = tpu.memref_slice %arg5[%add3A_147] : memref<16384xi32, #tpu.memory_space<hbm>> -> memref<128xi32, #tpu.memory_space<hbm>>
    %dma_wait3A_319 = arith.constant 0 : i32
    %dma_wait3A_320 = tpu.memref_slice %arg9[%dma_wait3A_313, %dma_wait3A_314, %dma_wait3A_319] : memref<4x4x128xi32, #tpu.memory_space<vmem>> -> memref<1x1x128xi32, #tpu.memory_space<vmem>>
    %dma_wait3A_321 = tpu.memref_squeeze %dma_wait3A_320 : memref<1x1x128xi32, #tpu.memory_space<vmem>> -> memref<128xi32, #tpu.memory_space<vmem>>
    %dma_wait3A_322 = tpu.memref_slice %arg5[%add3A_147] : memref<16384xi32, #tpu.memory_space<hbm>> -> memref<128xi32, #tpu.memory_space<hbm>>
    tpu.wait_dma2 semaphore(%arg16 : memref<!tpu.dma_semaphore, #tpu.memory_space<semaphore_mem>>) src(%dma_wait3A_322 : memref<128xi32, #tpu.memory_space<hbm>>) dst(%dma_wait3A_321 : memref<128xi32, #tpu.memory_space<vmem>>)
    %dma_wait3A_323 = arith.constant 3 : i32
    %dma_wait3A_324 = arith.constant 1 : i32
    %dma_wait3A_325 = arith.constant 0 : i32
    %dma_wait3A_326 = tpu.memref_slice %arg9[%dma_wait3A_323, %dma_wait3A_324, %dma_wait3A_325] : memref<4x4x128xi32, #tpu.memory_space<vmem>> -> memref<1x1x128xi32, #tpu.memory_space<vmem>>
    %dma_wait3A_327 = tpu.memref_squeeze %dma_wait3A_326 : memref<1x1x128xi32, #tpu.memory_space<vmem>> -> memref<128xi32, #tpu.memory_space<vmem>>
    %dma_wait3A_328 = tpu.memref_slice %arg5[%add3A_159] : memref<16384xi32, #tpu.memory_space<hbm>> -> memref<128xi32, #tpu.memory_space<hbm>>
    %dma_wait3A_329 = arith.constant 0 : i32
    %dma_wait3A_330 = tpu.memref_slice %arg9[%dma_wait3A_323, %dma_wait3A_324, %dma_wait3A_329] : memref<4x4x128xi32, #tpu.memory_space<vmem>> -> memref<1x1x128xi32, #tpu.memory_space<vmem>>
    %dma_wait3A_331 = tpu.memref_squeeze %dma_wait3A_330 : memref<1x1x128xi32, #tpu.memory_space<vmem>> -> memref<128xi32, #tpu.memory_space<vmem>>
    %dma_wait3A_332 = tpu.memref_slice %arg5[%add3A_159] : memref<16384xi32, #tpu.memory_space<hbm>> -> memref<128xi32, #tpu.memory_space<hbm>>
    tpu.wait_dma2 semaphore(%arg16 : memref<!tpu.dma_semaphore, #tpu.memory_space<semaphore_mem>>) src(%dma_wait3A_332 : memref<128xi32, #tpu.memory_space<hbm>>) dst(%dma_wait3A_331 : memref<128xi32, #tpu.memory_space<vmem>>)
    %dma_wait3A_333 = arith.constant 3 : i32
    %dma_wait3A_334 = arith.constant 2 : i32
    %dma_wait3A_335 = arith.constant 0 : i32
    %dma_wait3A_336 = tpu.memref_slice %arg9[%dma_wait3A_333, %dma_wait3A_334, %dma_wait3A_335] : memref<4x4x128xi32, #tpu.memory_space<vmem>> -> memref<1x1x128xi32, #tpu.memory_space<vmem>>
    %dma_wait3A_337 = tpu.memref_squeeze %dma_wait3A_336 : memref<1x1x128xi32, #tpu.memory_space<vmem>> -> memref<128xi32, #tpu.memory_space<vmem>>
    %dma_wait3A_338 = tpu.memref_slice %arg5[%add3A_171] : memref<16384xi32, #tpu.memory_space<hbm>> -> memref<128xi32, #tpu.memory_space<hbm>>
    %dma_wait3A_339 = arith.constant 0 : i32
    %dma_wait3A_340 = tpu.memref_slice %arg9[%dma_wait3A_333, %dma_wait3A_334, %dma_wait3A_339] : memref<4x4x128xi32, #tpu.memory_space<vmem>> -> memref<1x1x128xi32, #tpu.memory_space<vmem>>
    %dma_wait3A_341 = tpu.memref_squeeze %dma_wait3A_340 : memref<1x1x128xi32, #tpu.memory_space<vmem>> -> memref<128xi32, #tpu.memory_space<vmem>>
    %dma_wait3A_342 = tpu.memref_slice %arg5[%add3A_171] : memref<16384xi32, #tpu.memory_space<hbm>> -> memref<128xi32, #tpu.memory_space<hbm>>
    tpu.wait_dma2 semaphore(%arg16 : memref<!tpu.dma_semaphore, #tpu.memory_space<semaphore_mem>>) src(%dma_wait3A_342 : memref<128xi32, #tpu.memory_space<hbm>>) dst(%dma_wait3A_341 : memref<128xi32, #tpu.memory_space<vmem>>)
    %dma_wait3A_343 = arith.constant 3 : i32
    %dma_wait3A_344 = arith.constant 3 : i32
    %dma_wait3A_345 = arith.constant 0 : i32
    %dma_wait3A_346 = tpu.memref_slice %arg9[%dma_wait3A_343, %dma_wait3A_344, %dma_wait3A_345] : memref<4x4x128xi32, #tpu.memory_space<vmem>> -> memref<1x1x128xi32, #tpu.memory_space<vmem>>
    %dma_wait3A_347 = tpu.memref_squeeze %dma_wait3A_346 : memref<1x1x128xi32, #tpu.memory_space<vmem>> -> memref<128xi32, #tpu.memory_space<vmem>>
    %dma_wait3A_348 = tpu.memref_slice %arg5[%add3A_183] : memref<16384xi32, #tpu.memory_space<hbm>> -> memref<128xi32, #tpu.memory_space<hbm>>
    %dma_wait3A_349 = arith.constant 0 : i32
    %dma_wait3A_350 = tpu.memref_slice %arg9[%dma_wait3A_343, %dma_wait3A_344, %dma_wait3A_349] : memref<4x4x128xi32, #tpu.memory_space<vmem>> -> memref<1x1x128xi32, #tpu.memory_space<vmem>>
    %dma_wait3A_351 = tpu.memref_squeeze %dma_wait3A_350 : memref<1x1x128xi32, #tpu.memory_space<vmem>> -> memref<128xi32, #tpu.memory_space<vmem>>
    %dma_wait3A_352 = tpu.memref_slice %arg5[%add3A_183] : memref<16384xi32, #tpu.memory_space<hbm>> -> memref<128xi32, #tpu.memory_space<hbm>>
    tpu.wait_dma2 semaphore(%arg16 : memref<!tpu.dma_semaphore, #tpu.memory_space<semaphore_mem>>) src(%dma_wait3A_352 : memref<128xi32, #tpu.memory_space<hbm>>) dst(%dma_wait3A_351 : memref<128xi32, #tpu.memory_space<vmem>>)
    %dma_start3A_353 = arith.constant 0 : i32
    %dma_start3A_354 = arith.constant 0 : i32
    %dma_start3A_355 = arith.constant 0 : i32
    %dma_start3A_356 = arith.constant 0 : i32
    %dma_start3A_357 = tpu.memref_slice %arg10[%dma_start3A_355, %dma_start3A_356] : memref<512x32xf32, #tpu.memory_space<vmem>> -> memref<128x32xf32, #tpu.memory_space<vmem>>
    %dma_start3A_358 = arith.constant 0 : i32
    %dma_start3A_359 = tpu.memref_slice %arg9[%dma_start3A_353, %dma_start3A_354, %dma_start3A_358] : memref<4x4x128xi32, #tpu.memory_space<vmem>> -> memref<1x1x128xi32, #tpu.memory_space<vmem>>
    %dma_start3A_360 = tpu.memref_squeeze %dma_start3A_359 : memref<1x1x128xi32, #tpu.memory_space<vmem>> -> memref<128xi32, #tpu.memory_space<vmem>>
    %dma_start3A_361 = arith.constant 0 : i32
    %dma_start3A_362 = arith.constant 0 : i32
    %dma_start3A_363 = tpu.memref_slice %arg6[%dma_start3A_361, %dma_start3A_362] : memref<1000000x32xf32, #tpu.memory_space<hbm>> -> memref<1000000x32xf32, #tpu.memory_space<hbm>>
    tpu.enqueue_indirect_dma source(%dma_start3A_363 : memref<1000000x32xf32, #tpu.memory_space<hbm>>) target(%dma_start3A_357 : memref<128x32xf32, #tpu.memory_space<vmem>>) offsets(%dma_start3A_360 : memref<128xi32, #tpu.memory_space<vmem>>) semaphore(%arg16 : memref<!tpu.dma_semaphore, #tpu.memory_space<semaphore_mem>>)
    %dma_start3A_364 = arith.constant 0 : i32
    %dma_start3A_365 = arith.constant 1 : i32
    %dma_start3A_366 = arith.constant 128 : i32
    %dma_start3A_367 = arith.constant 0 : i32
    %dma_start3A_368 = tpu.memref_slice %arg10[%dma_start3A_366, %dma_start3A_367] : memref<512x32xf32, #tpu.memory_space<vmem>> -> memref<128x32xf32, #tpu.memory_space<vmem>>
    %dma_start3A_369 = arith.constant 0 : i32
    %dma_start3A_370 = tpu.memref_slice %arg9[%dma_start3A_364, %dma_start3A_365, %dma_start3A_369] : memref<4x4x128xi32, #tpu.memory_space<vmem>> -> memref<1x1x128xi32, #tpu.memory_space<vmem>>
    %dma_start3A_371 = tpu.memref_squeeze %dma_start3A_370 : memref<1x1x128xi32, #tpu.memory_space<vmem>> -> memref<128xi32, #tpu.memory_space<vmem>>
    %dma_start3A_372 = arith.constant 0 : i32
    %dma_start3A_373 = arith.constant 0 : i32
    %dma_start3A_374 = tpu.memref_slice %arg6[%dma_start3A_372, %dma_start3A_373] : memref<1000000x32xf32, #tpu.memory_space<hbm>> -> memref<1000000x32xf32, #tpu.memory_space<hbm>>
    tpu.enqueue_indirect_dma source(%dma_start3A_374 : memref<1000000x32xf32, #tpu.memory_space<hbm>>) target(%dma_start3A_368 : memref<128x32xf32, #tpu.memory_space<vmem>>) offsets(%dma_start3A_371 : memref<128xi32, #tpu.memory_space<vmem>>) semaphore(%arg16 : memref<!tpu.dma_semaphore, #tpu.memory_space<semaphore_mem>>)
    %dma_start3A_375 = arith.constant 0 : i32
    %dma_start3A_376 = arith.constant 2 : i32
    %dma_start3A_377 = arith.constant 256 : i32
    %dma_start3A_378 = arith.constant 0 : i32
    %dma_start3A_379 = tpu.memref_slice %arg10[%dma_start3A_377, %dma_start3A_378] : memref<512x32xf32, #tpu.memory_space<vmem>> -> memref<128x32xf32, #tpu.memory_space<vmem>>
    %dma_start3A_380 = arith.constant 0 : i32
    %dma_start3A_381 = tpu.memref_slice %arg9[%dma_start3A_375, %dma_start3A_376, %dma_start3A_380] : memref<4x4x128xi32, #tpu.memory_space<vmem>> -> memref<1x1x128xi32, #tpu.memory_space<vmem>>
    %dma_start3A_382 = tpu.memref_squeeze %dma_start3A_381 : memref<1x1x128xi32, #tpu.memory_space<vmem>> -> memref<128xi32, #tpu.memory_space<vmem>>
    %dma_start3A_383 = arith.constant 0 : i32
    %dma_start3A_384 = arith.constant 0 : i32
    %dma_start3A_385 = tpu.memref_slice %arg6[%dma_start3A_383, %dma_start3A_384] : memref<1000000x32xf32, #tpu.memory_space<hbm>> -> memref<1000000x32xf32, #tpu.memory_space<hbm>>
    tpu.enqueue_indirect_dma source(%dma_start3A_385 : memref<1000000x32xf32, #tpu.memory_space<hbm>>) target(%dma_start3A_379 : memref<128x32xf32, #tpu.memory_space<vmem>>) offsets(%dma_start3A_382 : memref<128xi32, #tpu.memory_space<vmem>>) semaphore(%arg16 : memref<!tpu.dma_semaphore, #tpu.memory_space<semaphore_mem>>)
    %dma_start3A_386 = arith.constant 0 : i32
    %dma_start3A_387 = arith.constant 3 : i32
    %dma_start3A_388 = arith.constant 384 : i32
    %dma_start3A_389 = arith.constant 0 : i32
    %dma_start3A_390 = tpu.memref_slice %arg10[%dma_start3A_388, %dma_start3A_389] : memref<512x32xf32, #tpu.memory_space<vmem>> -> memref<128x32xf32, #tpu.memory_space<vmem>>
    %dma_start3A_391 = arith.constant 0 : i32
    %dma_start3A_392 = tpu.memref_slice %arg9[%dma_start3A_386, %dma_start3A_387, %dma_start3A_391] : memref<4x4x128xi32, #tpu.memory_space<vmem>> -> memref<1x1x128xi32, #tpu.memory_space<vmem>>
    %dma_start3A_393 = tpu.memref_squeeze %dma_start3A_392 : memref<1x1x128xi32, #tpu.memory_space<vmem>> -> memref<128xi32, #tpu.memory_space<vmem>>
    %dma_start3A_394 = arith.constant 0 : i32
    %dma_start3A_395 = arith.constant 0 : i32
    %dma_start3A_396 = tpu.memref_slice %arg6[%dma_start3A_394, %dma_start3A_395] : memref<1000000x32xf32, #tpu.memory_space<hbm>> -> memref<1000000x32xf32, #tpu.memory_space<hbm>>
    tpu.enqueue_indirect_dma source(%dma_start3A_396 : memref<1000000x32xf32, #tpu.memory_space<hbm>>) target(%dma_start3A_390 : memref<128x32xf32, #tpu.memory_space<vmem>>) offsets(%dma_start3A_393 : memref<128xi32, #tpu.memory_space<vmem>>) semaphore(%arg16 : memref<!tpu.dma_semaphore, #tpu.memory_space<semaphore_mem>>)
    %dma_start3A_397 = arith.constant 1 : i32
    %dma_start3A_398 = arith.constant 0 : i32
    %dma_start3A_399 = arith.constant 0 : i32
    %dma_start3A_400 = arith.constant 0 : i32
    %dma_start3A_401 = tpu.memref_slice %arg11[%dma_start3A_399, %dma_start3A_400] : memref<512x32xf32, #tpu.memory_space<vmem>> -> memref<128x32xf32, #tpu.memory_space<vmem>>
    %dma_start3A_402 = arith.constant 0 : i32
    %dma_start3A_403 = tpu.memref_slice %arg9[%dma_start3A_397, %dma_start3A_398, %dma_start3A_402] : memref<4x4x128xi32, #tpu.memory_space<vmem>> -> memref<1x1x128xi32, #tpu.memory_space<vmem>>
    %dma_start3A_404 = tpu.memref_squeeze %dma_start3A_403 : memref<1x1x128xi32, #tpu.memory_space<vmem>> -> memref<128xi32, #tpu.memory_space<vmem>>
    %dma_start3A_405 = arith.constant 0 : i32
    %dma_start3A_406 = arith.constant 0 : i32
    %dma_start3A_407 = tpu.memref_slice %arg6[%dma_start3A_405, %dma_start3A_406] : memref<1000000x32xf32, #tpu.memory_space<hbm>> -> memref<1000000x32xf32, #tpu.memory_space<hbm>>
    tpu.enqueue_indirect_dma source(%dma_start3A_407 : memref<1000000x32xf32, #tpu.memory_space<hbm>>) target(%dma_start3A_401 : memref<128x32xf32, #tpu.memory_space<vmem>>) offsets(%dma_start3A_404 : memref<128xi32, #tpu.memory_space<vmem>>) semaphore(%arg16 : memref<!tpu.dma_semaphore, #tpu.memory_space<semaphore_mem>>)
    %dma_start3A_408 = arith.constant 1 : i32
    %dma_start3A_409 = arith.constant 1 : i32
    %dma_start3A_410 = arith.constant 128 : i32
    %dma_start3A_411 = arith.constant 0 : i32
    %dma_start3A_412 = tpu.memref_slice %arg11[%dma_start3A_410, %dma_start3A_411] : memref<512x32xf32, #tpu.memory_space<vmem>> -> memref<128x32xf32, #tpu.memory_space<vmem>>
    %dma_start3A_413 = arith.constant 0 : i32
    %dma_start3A_414 = tpu.memref_slice %arg9[%dma_start3A_408, %dma_start3A_409, %dma_start3A_413] : memref<4x4x128xi32, #tpu.memory_space<vmem>> -> memref<1x1x128xi32, #tpu.memory_space<vmem>>
    %dma_start3A_415 = tpu.memref_squeeze %dma_start3A_414 : memref<1x1x128xi32, #tpu.memory_space<vmem>> -> memref<128xi32, #tpu.memory_space<vmem>>
    %dma_start3A_416 = arith.constant 0 : i32
    %dma_start3A_417 = arith.constant 0 : i32
    %dma_start3A_418 = tpu.memref_slice %arg6[%dma_start3A_416, %dma_start3A_417] : memref<1000000x32xf32, #tpu.memory_space<hbm>> -> memref<1000000x32xf32, #tpu.memory_space<hbm>>
    tpu.enqueue_indirect_dma source(%dma_start3A_418 : memref<1000000x32xf32, #tpu.memory_space<hbm>>) target(%dma_start3A_412 : memref<128x32xf32, #tpu.memory_space<vmem>>) offsets(%dma_start3A_415 : memref<128xi32, #tpu.memory_space<vmem>>) semaphore(%arg16 : memref<!tpu.dma_semaphore, #tpu.memory_space<semaphore_mem>>)
    %dma_start3A_419 = arith.constant 1 : i32
    %dma_start3A_420 = arith.constant 2 : i32
    %dma_start3A_421 = arith.constant 256 : i32
    %dma_start3A_422 = arith.constant 0 : i32
    %dma_start3A_423 = tpu.memref_slice %arg11[%dma_start3A_421, %dma_start3A_422] : memref<512x32xf32, #tpu.memory_space<vmem>> -> memref<128x32xf32, #tpu.memory_space<vmem>>
    %dma_start3A_424 = arith.constant 0 : i32
    %dma_start3A_425 = tpu.memref_slice %arg9[%dma_start3A_419, %dma_start3A_420, %dma_start3A_424] : memref<4x4x128xi32, #tpu.memory_space<vmem>> -> memref<1x1x128xi32, #tpu.memory_space<vmem>>
    %dma_start3A_426 = tpu.memref_squeeze %dma_start3A_425 : memref<1x1x128xi32, #tpu.memory_space<vmem>> -> memref<128xi32, #tpu.memory_space<vmem>>
    %dma_start3A_427 = arith.constant 0 : i32
    %dma_start3A_428 = arith.constant 0 : i32
    %dma_start3A_429 = tpu.memref_slice %arg6[%dma_start3A_427, %dma_start3A_428] : memref<1000000x32xf32, #tpu.memory_space<hbm>> -> memref<1000000x32xf32, #tpu.memory_space<hbm>>
    tpu.enqueue_indirect_dma source(%dma_start3A_429 : memref<1000000x32xf32, #tpu.memory_space<hbm>>) target(%dma_start3A_423 : memref<128x32xf32, #tpu.memory_space<vmem>>) offsets(%dma_start3A_426 : memref<128xi32, #tpu.memory_space<vmem>>) semaphore(%arg16 : memref<!tpu.dma_semaphore, #tpu.memory_space<semaphore_mem>>)
    %dma_start3A_430 = arith.constant 1 : i32
    %dma_start3A_431 = arith.constant 3 : i32
    %dma_start3A_432 = arith.constant 384 : i32
    %dma_start3A_433 = arith.constant 0 : i32
    %dma_start3A_434 = tpu.memref_slice %arg11[%dma_start3A_432, %dma_start3A_433] : memref<512x32xf32, #tpu.memory_space<vmem>> -> memref<128x32xf32, #tpu.memory_space<vmem>>
    %dma_start3A_435 = arith.constant 0 : i32
    %dma_start3A_436 = tpu.memref_slice %arg9[%dma_start3A_430, %dma_start3A_431, %dma_start3A_435] : memref<4x4x128xi32, #tpu.memory_space<vmem>> -> memref<1x1x128xi32, #tpu.memory_space<vmem>>
    %dma_start3A_437 = tpu.memref_squeeze %dma_start3A_436 : memref<1x1x128xi32, #tpu.memory_space<vmem>> -> memref<128xi32, #tpu.memory_space<vmem>>
    %dma_start3A_438 = arith.constant 0 : i32
    %dma_start3A_439 = arith.constant 0 : i32
    %dma_start3A_440 = tpu.memref_slice %arg6[%dma_start3A_438, %dma_start3A_439] : memref<1000000x32xf32, #tpu.memory_space<hbm>> -> memref<1000000x32xf32, #tpu.memory_space<hbm>>
    tpu.enqueue_indirect_dma source(%dma_start3A_440 : memref<1000000x32xf32, #tpu.memory_space<hbm>>) target(%dma_start3A_434 : memref<128x32xf32, #tpu.memory_space<vmem>>) offsets(%dma_start3A_437 : memref<128xi32, #tpu.memory_space<vmem>>) semaphore(%arg16 : memref<!tpu.dma_semaphore, #tpu.memory_space<semaphore_mem>>)
    %dma_start3A_441 = arith.constant 2 : i32
    %dma_start3A_442 = arith.constant 0 : i32
    %dma_start3A_443 = arith.constant 0 : i32
    %dma_start3A_444 = arith.constant 0 : i32
    %dma_start3A_445 = tpu.memref_slice %arg12[%dma_start3A_443, %dma_start3A_444] : memref<512x32xf32, #tpu.memory_space<vmem>> -> memref<128x32xf32, #tpu.memory_space<vmem>>
    %dma_start3A_446 = arith.constant 0 : i32
    %dma_start3A_447 = tpu.memref_slice %arg9[%dma_start3A_441, %dma_start3A_442, %dma_start3A_446] : memref<4x4x128xi32, #tpu.memory_space<vmem>> -> memref<1x1x128xi32, #tpu.memory_space<vmem>>
    %dma_start3A_448 = tpu.memref_squeeze %dma_start3A_447 : memref<1x1x128xi32, #tpu.memory_space<vmem>> -> memref<128xi32, #tpu.memory_space<vmem>>
    %dma_start3A_449 = arith.constant 0 : i32
    %dma_start3A_450 = arith.constant 0 : i32
    %dma_start3A_451 = tpu.memref_slice %arg6[%dma_start3A_449, %dma_start3A_450] : memref<1000000x32xf32, #tpu.memory_space<hbm>> -> memref<1000000x32xf32, #tpu.memory_space<hbm>>
    tpu.enqueue_indirect_dma source(%dma_start3A_451 : memref<1000000x32xf32, #tpu.memory_space<hbm>>) target(%dma_start3A_445 : memref<128x32xf32, #tpu.memory_space<vmem>>) offsets(%dma_start3A_448 : memref<128xi32, #tpu.memory_space<vmem>>) semaphore(%arg16 : memref<!tpu.dma_semaphore, #tpu.memory_space<semaphore_mem>>)
    %dma_start3A_452 = arith.constant 2 : i32
    %dma_start3A_453 = arith.constant 1 : i32
    %dma_start3A_454 = arith.constant 128 : i32
    %dma_start3A_455 = arith.constant 0 : i32
    %dma_start3A_456 = tpu.memref_slice %arg12[%dma_start3A_454, %dma_start3A_455] : memref<512x32xf32, #tpu.memory_space<vmem>> -> memref<128x32xf32, #tpu.memory_space<vmem>>
    %dma_start3A_457 = arith.constant 0 : i32
    %dma_start3A_458 = tpu.memref_slice %arg9[%dma_start3A_452, %dma_start3A_453, %dma_start3A_457] : memref<4x4x128xi32, #tpu.memory_space<vmem>> -> memref<1x1x128xi32, #tpu.memory_space<vmem>>
    %dma_start3A_459 = tpu.memref_squeeze %dma_start3A_458 : memref<1x1x128xi32, #tpu.memory_space<vmem>> -> memref<128xi32, #tpu.memory_space<vmem>>
    %dma_start3A_460 = arith.constant 0 : i32
    %dma_start3A_461 = arith.constant 0 : i32
    %dma_start3A_462 = tpu.memref_slice %arg6[%dma_start3A_460, %dma_start3A_461] : memref<1000000x32xf32, #tpu.memory_space<hbm>> -> memref<1000000x32xf32, #tpu.memory_space<hbm>>
    tpu.enqueue_indirect_dma source(%dma_start3A_462 : memref<1000000x32xf32, #tpu.memory_space<hbm>>) target(%dma_start3A_456 : memref<128x32xf32, #tpu.memory_space<vmem>>) offsets(%dma_start3A_459 : memref<128xi32, #tpu.memory_space<vmem>>) semaphore(%arg16 : memref<!tpu.dma_semaphore, #tpu.memory_space<semaphore_mem>>)
    %dma_start3A_463 = arith.constant 2 : i32
    %dma_start3A_464 = arith.constant 2 : i32
    %dma_start3A_465 = arith.constant 256 : i32
    %dma_start3A_466 = arith.constant 0 : i32
    %dma_start3A_467 = tpu.memref_slice %arg12[%dma_start3A_465, %dma_start3A_466] : memref<512x32xf32, #tpu.memory_space<vmem>> -> memref<128x32xf32, #tpu.memory_space<vmem>>
    %dma_start3A_468 = arith.constant 0 : i32
    %dma_start3A_469 = tpu.memref_slice %arg9[%dma_start3A_463, %dma_start3A_464, %dma_start3A_468] : memref<4x4x128xi32, #tpu.memory_space<vmem>> -> memref<1x1x128xi32, #tpu.memory_space<vmem>>
    %dma_start3A_470 = tpu.memref_squeeze %dma_start3A_469 : memref<1x1x128xi32, #tpu.memory_space<vmem>> -> memref<128xi32, #tpu.memory_space<vmem>>
    %dma_start3A_471 = arith.constant 0 : i32
    %dma_start3A_472 = arith.constant 0 : i32
    %dma_start3A_473 = tpu.memref_slice %arg6[%dma_start3A_471, %dma_start3A_472] : memref<1000000x32xf32, #tpu.memory_space<hbm>> -> memref<1000000x32xf32, #tpu.memory_space<hbm>>
    tpu.enqueue_indirect_dma source(%dma_start3A_473 : memref<1000000x32xf32, #tpu.memory_space<hbm>>) target(%dma_start3A_467 : memref<128x32xf32, #tpu.memory_space<vmem>>) offsets(%dma_start3A_470 : memref<128xi32, #tpu.memory_space<vmem>>) semaphore(%arg16 : memref<!tpu.dma_semaphore, #tpu.memory_space<semaphore_mem>>)
    %dma_start3A_474 = arith.constant 2 : i32
    %dma_start3A_475 = arith.constant 3 : i32
    %dma_start3A_476 = arith.constant 384 : i32
    %dma_start3A_477 = arith.constant 0 : i32
    %dma_start3A_478 = tpu.memref_slice %arg12[%dma_start3A_476, %dma_start3A_477] : memref<512x32xf32, #tpu.memory_space<vmem>> -> memref<128x32xf32, #tpu.memory_space<vmem>>
    %dma_start3A_479 = arith.constant 0 : i32
    %dma_start3A_480 = tpu.memref_slice %arg9[%dma_start3A_474, %dma_start3A_475, %dma_start3A_479] : memref<4x4x128xi32, #tpu.memory_space<vmem>> -> memref<1x1x128xi32, #tpu.memory_space<vmem>>
    %dma_start3A_481 = tpu.memref_squeeze %dma_start3A_480 : memref<1x1x128xi32, #tpu.memory_space<vmem>> -> memref<128xi32, #tpu.memory_space<vmem>>
    %dma_start3A_482 = arith.constant 0 : i32
    %dma_start3A_483 = arith.constant 0 : i32
    %dma_start3A_484 = tpu.memref_slice %arg6[%dma_start3A_482, %dma_start3A_483] : memref<1000000x32xf32, #tpu.memory_space<hbm>> -> memref<1000000x32xf32, #tpu.memory_space<hbm>>
    tpu.enqueue_indirect_dma source(%dma_start3A_484 : memref<1000000x32xf32, #tpu.memory_space<hbm>>) target(%dma_start3A_478 : memref<128x32xf32, #tpu.memory_space<vmem>>) offsets(%dma_start3A_481 : memref<128xi32, #tpu.memory_space<vmem>>) semaphore(%arg16 : memref<!tpu.dma_semaphore, #tpu.memory_space<semaphore_mem>>)
    %dma_start3A_485 = arith.constant 3 : i32
    %dma_start3A_486 = arith.constant 0 : i32
    %dma_start3A_487 = arith.constant 0 : i32
    %dma_start3A_488 = arith.constant 0 : i32
    %dma_start3A_489 = tpu.memref_slice %arg13[%dma_start3A_487, %dma_start3A_488] : memref<512x32xf32, #tpu.memory_space<vmem>> -> memref<128x32xf32, #tpu.memory_space<vmem>>
    %dma_start3A_490 = arith.constant 0 : i32
    %dma_start3A_491 = tpu.memref_slice %arg9[%dma_start3A_485, %dma_start3A_486, %dma_start3A_490] : memref<4x4x128xi32, #tpu.memory_space<vmem>> -> memref<1x1x128xi32, #tpu.memory_space<vmem>>
    %dma_start3A_492 = tpu.memref_squeeze %dma_start3A_491 : memref<1x1x128xi32, #tpu.memory_space<vmem>> -> memref<128xi32, #tpu.memory_space<vmem>>
    %dma_start3A_493 = arith.constant 0 : i32
    %dma_start3A_494 = arith.constant 0 : i32
    %dma_start3A_495 = tpu.memref_slice %arg6[%dma_start3A_493, %dma_start3A_494] : memref<1000000x32xf32, #tpu.memory_space<hbm>> -> memref<1000000x32xf32, #tpu.memory_space<hbm>>
    tpu.enqueue_indirect_dma source(%dma_start3A_495 : memref<1000000x32xf32, #tpu.memory_space<hbm>>) target(%dma_start3A_489 : memref<128x32xf32, #tpu.memory_space<vmem>>) offsets(%dma_start3A_492 : memref<128xi32, #tpu.memory_space<vmem>>) semaphore(%arg16 : memref<!tpu.dma_semaphore, #tpu.memory_space<semaphore_mem>>)
    %dma_start3A_496 = arith.constant 3 : i32
    %dma_start3A_497 = arith.constant 1 : i32
    %dma_start3A_498 = arith.constant 128 : i32
    %dma_start3A_499 = arith.constant 0 : i32
    %dma_start3A_500 = tpu.memref_slice %arg13[%dma_start3A_498, %dma_start3A_499] : memref<512x32xf32, #tpu.memory_space<vmem>> -> memref<128x32xf32, #tpu.memory_space<vmem>>
    %dma_start3A_501 = arith.constant 0 : i32
    %dma_start3A_502 = tpu.memref_slice %arg9[%dma_start3A_496, %dma_start3A_497, %dma_start3A_501] : memref<4x4x128xi32, #tpu.memory_space<vmem>> -> memref<1x1x128xi32, #tpu.memory_space<vmem>>
    %dma_start3A_503 = tpu.memref_squeeze %dma_start3A_502 : memref<1x1x128xi32, #tpu.memory_space<vmem>> -> memref<128xi32, #tpu.memory_space<vmem>>
    %dma_start3A_504 = arith.constant 0 : i32
    %dma_start3A_505 = arith.constant 0 : i32
    %dma_start3A_506 = tpu.memref_slice %arg6[%dma_start3A_504, %dma_start3A_505] : memref<1000000x32xf32, #tpu.memory_space<hbm>> -> memref<1000000x32xf32, #tpu.memory_space<hbm>>
    tpu.enqueue_indirect_dma source(%dma_start3A_506 : memref<1000000x32xf32, #tpu.memory_space<hbm>>) target(%dma_start3A_500 : memref<128x32xf32, #tpu.memory_space<vmem>>) offsets(%dma_start3A_503 : memref<128xi32, #tpu.memory_space<vmem>>) semaphore(%arg16 : memref<!tpu.dma_semaphore, #tpu.memory_space<semaphore_mem>>)
    %dma_start3A_507 = arith.constant 3 : i32
    %dma_start3A_508 = arith.constant 2 : i32
    %dma_start3A_509 = arith.constant 256 : i32
    %dma_start3A_510 = arith.constant 0 : i32
    %dma_start3A_511 = tpu.memref_slice %arg13[%dma_start3A_509, %dma_start3A_510] : memref<512x32xf32, #tpu.memory_space<vmem>> -> memref<128x32xf32, #tpu.memory_space<vmem>>
    %dma_start3A_512 = arith.constant 0 : i32
    %dma_start3A_513 = tpu.memref_slice %arg9[%dma_start3A_507, %dma_start3A_508, %dma_start3A_512] : memref<4x4x128xi32, #tpu.memory_space<vmem>> -> memref<1x1x128xi32, #tpu.memory_space<vmem>>
    %dma_start3A_514 = tpu.memref_squeeze %dma_start3A_513 : memref<1x1x128xi32, #tpu.memory_space<vmem>> -> memref<128xi32, #tpu.memory_space<vmem>>
    %dma_start3A_515 = arith.constant 0 : i32
    %dma_start3A_516 = arith.constant 0 : i32
    %dma_start3A_517 = tpu.memref_slice %arg6[%dma_start3A_515, %dma_start3A_516] : memref<1000000x32xf32, #tpu.memory_space<hbm>> -> memref<1000000x32xf32, #tpu.memory_space<hbm>>
    tpu.enqueue_indirect_dma source(%dma_start3A_517 : memref<1000000x32xf32, #tpu.memory_space<hbm>>) target(%dma_start3A_511 : memref<128x32xf32, #tpu.memory_space<vmem>>) offsets(%dma_start3A_514 : memref<128xi32, #tpu.memory_space<vmem>>) semaphore(%arg16 : memref<!tpu.dma_semaphore, #tpu.memory_space<semaphore_mem>>)
    %dma_start3A_518 = arith.constant 3 : i32
    %dma_start3A_519 = arith.constant 3 : i32
    %dma_start3A_520 = arith.constant 384 : i32
    %dma_start3A_521 = arith.constant 0 : i32
    %dma_start3A_522 = tpu.memref_slice %arg13[%dma_start3A_520, %dma_start3A_521] : memref<512x32xf32, #tpu.memory_space<vmem>> -> memref<128x32xf32, #tpu.memory_space<vmem>>
    %dma_start3A_523 = arith.constant 0 : i32
    %dma_start3A_524 = tpu.memref_slice %arg9[%dma_start3A_518, %dma_start3A_519, %dma_start3A_523] : memref<4x4x128xi32, #tpu.memory_space<vmem>> -> memref<1x1x128xi32, #tpu.memory_space<vmem>>
    %dma_start3A_525 = tpu.memref_squeeze %dma_start3A_524 : memref<1x1x128xi32, #tpu.memory_space<vmem>> -> memref<128xi32, #tpu.memory_space<vmem>>
    %dma_start3A_526 = arith.constant 0 : i32
    %dma_start3A_527 = arith.constant 0 : i32
    %dma_start3A_528 = tpu.memref_slice %arg6[%dma_start3A_526, %dma_start3A_527] : memref<1000000x32xf32, #tpu.memory_space<hbm>> -> memref<1000000x32xf32, #tpu.memory_space<hbm>>
    tpu.enqueue_indirect_dma source(%dma_start3A_528 : memref<1000000x32xf32, #tpu.memory_space<hbm>>) target(%dma_start3A_522 : memref<128x32xf32, #tpu.memory_space<vmem>>) offsets(%dma_start3A_525 : memref<128xi32, #tpu.memory_space<vmem>>) semaphore(%arg16 : memref<!tpu.dma_semaphore, #tpu.memory_space<semaphore_mem>>)
    %dma_wait3A_529 = arith.constant 0 : i32
    %dma_wait3A_530 = arith.constant 0 : i32
    %dma_wait3A_531 = arith.constant 0 : i32
    %dma_wait3A_532 = arith.constant 0 : i32
    %dma_wait3A_533 = tpu.memref_slice %arg10[%dma_wait3A_531, %dma_wait3A_532] : memref<512x32xf32, #tpu.memory_space<vmem>> -> memref<128x32xf32, #tpu.memory_space<vmem>>
    %dma_wait3A_534 = arith.constant 0 : i32
    %dma_wait3A_535 = tpu.memref_slice %arg9[%dma_wait3A_529, %dma_wait3A_530, %dma_wait3A_534] : memref<4x4x128xi32, #tpu.memory_space<vmem>> -> memref<1x1x128xi32, #tpu.memory_space<vmem>>
    %dma_wait3A_536 = tpu.memref_squeeze %dma_wait3A_535 : memref<1x1x128xi32, #tpu.memory_space<vmem>> -> memref<128xi32, #tpu.memory_space<vmem>>
    %dma_wait3A_537 = arith.constant 0 : i32
    %dma_wait3A_538 = arith.constant 0 : i32
    %dma_wait3A_539 = tpu.memref_slice %arg6[%dma_wait3A_537, %dma_wait3A_538] : memref<1000000x32xf32, #tpu.memory_space<hbm>> -> memref<1000000x32xf32, #tpu.memory_space<hbm>>
    tpu.wait_indirect_dma semaphore(%arg16 : memref<!tpu.dma_semaphore, #tpu.memory_space<semaphore_mem>>) src(%dma_wait3A_539 : memref<1000000x32xf32, #tpu.memory_space<hbm>>) dst(%dma_wait3A_533 : memref<128x32xf32, #tpu.memory_space<vmem>>)
    %dma_wait3A_540 = arith.constant 0 : i32
    %dma_wait3A_541 = arith.constant 1 : i32
    %dma_wait3A_542 = arith.constant 128 : i32
    %dma_wait3A_543 = arith.constant 0 : i32
    %dma_wait3A_544 = tpu.memref_slice %arg10[%dma_wait3A_542, %dma_wait3A_543] : memref<512x32xf32, #tpu.memory_space<vmem>> -> memref<128x32xf32, #tpu.memory_space<vmem>>
    %dma_wait3A_545 = arith.constant 0 : i32
    %dma_wait3A_546 = tpu.memref_slice %arg9[%dma_wait3A_540, %dma_wait3A_541, %dma_wait3A_545] : memref<4x4x128xi32, #tpu.memory_space<vmem>> -> memref<1x1x128xi32, #tpu.memory_space<vmem>>
    %dma_wait3A_547 = tpu.memref_squeeze %dma_wait3A_546 : memref<1x1x128xi32, #tpu.memory_space<vmem>> -> memref<128xi32, #tpu.memory_space<vmem>>
    %dma_wait3A_548 = arith.constant 0 : i32
    %dma_wait3A_549 = arith.constant 0 : i32
    %dma_wait3A_550 = tpu.memref_slice %arg6[%dma_wait3A_548, %dma_wait3A_549] : memref<1000000x32xf32, #tpu.memory_space<hbm>> -> memref<1000000x32xf32, #tpu.memory_space<hbm>>
    tpu.wait_indirect_dma semaphore(%arg16 : memref<!tpu.dma_semaphore, #tpu.memory_space<semaphore_mem>>) src(%dma_wait3A_550 : memref<1000000x32xf32, #tpu.memory_space<hbm>>) dst(%dma_wait3A_544 : memref<128x32xf32, #tpu.memory_space<vmem>>)
    %dma_wait3A_551 = arith.constant 0 : i32
    %dma_wait3A_552 = arith.constant 2 : i32
    %dma_wait3A_553 = arith.constant 256 : i32
    %dma_wait3A_554 = arith.constant 0 : i32
    %dma_wait3A_555 = tpu.memref_slice %arg10[%dma_wait3A_553, %dma_wait3A_554] : memref<512x32xf32, #tpu.memory_space<vmem>> -> memref<128x32xf32, #tpu.memory_space<vmem>>
    %dma_wait3A_556 = arith.constant 0 : i32
    %dma_wait3A_557 = tpu.memref_slice %arg9[%dma_wait3A_551, %dma_wait3A_552, %dma_wait3A_556] : memref<4x4x128xi32, #tpu.memory_space<vmem>> -> memref<1x1x128xi32, #tpu.memory_space<vmem>>
    %dma_wait3A_558 = tpu.memref_squeeze %dma_wait3A_557 : memref<1x1x128xi32, #tpu.memory_space<vmem>> -> memref<128xi32, #tpu.memory_space<vmem>>
    %dma_wait3A_559 = arith.constant 0 : i32
    %dma_wait3A_560 = arith.constant 0 : i32
    %dma_wait3A_561 = tpu.memref_slice %arg6[%dma_wait3A_559, %dma_wait3A_560] : memref<1000000x32xf32, #tpu.memory_space<hbm>> -> memref<1000000x32xf32, #tpu.memory_space<hbm>>
    tpu.wait_indirect_dma semaphore(%arg16 : memref<!tpu.dma_semaphore, #tpu.memory_space<semaphore_mem>>) src(%dma_wait3A_561 : memref<1000000x32xf32, #tpu.memory_space<hbm>>) dst(%dma_wait3A_555 : memref<128x32xf32, #tpu.memory_space<vmem>>)
    %dma_wait3A_562 = arith.constant 0 : i32
    %dma_wait3A_563 = arith.constant 3 : i32
    %dma_wait3A_564 = arith.constant 384 : i32
    %dma_wait3A_565 = arith.constant 0 : i32
    %dma_wait3A_566 = tpu.memref_slice %arg10[%dma_wait3A_564, %dma_wait3A_565] : memref<512x32xf32, #tpu.memory_space<vmem>> -> memref<128x32xf32, #tpu.memory_space<vmem>>
    %dma_wait3A_567 = arith.constant 0 : i32
    %dma_wait3A_568 = tpu.memref_slice %arg9[%dma_wait3A_562, %dma_wait3A_563, %dma_wait3A_567] : memref<4x4x128xi32, #tpu.memory_space<vmem>> -> memref<1x1x128xi32, #tpu.memory_space<vmem>>
    %dma_wait3A_569 = tpu.memref_squeeze %dma_wait3A_568 : memref<1x1x128xi32, #tpu.memory_space<vmem>> -> memref<128xi32, #tpu.memory_space<vmem>>
    %dma_wait3A_570 = arith.constant 0 : i32
    %dma_wait3A_571 = arith.constant 0 : i32
    %dma_wait3A_572 = tpu.memref_slice %arg6[%dma_wait3A_570, %dma_wait3A_571] : memref<1000000x32xf32, #tpu.memory_space<hbm>> -> memref<1000000x32xf32, #tpu.memory_space<hbm>>
    tpu.wait_indirect_dma semaphore(%arg16 : memref<!tpu.dma_semaphore, #tpu.memory_space<semaphore_mem>>) src(%dma_wait3A_572 : memref<1000000x32xf32, #tpu.memory_space<hbm>>) dst(%dma_wait3A_566 : memref<128x32xf32, #tpu.memory_space<vmem>>)
    %dma_wait3A_573 = arith.constant 1 : i32
    %dma_wait3A_574 = arith.constant 0 : i32
    %dma_wait3A_575 = arith.constant 0 : i32
    %dma_wait3A_576 = arith.constant 0 : i32
    %dma_wait3A_577 = tpu.memref_slice %arg11[%dma_wait3A_575, %dma_wait3A_576] : memref<512x32xf32, #tpu.memory_space<vmem>> -> memref<128x32xf32, #tpu.memory_space<vmem>>
    %dma_wait3A_578 = arith.constant 0 : i32
    %dma_wait3A_579 = tpu.memref_slice %arg9[%dma_wait3A_573, %dma_wait3A_574, %dma_wait3A_578] : memref<4x4x128xi32, #tpu.memory_space<vmem>> -> memref<1x1x128xi32, #tpu.memory_space<vmem>>
    %dma_wait3A_580 = tpu.memref_squeeze %dma_wait3A_579 : memref<1x1x128xi32, #tpu.memory_space<vmem>> -> memref<128xi32, #tpu.memory_space<vmem>>
    %dma_wait3A_581 = arith.constant 0 : i32
    %dma_wait3A_582 = arith.constant 0 : i32
    %dma_wait3A_583 = tpu.memref_slice %arg6[%dma_wait3A_581, %dma_wait3A_582] : memref<1000000x32xf32, #tpu.memory_space<hbm>> -> memref<1000000x32xf32, #tpu.memory_space<hbm>>
    tpu.wait_indirect_dma semaphore(%arg16 : memref<!tpu.dma_semaphore, #tpu.memory_space<semaphore_mem>>) src(%dma_wait3A_583 : memref<1000000x32xf32, #tpu.memory_space<hbm>>) dst(%dma_wait3A_577 : memref<128x32xf32, #tpu.memory_space<vmem>>)
    %dma_wait3A_584 = arith.constant 1 : i32
    %dma_wait3A_585 = arith.constant 1 : i32
    %dma_wait3A_586 = arith.constant 128 : i32
    %dma_wait3A_587 = arith.constant 0 : i32
    %dma_wait3A_588 = tpu.memref_slice %arg11[%dma_wait3A_586, %dma_wait3A_587] : memref<512x32xf32, #tpu.memory_space<vmem>> -> memref<128x32xf32, #tpu.memory_space<vmem>>
    %dma_wait3A_589 = arith.constant 0 : i32
    %dma_wait3A_590 = tpu.memref_slice %arg9[%dma_wait3A_584, %dma_wait3A_585, %dma_wait3A_589] : memref<4x4x128xi32, #tpu.memory_space<vmem>> -> memref<1x1x128xi32, #tpu.memory_space<vmem>>
    %dma_wait3A_591 = tpu.memref_squeeze %dma_wait3A_590 : memref<1x1x128xi32, #tpu.memory_space<vmem>> -> memref<128xi32, #tpu.memory_space<vmem>>
    %dma_wait3A_592 = arith.constant 0 : i32
    %dma_wait3A_593 = arith.constant 0 : i32
    %dma_wait3A_594 = tpu.memref_slice %arg6[%dma_wait3A_592, %dma_wait3A_593] : memref<1000000x32xf32, #tpu.memory_space<hbm>> -> memref<1000000x32xf32, #tpu.memory_space<hbm>>
    tpu.wait_indirect_dma semaphore(%arg16 : memref<!tpu.dma_semaphore, #tpu.memory_space<semaphore_mem>>) src(%dma_wait3A_594 : memref<1000000x32xf32, #tpu.memory_space<hbm>>) dst(%dma_wait3A_588 : memref<128x32xf32, #tpu.memory_space<vmem>>)
    %dma_wait3A_595 = arith.constant 1 : i32
    %dma_wait3A_596 = arith.constant 2 : i32
    %dma_wait3A_597 = arith.constant 256 : i32
    %dma_wait3A_598 = arith.constant 0 : i32
    %dma_wait3A_599 = tpu.memref_slice %arg11[%dma_wait3A_597, %dma_wait3A_598] : memref<512x32xf32, #tpu.memory_space<vmem>> -> memref<128x32xf32, #tpu.memory_space<vmem>>
    %dma_wait3A_600 = arith.constant 0 : i32
    %dma_wait3A_601 = tpu.memref_slice %arg9[%dma_wait3A_595, %dma_wait3A_596, %dma_wait3A_600] : memref<4x4x128xi32, #tpu.memory_space<vmem>> -> memref<1x1x128xi32, #tpu.memory_space<vmem>>
    %dma_wait3A_602 = tpu.memref_squeeze %dma_wait3A_601 : memref<1x1x128xi32, #tpu.memory_space<vmem>> -> memref<128xi32, #tpu.memory_space<vmem>>
    %dma_wait3A_603 = arith.constant 0 : i32
    %dma_wait3A_604 = arith.constant 0 : i32
    %dma_wait3A_605 = tpu.memref_slice %arg6[%dma_wait3A_603, %dma_wait3A_604] : memref<1000000x32xf32, #tpu.memory_space<hbm>> -> memref<1000000x32xf32, #tpu.memory_space<hbm>>
    tpu.wait_indirect_dma semaphore(%arg16 : memref<!tpu.dma_semaphore, #tpu.memory_space<semaphore_mem>>) src(%dma_wait3A_605 : memref<1000000x32xf32, #tpu.memory_space<hbm>>) dst(%dma_wait3A_599 : memref<128x32xf32, #tpu.memory_space<vmem>>)
    %dma_wait3A_606 = arith.constant 1 : i32
    %dma_wait3A_607 = arith.constant 3 : i32
    %dma_wait3A_608 = arith.constant 384 : i32
    %dma_wait3A_609 = arith.constant 0 : i32
    %dma_wait3A_610 = tpu.memref_slice %arg11[%dma_wait3A_608, %dma_wait3A_609] : memref<512x32xf32, #tpu.memory_space<vmem>> -> memref<128x32xf32, #tpu.memory_space<vmem>>
    %dma_wait3A_611 = arith.constant 0 : i32
    %dma_wait3A_612 = tpu.memref_slice %arg9[%dma_wait3A_606, %dma_wait3A_607, %dma_wait3A_611] : memref<4x4x128xi32, #tpu.memory_space<vmem>> -> memref<1x1x128xi32, #tpu.memory_space<vmem>>
    %dma_wait3A_613 = tpu.memref_squeeze %dma_wait3A_612 : memref<1x1x128xi32, #tpu.memory_space<vmem>> -> memref<128xi32, #tpu.memory_space<vmem>>
    %dma_wait3A_614 = arith.constant 0 : i32
    %dma_wait3A_615 = arith.constant 0 : i32
    %dma_wait3A_616 = tpu.memref_slice %arg6[%dma_wait3A_614, %dma_wait3A_615] : memref<1000000x32xf32, #tpu.memory_space<hbm>> -> memref<1000000x32xf32, #tpu.memory_space<hbm>>
    tpu.wait_indirect_dma semaphore(%arg16 : memref<!tpu.dma_semaphore, #tpu.memory_space<semaphore_mem>>) src(%dma_wait3A_616 : memref<1000000x32xf32, #tpu.memory_space<hbm>>) dst(%dma_wait3A_610 : memref<128x32xf32, #tpu.memory_space<vmem>>)
    %dma_wait3A_617 = arith.constant 2 : i32
    %dma_wait3A_618 = arith.constant 0 : i32
    %dma_wait3A_619 = arith.constant 0 : i32
    %dma_wait3A_620 = arith.constant 0 : i32
    %dma_wait3A_621 = tpu.memref_slice %arg12[%dma_wait3A_619, %dma_wait3A_620] : memref<512x32xf32, #tpu.memory_space<vmem>> -> memref<128x32xf32, #tpu.memory_space<vmem>>
    %dma_wait3A_622 = arith.constant 0 : i32
    %dma_wait3A_623 = tpu.memref_slice %arg9[%dma_wait3A_617, %dma_wait3A_618, %dma_wait3A_622] : memref<4x4x128xi32, #tpu.memory_space<vmem>> -> memref<1x1x128xi32, #tpu.memory_space<vmem>>
    %dma_wait3A_624 = tpu.memref_squeeze %dma_wait3A_623 : memref<1x1x128xi32, #tpu.memory_space<vmem>> -> memref<128xi32, #tpu.memory_space<vmem>>
    %dma_wait3A_625 = arith.constant 0 : i32
    %dma_wait3A_626 = arith.constant 0 : i32
    %dma_wait3A_627 = tpu.memref_slice %arg6[%dma_wait3A_625, %dma_wait3A_626] : memref<1000000x32xf32, #tpu.memory_space<hbm>> -> memref<1000000x32xf32, #tpu.memory_space<hbm>>
    tpu.wait_indirect_dma semaphore(%arg16 : memref<!tpu.dma_semaphore, #tpu.memory_space<semaphore_mem>>) src(%dma_wait3A_627 : memref<1000000x32xf32, #tpu.memory_space<hbm>>) dst(%dma_wait3A_621 : memref<128x32xf32, #tpu.memory_space<vmem>>)
    %dma_wait3A_628 = arith.constant 2 : i32
    %dma_wait3A_629 = arith.constant 1 : i32
    %dma_wait3A_630 = arith.constant 128 : i32
    %dma_wait3A_631 = arith.constant 0 : i32
    %dma_wait3A_632 = tpu.memref_slice %arg12[%dma_wait3A_630, %dma_wait3A_631] : memref<512x32xf32, #tpu.memory_space<vmem>> -> memref<128x32xf32, #tpu.memory_space<vmem>>
    %dma_wait3A_633 = arith.constant 0 : i32
    %dma_wait3A_634 = tpu.memref_slice %arg9[%dma_wait3A_628, %dma_wait3A_629, %dma_wait3A_633] : memref<4x4x128xi32, #tpu.memory_space<vmem>> -> memref<1x1x128xi32, #tpu.memory_space<vmem>>
    %dma_wait3A_635 = tpu.memref_squeeze %dma_wait3A_634 : memref<1x1x128xi32, #tpu.memory_space<vmem>> -> memref<128xi32, #tpu.memory_space<vmem>>
    %dma_wait3A_636 = arith.constant 0 : i32
    %dma_wait3A_637 = arith.constant 0 : i32
    %dma_wait3A_638 = tpu.memref_slice %arg6[%dma_wait3A_636, %dma_wait3A_637] : memref<1000000x32xf32, #tpu.memory_space<hbm>> -> memref<1000000x32xf32, #tpu.memory_space<hbm>>
    tpu.wait_indirect_dma semaphore(%arg16 : memref<!tpu.dma_semaphore, #tpu.memory_space<semaphore_mem>>) src(%dma_wait3A_638 : memref<1000000x32xf32, #tpu.memory_space<hbm>>) dst(%dma_wait3A_632 : memref<128x32xf32, #tpu.memory_space<vmem>>)
    %dma_wait3A_639 = arith.constant 2 : i32
    %dma_wait3A_640 = arith.constant 2 : i32
    %dma_wait3A_641 = arith.constant 256 : i32
    %dma_wait3A_642 = arith.constant 0 : i32
    %dma_wait3A_643 = tpu.memref_slice %arg12[%dma_wait3A_641, %dma_wait3A_642] : memref<512x32xf32, #tpu.memory_space<vmem>> -> memref<128x32xf32, #tpu.memory_space<vmem>>
    %dma_wait3A_644 = arith.constant 0 : i32
    %dma_wait3A_645 = tpu.memref_slice %arg9[%dma_wait3A_639, %dma_wait3A_640, %dma_wait3A_644] : memref<4x4x128xi32, #tpu.memory_space<vmem>> -> memref<1x1x128xi32, #tpu.memory_space<vmem>>
    %dma_wait3A_646 = tpu.memref_squeeze %dma_wait3A_645 : memref<1x1x128xi32, #tpu.memory_space<vmem>> -> memref<128xi32, #tpu.memory_space<vmem>>
    %dma_wait3A_647 = arith.constant 0 : i32
    %dma_wait3A_648 = arith.constant 0 : i32
    %dma_wait3A_649 = tpu.memref_slice %arg6[%dma_wait3A_647, %dma_wait3A_648] : memref<1000000x32xf32, #tpu.memory_space<hbm>> -> memref<1000000x32xf32, #tpu.memory_space<hbm>>
    tpu.wait_indirect_dma semaphore(%arg16 : memref<!tpu.dma_semaphore, #tpu.memory_space<semaphore_mem>>) src(%dma_wait3A_649 : memref<1000000x32xf32, #tpu.memory_space<hbm>>) dst(%dma_wait3A_643 : memref<128x32xf32, #tpu.memory_space<vmem>>)
    %dma_wait3A_650 = arith.constant 2 : i32
    %dma_wait3A_651 = arith.constant 3 : i32
    %dma_wait3A_652 = arith.constant 384 : i32
    %dma_wait3A_653 = arith.constant 0 : i32
    %dma_wait3A_654 = tpu.memref_slice %arg12[%dma_wait3A_652, %dma_wait3A_653] : memref<512x32xf32, #tpu.memory_space<vmem>> -> memref<128x32xf32, #tpu.memory_space<vmem>>
    %dma_wait3A_655 = arith.constant 0 : i32
    %dma_wait3A_656 = tpu.memref_slice %arg9[%dma_wait3A_650, %dma_wait3A_651, %dma_wait3A_655] : memref<4x4x128xi32, #tpu.memory_space<vmem>> -> memref<1x1x128xi32, #tpu.memory_space<vmem>>
    %dma_wait3A_657 = tpu.memref_squeeze %dma_wait3A_656 : memref<1x1x128xi32, #tpu.memory_space<vmem>> -> memref<128xi32, #tpu.memory_space<vmem>>
    %dma_wait3A_658 = arith.constant 0 : i32
    %dma_wait3A_659 = arith.constant 0 : i32
    %dma_wait3A_660 = tpu.memref_slice %arg6[%dma_wait3A_658, %dma_wait3A_659] : memref<1000000x32xf32, #tpu.memory_space<hbm>> -> memref<1000000x32xf32, #tpu.memory_space<hbm>>
    tpu.wait_indirect_dma semaphore(%arg16 : memref<!tpu.dma_semaphore, #tpu.memory_space<semaphore_mem>>) src(%dma_wait3A_660 : memref<1000000x32xf32, #tpu.memory_space<hbm>>) dst(%dma_wait3A_654 : memref<128x32xf32, #tpu.memory_space<vmem>>)
    %dma_wait3A_661 = arith.constant 3 : i32
    %dma_wait3A_662 = arith.constant 0 : i32
    %dma_wait3A_663 = arith.constant 0 : i32
    %dma_wait3A_664 = arith.constant 0 : i32
    %dma_wait3A_665 = tpu.memref_slice %arg13[%dma_wait3A_663, %dma_wait3A_664] : memref<512x32xf32, #tpu.memory_space<vmem>> -> memref<128x32xf32, #tpu.memory_space<vmem>>
    %dma_wait3A_666 = arith.constant 0 : i32
    %dma_wait3A_667 = tpu.memref_slice %arg9[%dma_wait3A_661, %dma_wait3A_662, %dma_wait3A_666] : memref<4x4x128xi32, #tpu.memory_space<vmem>> -> memref<1x1x128xi32, #tpu.memory_space<vmem>>
    %dma_wait3A_668 = tpu.memref_squeeze %dma_wait3A_667 : memref<1x1x128xi32, #tpu.memory_space<vmem>> -> memref<128xi32, #tpu.memory_space<vmem>>
    %dma_wait3A_669 = arith.constant 0 : i32
    %dma_wait3A_670 = arith.constant 0 : i32
    %dma_wait3A_671 = tpu.memref_slice %arg6[%dma_wait3A_669, %dma_wait3A_670] : memref<1000000x32xf32, #tpu.memory_space<hbm>> -> memref<1000000x32xf32, #tpu.memory_space<hbm>>
    tpu.wait_indirect_dma semaphore(%arg16 : memref<!tpu.dma_semaphore, #tpu.memory_space<semaphore_mem>>) src(%dma_wait3A_671 : memref<1000000x32xf32, #tpu.memory_space<hbm>>) dst(%dma_wait3A_665 : memref<128x32xf32, #tpu.memory_space<vmem>>)
    %dma_wait3A_672 = arith.constant 3 : i32
    %dma_wait3A_673 = arith.constant 1 : i32
    %dma_wait3A_674 = arith.constant 128 : i32
    %dma_wait3A_675 = arith.constant 0 : i32
    %dma_wait3A_676 = tpu.memref_slice %arg13[%dma_wait3A_674, %dma_wait3A_675] : memref<512x32xf32, #tpu.memory_space<vmem>> -> memref<128x32xf32, #tpu.memory_space<vmem>>
    %dma_wait3A_677 = arith.constant 0 : i32
    %dma_wait3A_678 = tpu.memref_slice %arg9[%dma_wait3A_672, %dma_wait3A_673, %dma_wait3A_677] : memref<4x4x128xi32, #tpu.memory_space<vmem>> -> memref<1x1x128xi32, #tpu.memory_space<vmem>>
    %dma_wait3A_679 = tpu.memref_squeeze %dma_wait3A_678 : memref<1x1x128xi32, #tpu.memory_space<vmem>> -> memref<128xi32, #tpu.memory_space<vmem>>
    %dma_wait3A_680 = arith.constant 0 : i32
    %dma_wait3A_681 = arith.constant 0 : i32
    %dma_wait3A_682 = tpu.memref_slice %arg6[%dma_wait3A_680, %dma_wait3A_681] : memref<1000000x32xf32, #tpu.memory_space<hbm>> -> memref<1000000x32xf32, #tpu.memory_space<hbm>>
    tpu.wait_indirect_dma semaphore(%arg16 : memref<!tpu.dma_semaphore, #tpu.memory_space<semaphore_mem>>) src(%dma_wait3A_682 : memref<1000000x32xf32, #tpu.memory_space<hbm>>) dst(%dma_wait3A_676 : memref<128x32xf32, #tpu.memory_space<vmem>>)
    %dma_wait3A_683 = arith.constant 3 : i32
    %dma_wait3A_684 = arith.constant 2 : i32
    %dma_wait3A_685 = arith.constant 256 : i32
    %dma_wait3A_686 = arith.constant 0 : i32
    %dma_wait3A_687 = tpu.memref_slice %arg13[%dma_wait3A_685, %dma_wait3A_686] : memref<512x32xf32, #tpu.memory_space<vmem>> -> memref<128x32xf32, #tpu.memory_space<vmem>>
    %dma_wait3A_688 = arith.constant 0 : i32
    %dma_wait3A_689 = tpu.memref_slice %arg9[%dma_wait3A_683, %dma_wait3A_684, %dma_wait3A_688] : memref<4x4x128xi32, #tpu.memory_space<vmem>> -> memref<1x1x128xi32, #tpu.memory_space<vmem>>
    %dma_wait3A_690 = tpu.memref_squeeze %dma_wait3A_689 : memref<1x1x128xi32, #tpu.memory_space<vmem>> -> memref<128xi32, #tpu.memory_space<vmem>>
    %dma_wait3A_691 = arith.constant 0 : i32
    %dma_wait3A_692 = arith.constant 0 : i32
    %dma_wait3A_693 = tpu.memref_slice %arg6[%dma_wait3A_691, %dma_wait3A_692] : memref<1000000x32xf32, #tpu.memory_space<hbm>> -> memref<1000000x32xf32, #tpu.memory_space<hbm>>
    tpu.wait_indirect_dma semaphore(%arg16 : memref<!tpu.dma_semaphore, #tpu.memory_space<semaphore_mem>>) src(%dma_wait3A_693 : memref<1000000x32xf32, #tpu.memory_space<hbm>>) dst(%dma_wait3A_687 : memref<128x32xf32, #tpu.memory_space<vmem>>)
    %dma_wait3A_694 = arith.constant 3 : i32
    %dma_wait3A_695 = arith.constant 3 : i32
    %dma_wait3A_696 = arith.constant 384 : i32
    %dma_wait3A_697 = arith.constant 0 : i32
    %dma_wait3A_698 = tpu.memref_slice %arg13[%dma_wait3A_696, %dma_wait3A_697] : memref<512x32xf32, #tpu.memory_space<vmem>> -> memref<128x32xf32, #tpu.memory_space<vmem>>
    %dma_wait3A_699 = arith.constant 0 : i32
    %dma_wait3A_700 = tpu.memref_slice %arg9[%dma_wait3A_694, %dma_wait3A_695, %dma_wait3A_699] : memref<4x4x128xi32, #tpu.memory_space<vmem>> -> memref<1x1x128xi32, #tpu.memory_space<vmem>>
    %dma_wait3A_701 = tpu.memref_squeeze %dma_wait3A_700 : memref<1x1x128xi32, #tpu.memory_space<vmem>> -> memref<128xi32, #tpu.memory_space<vmem>>
    %dma_wait3A_702 = arith.constant 0 : i32
    %dma_wait3A_703 = arith.constant 0 : i32
    %dma_wait3A_704 = tpu.memref_slice %arg6[%dma_wait3A_702, %dma_wait3A_703] : memref<1000000x32xf32, #tpu.memory_space<hbm>> -> memref<1000000x32xf32, #tpu.memory_space<hbm>>
    tpu.wait_indirect_dma semaphore(%arg16 : memref<!tpu.dma_semaphore, #tpu.memory_space<semaphore_mem>>) src(%dma_wait3A_704 : memref<1000000x32xf32, #tpu.memory_space<hbm>>) dst(%dma_wait3A_698 : memref<128x32xf32, #tpu.memory_space<vmem>>)
    %iota3A = tpu.iota {dimensions = array<i32: 0>} : vector<16xi32>
    %scan3A = arith.constant 0 : i32
    %scan3A_705 = arith.constant 32 : i32
    %scan3A_706 = arith.addi %scan3A, %scan3A_705 : i32
    %scan3A_707 = arith.constant 1 : i32
    scf.for %scan3A_709 = %scan3A to %scan3A_706 step %scan3A_707  : i32 {
      %mul3A_710 = arith.constant 1 : i32
      %mul3A_711 = arith.muli %scan3A_709, %mul3A_710 : i32
      %add3A_712 = arith.constant 0 : i32
      %add3A_713 = arith.addi %add3A_712, %mul3A_711 : i32
      %mul3A_714 = arith.constant 16 : i32
      %mul3A_715 = arith.muli %add3A_713, %mul3A_714 : i32
      %add3A_716 = vector.broadcast %mul3A_715 : i32 to vector<16xi32>
      %add3A_717 = arith.addi %add3A_716, %iota3A : vector<16xi32>
      %broadcast_in_dim3A = arith.constant 0.000000e+00 : f32
      %broadcast_in_dim3A_718 = vector.broadcast %broadcast_in_dim3A : f32 to vector<16xf32>
      %broadcast_in_dim3A_719 = arith.constant 0.000000e+00 : f32
      %broadcast_in_dim3A_720 = vector.broadcast %broadcast_in_dim3A_719 : f32 to vector<16xf32>
      %broadcast_in_dim3A_721 = arith.constant 0 : i32
      %broadcast_in_dim3A_722 = vector.broadcast %broadcast_in_dim3A_721 : i32 to vector<16xi32>
      %gather3A = tpu.vector_load_idx %arg10[%add3A_717, %broadcast_in_dim3A_722] : memref<512x32xf32, #tpu.memory_space<vmem>>[vector<16xi32>, vector<16xi32>], vector<16xf32>,
      %gather3A_723 = tpu.vector_load_idx %arg13[%add3A_717, %broadcast_in_dim3A_722] : memref<512x32xf32, #tpu.memory_space<vmem>>[vector<16xi32>, vector<16xi32>], vector<16xf32>,
      %gather3A_724 = tpu.vector_load_idx %arg11[%add3A_717, %broadcast_in_dim3A_722] : memref<512x32xf32, #tpu.memory_space<vmem>>[vector<16xi32>, vector<16xi32>], vector<16xf32>,
      %gather3A_725 = tpu.vector_load_idx %arg12[%add3A_717, %broadcast_in_dim3A_722] : memref<512x32xf32, #tpu.memory_space<vmem>>[vector<16xi32>, vector<16xi32>], vector<16xf32>,
      %mul3A_726 = arith.mulf %gather3A, %gather3A_723 : vector<16xf32>
      %mul3A_727 = arith.mulf %mul3A_726, %gather3A_724 : vector<16xf32>
      %add3A_728 = arith.addf %broadcast_in_dim3A_718, %mul3A_727 : vector<16xf32>
      %mul3A_729 = arith.mulf %mul3A_726, %gather3A_725 : vector<16xf32>
      %add3A_730 = arith.addf %broadcast_in_dim3A_720, %mul3A_729 : vector<16xf32>
      %broadcast_in_dim3A_731 = arith.constant 1 : i32
      %broadcast_in_dim3A_732 = vector.broadcast %broadcast_in_dim3A_731 : i32 to vector<16xi32>
      %gather3A_733 = tpu.vector_load_idx %arg10[%add3A_717, %broadcast_in_dim3A_732] : memref<512x32xf32, #tpu.memory_space<vmem>>[vector<16xi32>, vector<16xi32>], vector<16xf32>,
      %gather3A_734 = tpu.vector_load_idx %arg13[%add3A_717, %broadcast_in_dim3A_732] : memref<512x32xf32, #tpu.memory_space<vmem>>[vector<16xi32>, vector<16xi32>], vector<16xf32>,
      %gather3A_735 = tpu.vector_load_idx %arg11[%add3A_717, %broadcast_in_dim3A_732] : memref<512x32xf32, #tpu.memory_space<vmem>>[vector<16xi32>, vector<16xi32>], vector<16xf32>,
      %gather3A_736 = tpu.vector_load_idx %arg12[%add3A_717, %broadcast_in_dim3A_732] : memref<512x32xf32, #tpu.memory_space<vmem>>[vector<16xi32>, vector<16xi32>], vector<16xf32>,
      %mul3A_737 = arith.mulf %gather3A_733, %gather3A_734 : vector<16xf32>
      %mul3A_738 = arith.mulf %mul3A_737, %gather3A_735 : vector<16xf32>
      %add3A_739 = arith.addf %add3A_728, %mul3A_738 : vector<16xf32>
      %mul3A_740 = arith.mulf %mul3A_737, %gather3A_736 : vector<16xf32>
      %add3A_741 = arith.addf %add3A_730, %mul3A_740 : vector<16xf32>
      %broadcast_in_dim3A_742 = arith.constant 2 : i32
      %broadcast_in_dim3A_743 = vector.broadcast %broadcast_in_dim3A_742 : i32 to vector<16xi32>
      %gather3A_744 = tpu.vector_load_idx %arg10[%add3A_717, %broadcast_in_dim3A_743] : memref<512x32xf32, #tpu.memory_space<vmem>>[vector<16xi32>, vector<16xi32>], vector<16xf32>,
      %gather3A_745 = tpu.vector_load_idx %arg13[%add3A_717, %broadcast_in_dim3A_743] : memref<512x32xf32, #tpu.memory_space<vmem>>[vector<16xi32>, vector<16xi32>], vector<16xf32>,
      %gather3A_746 = tpu.vector_load_idx %arg11[%add3A_717, %broadcast_in_dim3A_743] : memref<512x32xf32, #tpu.memory_space<vmem>>[vector<16xi32>, vector<16xi32>], vector<16xf32>,
      %gather3A_747 = tpu.vector_load_idx %arg12[%add3A_717, %broadcast_in_dim3A_743] : memref<512x32xf32, #tpu.memory_space<vmem>>[vector<16xi32>, vector<16xi32>], vector<16xf32>,
      %mul3A_748 = arith.mulf %gather3A_744, %gather3A_745 : vector<16xf32>
      %mul3A_749 = arith.mulf %mul3A_748, %gather3A_746 : vector<16xf32>
      %add3A_750 = arith.addf %add3A_739, %mul3A_749 : vector<16xf32>
      %mul3A_751 = arith.mulf %mul3A_748, %gather3A_747 : vector<16xf32>
      %add3A_752 = arith.addf %add3A_741, %mul3A_751 : vector<16xf32>
      %broadcast_in_dim3A_753 = arith.constant 3 : i32
      %broadcast_in_dim3A_754 = vector.broadcast %broadcast_in_dim3A_753 : i32 to vector<16xi32>
      %gather3A_755 = tpu.vector_load_idx %arg10[%add3A_717, %broadcast_in_dim3A_754] : memref<512x32xf32, #tpu.memory_space<vmem>>[vector<16xi32>, vector<16xi32>], vector<16xf32>,
      %gather3A_756 = tpu.vector_load_idx %arg13[%add3A_717, %broadcast_in_dim3A_754] : memref<512x32xf32, #tpu.memory_space<vmem>>[vector<16xi32>, vector<16xi32>], vector<16xf32>,
      %gather3A_757 = tpu.vector_load_idx %arg11[%add3A_717, %broadcast_in_dim3A_754] : memref<512x32xf32, #tpu.memory_space<vmem>>[vector<16xi32>, vector<16xi32>], vector<16xf32>,
      %gather3A_758 = tpu.vector_load_idx %arg12[%add3A_717, %broadcast_in_dim3A_754] : memref<512x32xf32, #tpu.memory_space<vmem>>[vector<16xi32>, vector<16xi32>], vector<16xf32>,
      %mul3A_759 = arith.mulf %gather3A_755, %gather3A_756 : vector<16xf32>
      %mul3A_760 = arith.mulf %mul3A_759, %gather3A_757 : vector<16xf32>
      %add3A_761 = arith.addf %add3A_750, %mul3A_760 : vector<16xf32>
      %mul3A_762 = arith.mulf %mul3A_759, %gather3A_758 : vector<16xf32>
      %add3A_763 = arith.addf %add3A_752, %mul3A_762 : vector<16xf32>
      %broadcast_in_dim3A_764 = arith.constant 4 : i32
      %broadcast_in_dim3A_765 = vector.broadcast %broadcast_in_dim3A_764 : i32 to vector<16xi32>
      %gather3A_766 = tpu.vector_load_idx %arg10[%add3A_717, %broadcast_in_dim3A_765] : memref<512x32xf32, #tpu.memory_space<vmem>>[vector<16xi32>, vector<16xi32>], vector<16xf32>,
      %gather3A_767 = tpu.vector_load_idx %arg13[%add3A_717, %broadcast_in_dim3A_765] : memref<512x32xf32, #tpu.memory_space<vmem>>[vector<16xi32>, vector<16xi32>], vector<16xf32>,
      %gather3A_768 = tpu.vector_load_idx %arg11[%add3A_717, %broadcast_in_dim3A_765] : memref<512x32xf32, #tpu.memory_space<vmem>>[vector<16xi32>, vector<16xi32>], vector<16xf32>,
      %gather3A_769 = tpu.vector_load_idx %arg12[%add3A_717, %broadcast_in_dim3A_765] : memref<512x32xf32, #tpu.memory_space<vmem>>[vector<16xi32>, vector<16xi32>], vector<16xf32>,
      %mul3A_770 = arith.mulf %gather3A_766, %gather3A_767 : vector<16xf32>
      %mul3A_771 = arith.mulf %mul3A_770, %gather3A_768 : vector<16xf32>
      %add3A_772 = arith.addf %add3A_761, %mul3A_771 : vector<16xf32>
      %mul3A_773 = arith.mulf %mul3A_770, %gather3A_769 : vector<16xf32>
      %add3A_774 = arith.addf %add3A_763, %mul3A_773 : vector<16xf32>
      %broadcast_in_dim3A_775 = arith.constant 5 : i32
      %broadcast_in_dim3A_776 = vector.broadcast %broadcast_in_dim3A_775 : i32 to vector<16xi32>
      %gather3A_777 = tpu.vector_load_idx %arg10[%add3A_717, %broadcast_in_dim3A_776] : memref<512x32xf32, #tpu.memory_space<vmem>>[vector<16xi32>, vector<16xi32>], vector<16xf32>,
      %gather3A_778 = tpu.vector_load_idx %arg13[%add3A_717, %broadcast_in_dim3A_776] : memref<512x32xf32, #tpu.memory_space<vmem>>[vector<16xi32>, vector<16xi32>], vector<16xf32>,
      %gather3A_779 = tpu.vector_load_idx %arg11[%add3A_717, %broadcast_in_dim3A_776] : memref<512x32xf32, #tpu.memory_space<vmem>>[vector<16xi32>, vector<16xi32>], vector<16xf32>,
      %gather3A_780 = tpu.vector_load_idx %arg12[%add3A_717, %broadcast_in_dim3A_776] : memref<512x32xf32, #tpu.memory_space<vmem>>[vector<16xi32>, vector<16xi32>], vector<16xf32>,
      %mul3A_781 = arith.mulf %gather3A_777, %gather3A_778 : vector<16xf32>
      %mul3A_782 = arith.mulf %mul3A_781, %gather3A_779 : vector<16xf32>
      %add3A_783 = arith.addf %add3A_772, %mul3A_782 : vector<16xf32>
      %mul3A_784 = arith.mulf %mul3A_781, %gather3A_780 : vector<16xf32>
      %add3A_785 = arith.addf %add3A_774, %mul3A_784 : vector<16xf32>
      %broadcast_in_dim3A_786 = arith.constant 6 : i32
      %broadcast_in_dim3A_787 = vector.broadcast %broadcast_in_dim3A_786 : i32 to vector<16xi32>
      %gather3A_788 = tpu.vector_load_idx %arg10[%add3A_717, %broadcast_in_dim3A_787] : memref<512x32xf32, #tpu.memory_space<vmem>>[vector<16xi32>, vector<16xi32>], vector<16xf32>,
      %gather3A_789 = tpu.vector_load_idx %arg13[%add3A_717, %broadcast_in_dim3A_787] : memref<512x32xf32, #tpu.memory_space<vmem>>[vector<16xi32>, vector<16xi32>], vector<16xf32>,
      %gather3A_790 = tpu.vector_load_idx %arg11[%add3A_717, %broadcast_in_dim3A_787] : memref<512x32xf32, #tpu.memory_space<vmem>>[vector<16xi32>, vector<16xi32>], vector<16xf32>,
      %gather3A_791 = tpu.vector_load_idx %arg12[%add3A_717, %broadcast_in_dim3A_787] : memref<512x32xf32, #tpu.memory_space<vmem>>[vector<16xi32>, vector<16xi32>], vector<16xf32>,
      %mul3A_792 = arith.mulf %gather3A_788, %gather3A_789 : vector<16xf32>
      %mul3A_793 = arith.mulf %mul3A_792, %gather3A_790 : vector<16xf32>
      %add3A_794 = arith.addf %add3A_783, %mul3A_793 : vector<16xf32>
      %mul3A_795 = arith.mulf %mul3A_792, %gather3A_791 : vector<16xf32>
      %add3A_796 = arith.addf %add3A_785, %mul3A_795 : vector<16xf32>
      %broadcast_in_dim3A_797 = arith.constant 7 : i32
      %broadcast_in_dim3A_798 = vector.broadcast %broadcast_in_dim3A_797 : i32 to vector<16xi32>
      %gather3A_799 = tpu.vector_load_idx %arg10[%add3A_717, %broadcast_in_dim3A_798] : memref<512x32xf32, #tpu.memory_space<vmem>>[vector<16xi32>, vector<16xi32>], vector<16xf32>,
      %gather3A_800 = tpu.vector_load_idx %arg13[%add3A_717, %broadcast_in_dim3A_798] : memref<512x32xf32, #tpu.memory_space<vmem>>[vector<16xi32>, vector<16xi32>], vector<16xf32>,
      %gather3A_801 = tpu.vector_load_idx %arg11[%add3A_717, %broadcast_in_dim3A_798] : memref<512x32xf32, #tpu.memory_space<vmem>>[vector<16xi32>, vector<16xi32>], vector<16xf32>,
      %gather3A_802 = tpu.vector_load_idx %arg12[%add3A_717, %broadcast_in_dim3A_798] : memref<512x32xf32, #tpu.memory_space<vmem>>[vector<16xi32>, vector<16xi32>], vector<16xf32>,
      %mul3A_803 = arith.mulf %gather3A_799, %gather3A_800 : vector<16xf32>
      %mul3A_804 = arith.mulf %mul3A_803, %gather3A_801 : vector<16xf32>
      %add3A_805 = arith.addf %add3A_794, %mul3A_804 : vector<16xf32>
      %mul3A_806 = arith.mulf %mul3A_803, %gather3A_802 : vector<16xf32>
      %add3A_807 = arith.addf %add3A_796, %mul3A_806 : vector<16xf32>
      %broadcast_in_dim3A_808 = arith.constant 8 : i32
      %broadcast_in_dim3A_809 = vector.broadcast %broadcast_in_dim3A_808 : i32 to vector<16xi32>
      %gather3A_810 = tpu.vector_load_idx %arg10[%add3A_717, %broadcast_in_dim3A_809] : memref<512x32xf32, #tpu.memory_space<vmem>>[vector<16xi32>, vector<16xi32>], vector<16xf32>,
      %gather3A_811 = tpu.vector_load_idx %arg13[%add3A_717, %broadcast_in_dim3A_809] : memref<512x32xf32, #tpu.memory_space<vmem>>[vector<16xi32>, vector<16xi32>], vector<16xf32>,
      %gather3A_812 = tpu.vector_load_idx %arg11[%add3A_717, %broadcast_in_dim3A_809] : memref<512x32xf32, #tpu.memory_space<vmem>>[vector<16xi32>, vector<16xi32>], vector<16xf32>,
      %gather3A_813 = tpu.vector_load_idx %arg12[%add3A_717, %broadcast_in_dim3A_809] : memref<512x32xf32, #tpu.memory_space<vmem>>[vector<16xi32>, vector<16xi32>], vector<16xf32>,
      %mul3A_814 = arith.mulf %gather3A_810, %gather3A_811 : vector<16xf32>
      %mul3A_815 = arith.mulf %mul3A_814, %gather3A_812 : vector<16xf32>
      %add3A_816 = arith.addf %add3A_805, %mul3A_815 : vector<16xf32>
      %mul3A_817 = arith.mulf %mul3A_814, %gather3A_813 : vector<16xf32>
      %add3A_818 = arith.addf %add3A_807, %mul3A_817 : vector<16xf32>
      %broadcast_in_dim3A_819 = arith.constant 9 : i32
      %broadcast_in_dim3A_820 = vector.broadcast %broadcast_in_dim3A_819 : i32 to vector<16xi32>
      %gather3A_821 = tpu.vector_load_idx %arg10[%add3A_717, %broadcast_in_dim3A_820] : memref<512x32xf32, #tpu.memory_space<vmem>>[vector<16xi32>, vector<16xi32>], vector<16xf32>,
      %gather3A_822 = tpu.vector_load_idx %arg13[%add3A_717, %broadcast_in_dim3A_820] : memref<512x32xf32, #tpu.memory_space<vmem>>[vector<16xi32>, vector<16xi32>], vector<16xf32>,
      %gather3A_823 = tpu.vector_load_idx %arg11[%add3A_717, %broadcast_in_dim3A_820] : memref<512x32xf32, #tpu.memory_space<vmem>>[vector<16xi32>, vector<16xi32>], vector<16xf32>,
      %gather3A_824 = tpu.vector_load_idx %arg12[%add3A_717, %broadcast_in_dim3A_820] : memref<512x32xf32, #tpu.memory_space<vmem>>[vector<16xi32>, vector<16xi32>], vector<16xf32>,
      %mul3A_825 = arith.mulf %gather3A_821, %gather3A_822 : vector<16xf32>
      %mul3A_826 = arith.mulf %mul3A_825, %gather3A_823 : vector<16xf32>
      %add3A_827 = arith.addf %add3A_816, %mul3A_826 : vector<16xf32>
      %mul3A_828 = arith.mulf %mul3A_825, %gather3A_824 : vector<16xf32>
      %add3A_829 = arith.addf %add3A_818, %mul3A_828 : vector<16xf32>
      %broadcast_in_dim3A_830 = arith.constant 10 : i32
      %broadcast_in_dim3A_831 = vector.broadcast %broadcast_in_dim3A_830 : i32 to vector<16xi32>
      %gather3A_832 = tpu.vector_load_idx %arg10[%add3A_717, %broadcast_in_dim3A_831] : memref<512x32xf32, #tpu.memory_space<vmem>>[vector<16xi32>, vector<16xi32>], vector<16xf32>,
      %gather3A_833 = tpu.vector_load_idx %arg13[%add3A_717, %broadcast_in_dim3A_831] : memref<512x32xf32, #tpu.memory_space<vmem>>[vector<16xi32>, vector<16xi32>], vector<16xf32>,
      %gather3A_834 = tpu.vector_load_idx %arg11[%add3A_717, %broadcast_in_dim3A_831] : memref<512x32xf32, #tpu.memory_space<vmem>>[vector<16xi32>, vector<16xi32>], vector<16xf32>,
      %gather3A_835 = tpu.vector_load_idx %arg12[%add3A_717, %broadcast_in_dim3A_831] : memref<512x32xf32, #tpu.memory_space<vmem>>[vector<16xi32>, vector<16xi32>], vector<16xf32>,
      %mul3A_836 = arith.mulf %gather3A_832, %gather3A_833 : vector<16xf32>
      %mul3A_837 = arith.mulf %mul3A_836, %gather3A_834 : vector<16xf32>
      %add3A_838 = arith.addf %add3A_827, %mul3A_837 : vector<16xf32>
      %mul3A_839 = arith.mulf %mul3A_836, %gather3A_835 : vector<16xf32>
      %add3A_840 = arith.addf %add3A_829, %mul3A_839 : vector<16xf32>
      %broadcast_in_dim3A_841 = arith.constant 11 : i32
      %broadcast_in_dim3A_842 = vector.broadcast %broadcast_in_dim3A_841 : i32 to vector<16xi32>
      %gather3A_843 = tpu.vector_load_idx %arg10[%add3A_717, %broadcast_in_dim3A_842] : memref<512x32xf32, #tpu.memory_space<vmem>>[vector<16xi32>, vector<16xi32>], vector<16xf32>,
      %gather3A_844 = tpu.vector_load_idx %arg13[%add3A_717, %broadcast_in_dim3A_842] : memref<512x32xf32, #tpu.memory_space<vmem>>[vector<16xi32>, vector<16xi32>], vector<16xf32>,
      %gather3A_845 = tpu.vector_load_idx %arg11[%add3A_717, %broadcast_in_dim3A_842] : memref<512x32xf32, #tpu.memory_space<vmem>>[vector<16xi32>, vector<16xi32>], vector<16xf32>,
      %gather3A_846 = tpu.vector_load_idx %arg12[%add3A_717, %broadcast_in_dim3A_842] : memref<512x32xf32, #tpu.memory_space<vmem>>[vector<16xi32>, vector<16xi32>], vector<16xf32>,
      %mul3A_847 = arith.mulf %gather3A_843, %gather3A_844 : vector<16xf32>
      %mul3A_848 = arith.mulf %mul3A_847, %gather3A_845 : vector<16xf32>
      %add3A_849 = arith.addf %add3A_838, %mul3A_848 : vector<16xf32>
      %mul3A_850 = arith.mulf %mul3A_847, %gather3A_846 : vector<16xf32>
      %add3A_851 = arith.addf %add3A_840, %mul3A_850 : vector<16xf32>
      %broadcast_in_dim3A_852 = arith.constant 12 : i32
      %broadcast_in_dim3A_853 = vector.broadcast %broadcast_in_dim3A_852 : i32 to vector<16xi32>
      %gather3A_854 = tpu.vector_load_idx %arg10[%add3A_717, %broadcast_in_dim3A_853] : memref<512x32xf32, #tpu.memory_space<vmem>>[vector<16xi32>, vector<16xi32>], vector<16xf32>,
      %gather3A_855 = tpu.vector_load_idx %arg13[%add3A_717, %broadcast_in_dim3A_853] : memref<512x32xf32, #tpu.memory_space<vmem>>[vector<16xi32>, vector<16xi32>], vector<16xf32>,
      %gather3A_856 = tpu.vector_load_idx %arg11[%add3A_717, %broadcast_in_dim3A_853] : memref<512x32xf32, #tpu.memory_space<vmem>>[vector<16xi32>, vector<16xi32>], vector<16xf32>,
      %gather3A_857 = tpu.vector_load_idx %arg12[%add3A_717, %broadcast_in_dim3A_853] : memref<512x32xf32, #tpu.memory_space<vmem>>[vector<16xi32>, vector<16xi32>], vector<16xf32>,
      %mul3A_858 = arith.mulf %gather3A_854, %gather3A_855 : vector<16xf32>
      %mul3A_859 = arith.mulf %mul3A_858, %gather3A_856 : vector<16xf32>
      %add3A_860 = arith.addf %add3A_849, %mul3A_859 : vector<16xf32>
      %mul3A_861 = arith.mulf %mul3A_858, %gather3A_857 : vector<16xf32>
      %add3A_862 = arith.addf %add3A_851, %mul3A_861 : vector<16xf32>
      %broadcast_in_dim3A_863 = arith.constant 13 : i32
      %broadcast_in_dim3A_864 = vector.broadcast %broadcast_in_dim3A_863 : i32 to vector<16xi32>
      %gather3A_865 = tpu.vector_load_idx %arg10[%add3A_717, %broadcast_in_dim3A_864] : memref<512x32xf32, #tpu.memory_space<vmem>>[vector<16xi32>, vector<16xi32>], vector<16xf32>,
      %gather3A_866 = tpu.vector_load_idx %arg13[%add3A_717, %broadcast_in_dim3A_864] : memref<512x32xf32, #tpu.memory_space<vmem>>[vector<16xi32>, vector<16xi32>], vector<16xf32>,
      %gather3A_867 = tpu.vector_load_idx %arg11[%add3A_717, %broadcast_in_dim3A_864] : memref<512x32xf32, #tpu.memory_space<vmem>>[vector<16xi32>, vector<16xi32>], vector<16xf32>,
      %gather3A_868 = tpu.vector_load_idx %arg12[%add3A_717, %broadcast_in_dim3A_864] : memref<512x32xf32, #tpu.memory_space<vmem>>[vector<16xi32>, vector<16xi32>], vector<16xf32>,
      %mul3A_869 = arith.mulf %gather3A_865, %gather3A_866 : vector<16xf32>
      %mul3A_870 = arith.mulf %mul3A_869, %gather3A_867 : vector<16xf32>
      %add3A_871 = arith.addf %add3A_860, %mul3A_870 : vector<16xf32>
      %mul3A_872 = arith.mulf %mul3A_869, %gather3A_868 : vector<16xf32>
      %add3A_873 = arith.addf %add3A_862, %mul3A_872 : vector<16xf32>
      %broadcast_in_dim3A_874 = arith.constant 14 : i32
      %broadcast_in_dim3A_875 = vector.broadcast %broadcast_in_dim3A_874 : i32 to vector<16xi32>
      %gather3A_876 = tpu.vector_load_idx %arg10[%add3A_717, %broadcast_in_dim3A_875] : memref<512x32xf32, #tpu.memory_space<vmem>>[vector<16xi32>, vector<16xi32>], vector<16xf32>,
      %gather3A_877 = tpu.vector_load_idx %arg13[%add3A_717, %broadcast_in_dim3A_875] : memref<512x32xf32, #tpu.memory_space<vmem>>[vector<16xi32>, vector<16xi32>], vector<16xf32>,
      %gather3A_878 = tpu.vector_load_idx %arg11[%add3A_717, %broadcast_in_dim3A_875] : memref<512x32xf32, #tpu.memory_space<vmem>>[vector<16xi32>, vector<16xi32>], vector<16xf32>,
      %gather3A_879 = tpu.vector_load_idx %arg12[%add3A_717, %broadcast_in_dim3A_875] : memref<512x32xf32, #tpu.memory_space<vmem>>[vector<16xi32>, vector<16xi32>], vector<16xf32>,
      %mul3A_880 = arith.mulf %gather3A_876, %gather3A_877 : vector<16xf32>
      %mul3A_881 = arith.mulf %mul3A_880, %gather3A_878 : vector<16xf32>
      %add3A_882 = arith.addf %add3A_871, %mul3A_881 : vector<16xf32>
      %mul3A_883 = arith.mulf %mul3A_880, %gather3A_879 : vector<16xf32>
      %add3A_884 = arith.addf %add3A_873, %mul3A_883 : vector<16xf32>
      %broadcast_in_dim3A_885 = arith.constant 15 : i32
      %broadcast_in_dim3A_886 = vector.broadcast %broadcast_in_dim3A_885 : i32 to vector<16xi32>
      %gather3A_887 = tpu.vector_load_idx %arg10[%add3A_717, %broadcast_in_dim3A_886] : memref<512x32xf32, #tpu.memory_space<vmem>>[vector<16xi32>, vector<16xi32>], vector<16xf32>,
      %gather3A_888 = tpu.vector_load_idx %arg13[%add3A_717, %broadcast_in_dim3A_886] : memref<512x32xf32, #tpu.memory_space<vmem>>[vector<16xi32>, vector<16xi32>], vector<16xf32>,
      %gather3A_889 = tpu.vector_load_idx %arg11[%add3A_717, %broadcast_in_dim3A_886] : memref<512x32xf32, #tpu.memory_space<vmem>>[vector<16xi32>, vector<16xi32>], vector<16xf32>,
      %gather3A_890 = tpu.vector_load_idx %arg12[%add3A_717, %broadcast_in_dim3A_886] : memref<512x32xf32, #tpu.memory_space<vmem>>[vector<16xi32>, vector<16xi32>], vector<16xf32>,
      %mul3A_891 = arith.mulf %gather3A_887, %gather3A_888 : vector<16xf32>
      %mul3A_892 = arith.mulf %mul3A_891, %gather3A_889 : vector<16xf32>
      %add3A_893 = arith.addf %add3A_882, %mul3A_892 : vector<16xf32>
      %mul3A_894 = arith.mulf %mul3A_891, %gather3A_890 : vector<16xf32>
      %add3A_895 = arith.addf %add3A_884, %mul3A_894 : vector<16xf32>
      %broadcast_in_dim3A_896 = arith.constant 16 : i32
      %broadcast_in_dim3A_897 = vector.broadcast %broadcast_in_dim3A_896 : i32 to vector<16xi32>
      %gather3A_898 = tpu.vector_load_idx %arg10[%add3A_717, %broadcast_in_dim3A_897] : memref<512x32xf32, #tpu.memory_space<vmem>>[vector<16xi32>, vector<16xi32>], vector<16xf32>,
      %gather3A_899 = tpu.vector_load_idx %arg13[%add3A_717, %broadcast_in_dim3A_897] : memref<512x32xf32, #tpu.memory_space<vmem>>[vector<16xi32>, vector<16xi32>], vector<16xf32>,
      %gather3A_900 = tpu.vector_load_idx %arg11[%add3A_717, %broadcast_in_dim3A_897] : memref<512x32xf32, #tpu.memory_space<vmem>>[vector<16xi32>, vector<16xi32>], vector<16xf32>,
      %gather3A_901 = tpu.vector_load_idx %arg12[%add3A_717, %broadcast_in_dim3A_897] : memref<512x32xf32, #tpu.memory_space<vmem>>[vector<16xi32>, vector<16xi32>], vector<16xf32>,
      %mul3A_902 = arith.mulf %gather3A_898, %gather3A_899 : vector<16xf32>
      %mul3A_903 = arith.mulf %mul3A_902, %gather3A_900 : vector<16xf32>
      %add3A_904 = arith.addf %add3A_893, %mul3A_903 : vector<16xf32>
      %mul3A_905 = arith.mulf %mul3A_902, %gather3A_901 : vector<16xf32>
      %add3A_906 = arith.addf %add3A_895, %mul3A_905 : vector<16xf32>
      %broadcast_in_dim3A_907 = arith.constant 17 : i32
      %broadcast_in_dim3A_908 = vector.broadcast %broadcast_in_dim3A_907 : i32 to vector<16xi32>
      %gather3A_909 = tpu.vector_load_idx %arg10[%add3A_717, %broadcast_in_dim3A_908] : memref<512x32xf32, #tpu.memory_space<vmem>>[vector<16xi32>, vector<16xi32>], vector<16xf32>,
      %gather3A_910 = tpu.vector_load_idx %arg13[%add3A_717, %broadcast_in_dim3A_908] : memref<512x32xf32, #tpu.memory_space<vmem>>[vector<16xi32>, vector<16xi32>], vector<16xf32>,
      %gather3A_911 = tpu.vector_load_idx %arg11[%add3A_717, %broadcast_in_dim3A_908] : memref<512x32xf32, #tpu.memory_space<vmem>>[vector<16xi32>, vector<16xi32>], vector<16xf32>,
      %gather3A_912 = tpu.vector_load_idx %arg12[%add3A_717, %broadcast_in_dim3A_908] : memref<512x32xf32, #tpu.memory_space<vmem>>[vector<16xi32>, vector<16xi32>], vector<16xf32>,
      %mul3A_913 = arith.mulf %gather3A_909, %gather3A_910 : vector<16xf32>
      %mul3A_914 = arith.mulf %mul3A_913, %gather3A_911 : vector<16xf32>
      %add3A_915 = arith.addf %add3A_904, %mul3A_914 : vector<16xf32>
      %mul3A_916 = arith.mulf %mul3A_913, %gather3A_912 : vector<16xf32>
      %add3A_917 = arith.addf %add3A_906, %mul3A_916 : vector<16xf32>
      %broadcast_in_dim3A_918 = arith.constant 18 : i32
      %broadcast_in_dim3A_919 = vector.broadcast %broadcast_in_dim3A_918 : i32 to vector<16xi32>
      %gather3A_920 = tpu.vector_load_idx %arg10[%add3A_717, %broadcast_in_dim3A_919] : memref<512x32xf32, #tpu.memory_space<vmem>>[vector<16xi32>, vector<16xi32>], vector<16xf32>,
      %gather3A_921 = tpu.vector_load_idx %arg13[%add3A_717, %broadcast_in_dim3A_919] : memref<512x32xf32, #tpu.memory_space<vmem>>[vector<16xi32>, vector<16xi32>], vector<16xf32>,
      %gather3A_922 = tpu.vector_load_idx %arg11[%add3A_717, %broadcast_in_dim3A_919] : memref<512x32xf32, #tpu.memory_space<vmem>>[vector<16xi32>, vector<16xi32>], vector<16xf32>,
      %gather3A_923 = tpu.vector_load_idx %arg12[%add3A_717, %broadcast_in_dim3A_919] : memref<512x32xf32, #tpu.memory_space<vmem>>[vector<16xi32>, vector<16xi32>], vector<16xf32>,
      %mul3A_924 = arith.mulf %gather3A_920, %gather3A_921 : vector<16xf32>
      %mul3A_925 = arith.mulf %mul3A_924, %gather3A_922 : vector<16xf32>
      %add3A_926 = arith.addf %add3A_915, %mul3A_925 : vector<16xf32>
      %mul3A_927 = arith.mulf %mul3A_924, %gather3A_923 : vector<16xf32>
      %add3A_928 = arith.addf %add3A_917, %mul3A_927 : vector<16xf32>
      %broadcast_in_dim3A_929 = arith.constant 19 : i32
      %broadcast_in_dim3A_930 = vector.broadcast %broadcast_in_dim3A_929 : i32 to vector<16xi32>
      %gather3A_931 = tpu.vector_load_idx %arg10[%add3A_717, %broadcast_in_dim3A_930] : memref<512x32xf32, #tpu.memory_space<vmem>>[vector<16xi32>, vector<16xi32>], vector<16xf32>,
      %gather3A_932 = tpu.vector_load_idx %arg13[%add3A_717, %broadcast_in_dim3A_930] : memref<512x32xf32, #tpu.memory_space<vmem>>[vector<16xi32>, vector<16xi32>], vector<16xf32>,
      %gather3A_933 = tpu.vector_load_idx %arg11[%add3A_717, %broadcast_in_dim3A_930] : memref<512x32xf32, #tpu.memory_space<vmem>>[vector<16xi32>, vector<16xi32>], vector<16xf32>,
      %gather3A_934 = tpu.vector_load_idx %arg12[%add3A_717, %broadcast_in_dim3A_930] : memref<512x32xf32, #tpu.memory_space<vmem>>[vector<16xi32>, vector<16xi32>], vector<16xf32>,
      %mul3A_935 = arith.mulf %gather3A_931, %gather3A_932 : vector<16xf32>
      %mul3A_936 = arith.mulf %mul3A_935, %gather3A_933 : vector<16xf32>
      %add3A_937 = arith.addf %add3A_926, %mul3A_936 : vector<16xf32>
      %mul3A_938 = arith.mulf %mul3A_935, %gather3A_934 : vector<16xf32>
      %add3A_939 = arith.addf %add3A_928, %mul3A_938 : vector<16xf32>
      %broadcast_in_dim3A_940 = arith.constant 20 : i32
      %broadcast_in_dim3A_941 = vector.broadcast %broadcast_in_dim3A_940 : i32 to vector<16xi32>
      %gather3A_942 = tpu.vector_load_idx %arg10[%add3A_717, %broadcast_in_dim3A_941] : memref<512x32xf32, #tpu.memory_space<vmem>>[vector<16xi32>, vector<16xi32>], vector<16xf32>,
      %gather3A_943 = tpu.vector_load_idx %arg13[%add3A_717, %broadcast_in_dim3A_941] : memref<512x32xf32, #tpu.memory_space<vmem>>[vector<16xi32>, vector<16xi32>], vector<16xf32>,
      %gather3A_944 = tpu.vector_load_idx %arg11[%add3A_717, %broadcast_in_dim3A_941] : memref<512x32xf32, #tpu.memory_space<vmem>>[vector<16xi32>, vector<16xi32>], vector<16xf32>,
      %gather3A_945 = tpu.vector_load_idx %arg12[%add3A_717, %broadcast_in_dim3A_941] : memref<512x32xf32, #tpu.memory_space<vmem>>[vector<16xi32>, vector<16xi32>], vector<16xf32>,
      %mul3A_946 = arith.mulf %gather3A_942, %gather3A_943 : vector<16xf32>
      %mul3A_947 = arith.mulf %mul3A_946, %gather3A_944 : vector<16xf32>
      %add3A_948 = arith.addf %add3A_937, %mul3A_947 : vector<16xf32>
      %mul3A_949 = arith.mulf %mul3A_946, %gather3A_945 : vector<16xf32>
      %add3A_950 = arith.addf %add3A_939, %mul3A_949 : vector<16xf32>
      %broadcast_in_dim3A_951 = arith.constant 21 : i32
      %broadcast_in_dim3A_952 = vector.broadcast %broadcast_in_dim3A_951 : i32 to vector<16xi32>
      %gather3A_953 = tpu.vector_load_idx %arg10[%add3A_717, %broadcast_in_dim3A_952] : memref<512x32xf32, #tpu.memory_space<vmem>>[vector<16xi32>, vector<16xi32>], vector<16xf32>,
      %gather3A_954 = tpu.vector_load_idx %arg13[%add3A_717, %broadcast_in_dim3A_952] : memref<512x32xf32, #tpu.memory_space<vmem>>[vector<16xi32>, vector<16xi32>], vector<16xf32>,
      %gather3A_955 = tpu.vector_load_idx %arg11[%add3A_717, %broadcast_in_dim3A_952] : memref<512x32xf32, #tpu.memory_space<vmem>>[vector<16xi32>, vector<16xi32>], vector<16xf32>,
      %gather3A_956 = tpu.vector_load_idx %arg12[%add3A_717, %broadcast_in_dim3A_952] : memref<512x32xf32, #tpu.memory_space<vmem>>[vector<16xi32>, vector<16xi32>], vector<16xf32>,
      %mul3A_957 = arith.mulf %gather3A_953, %gather3A_954 : vector<16xf32>
      %mul3A_958 = arith.mulf %mul3A_957, %gather3A_955 : vector<16xf32>
      %add3A_959 = arith.addf %add3A_948, %mul3A_958 : vector<16xf32>
      %mul3A_960 = arith.mulf %mul3A_957, %gather3A_956 : vector<16xf32>
      %add3A_961 = arith.addf %add3A_950, %mul3A_960 : vector<16xf32>
      %broadcast_in_dim3A_962 = arith.constant 22 : i32
      %broadcast_in_dim3A_963 = vector.broadcast %broadcast_in_dim3A_962 : i32 to vector<16xi32>
      %gather3A_964 = tpu.vector_load_idx %arg10[%add3A_717, %broadcast_in_dim3A_963] : memref<512x32xf32, #tpu.memory_space<vmem>>[vector<16xi32>, vector<16xi32>], vector<16xf32>,
      %gather3A_965 = tpu.vector_load_idx %arg13[%add3A_717, %broadcast_in_dim3A_963] : memref<512x32xf32, #tpu.memory_space<vmem>>[vector<16xi32>, vector<16xi32>], vector<16xf32>,
      %gather3A_966 = tpu.vector_load_idx %arg11[%add3A_717, %broadcast_in_dim3A_963] : memref<512x32xf32, #tpu.memory_space<vmem>>[vector<16xi32>, vector<16xi32>], vector<16xf32>,
      %gather3A_967 = tpu.vector_load_idx %arg12[%add3A_717, %broadcast_in_dim3A_963] : memref<512x32xf32, #tpu.memory_space<vmem>>[vector<16xi32>, vector<16xi32>], vector<16xf32>,
      %mul3A_968 = arith.mulf %gather3A_964, %gather3A_965 : vector<16xf32>
      %mul3A_969 = arith.mulf %mul3A_968, %gather3A_966 : vector<16xf32>
      %add3A_970 = arith.addf %add3A_959, %mul3A_969 : vector<16xf32>
      %mul3A_971 = arith.mulf %mul3A_968, %gather3A_967 : vector<16xf32>
      %add3A_972 = arith.addf %add3A_961, %mul3A_971 : vector<16xf32>
      %broadcast_in_dim3A_973 = arith.constant 23 : i32
      %broadcast_in_dim3A_974 = vector.broadcast %broadcast_in_dim3A_973 : i32 to vector<16xi32>
      %gather3A_975 = tpu.vector_load_idx %arg10[%add3A_717, %broadcast_in_dim3A_974] : memref<512x32xf32, #tpu.memory_space<vmem>>[vector<16xi32>, vector<16xi32>], vector<16xf32>,
      %gather3A_976 = tpu.vector_load_idx %arg13[%add3A_717, %broadcast_in_dim3A_974] : memref<512x32xf32, #tpu.memory_space<vmem>>[vector<16xi32>, vector<16xi32>], vector<16xf32>,
      %gather3A_977 = tpu.vector_load_idx %arg11[%add3A_717, %broadcast_in_dim3A_974] : memref<512x32xf32, #tpu.memory_space<vmem>>[vector<16xi32>, vector<16xi32>], vector<16xf32>,
      %gather3A_978 = tpu.vector_load_idx %arg12[%add3A_717, %broadcast_in_dim3A_974] : memref<512x32xf32, #tpu.memory_space<vmem>>[vector<16xi32>, vector<16xi32>], vector<16xf32>,
      %mul3A_979 = arith.mulf %gather3A_975, %gather3A_976 : vector<16xf32>
      %mul3A_980 = arith.mulf %mul3A_979, %gather3A_977 : vector<16xf32>
      %add3A_981 = arith.addf %add3A_970, %mul3A_980 : vector<16xf32>
      %mul3A_982 = arith.mulf %mul3A_979, %gather3A_978 : vector<16xf32>
      %add3A_983 = arith.addf %add3A_972, %mul3A_982 : vector<16xf32>
      %broadcast_in_dim3A_984 = arith.constant 24 : i32
      %broadcast_in_dim3A_985 = vector.broadcast %broadcast_in_dim3A_984 : i32 to vector<16xi32>
      %gather3A_986 = tpu.vector_load_idx %arg10[%add3A_717, %broadcast_in_dim3A_985] : memref<512x32xf32, #tpu.memory_space<vmem>>[vector<16xi32>, vector<16xi32>], vector<16xf32>,
      %gather3A_987 = tpu.vector_load_idx %arg13[%add3A_717, %broadcast_in_dim3A_985] : memref<512x32xf32, #tpu.memory_space<vmem>>[vector<16xi32>, vector<16xi32>], vector<16xf32>,
      %gather3A_988 = tpu.vector_load_idx %arg11[%add3A_717, %broadcast_in_dim3A_985] : memref<512x32xf32, #tpu.memory_space<vmem>>[vector<16xi32>, vector<16xi32>], vector<16xf32>,
      %gather3A_989 = tpu.vector_load_idx %arg12[%add3A_717, %broadcast_in_dim3A_985] : memref<512x32xf32, #tpu.memory_space<vmem>>[vector<16xi32>, vector<16xi32>], vector<16xf32>,
      %mul3A_990 = arith.mulf %gather3A_986, %gather3A_987 : vector<16xf32>
      %mul3A_991 = arith.mulf %mul3A_990, %gather3A_988 : vector<16xf32>
      %add3A_992 = arith.addf %add3A_981, %mul3A_991 : vector<16xf32>
      %mul3A_993 = arith.mulf %mul3A_990, %gather3A_989 : vector<16xf32>
      %add3A_994 = arith.addf %add3A_983, %mul3A_993 : vector<16xf32>
      %broadcast_in_dim3A_995 = arith.constant 25 : i32
      %broadcast_in_dim3A_996 = vector.broadcast %broadcast_in_dim3A_995 : i32 to vector<16xi32>
      %gather3A_997 = tpu.vector_load_idx %arg10[%add3A_717, %broadcast_in_dim3A_996] : memref<512x32xf32, #tpu.memory_space<vmem>>[vector<16xi32>, vector<16xi32>], vector<16xf32>,
      %gather3A_998 = tpu.vector_load_idx %arg13[%add3A_717, %broadcast_in_dim3A_996] : memref<512x32xf32, #tpu.memory_space<vmem>>[vector<16xi32>, vector<16xi32>], vector<16xf32>,
      %gather3A_999 = tpu.vector_load_idx %arg11[%add3A_717, %broadcast_in_dim3A_996] : memref<512x32xf32, #tpu.memory_space<vmem>>[vector<16xi32>, vector<16xi32>], vector<16xf32>,
      %gather3A_1000 = tpu.vector_load_idx %arg12[%add3A_717, %broadcast_in_dim3A_996] : memref<512x32xf32, #tpu.memory_space<vmem>>[vector<16xi32>, vector<16xi32>], vector<16xf32>,
      %mul3A_1001 = arith.mulf %gather3A_997, %gather3A_998 : vector<16xf32>
      %mul3A_1002 = arith.mulf %mul3A_1001, %gather3A_999 : vector<16xf32>
      %add3A_1003 = arith.addf %add3A_992, %mul3A_1002 : vector<16xf32>
      %mul3A_1004 = arith.mulf %mul3A_1001, %gather3A_1000 : vector<16xf32>
      %add3A_1005 = arith.addf %add3A_994, %mul3A_1004 : vector<16xf32>
      %broadcast_in_dim3A_1006 = arith.constant 26 : i32
      %broadcast_in_dim3A_1007 = vector.broadcast %broadcast_in_dim3A_1006 : i32 to vector<16xi32>
      %gather3A_1008 = tpu.vector_load_idx %arg10[%add3A_717, %broadcast_in_dim3A_1007] : memref<512x32xf32, #tpu.memory_space<vmem>>[vector<16xi32>, vector<16xi32>], vector<16xf32>,
      %gather3A_1009 = tpu.vector_load_idx %arg13[%add3A_717, %broadcast_in_dim3A_1007] : memref<512x32xf32, #tpu.memory_space<vmem>>[vector<16xi32>, vector<16xi32>], vector<16xf32>,
      %gather3A_1010 = tpu.vector_load_idx %arg11[%add3A_717, %broadcast_in_dim3A_1007] : memref<512x32xf32, #tpu.memory_space<vmem>>[vector<16xi32>, vector<16xi32>], vector<16xf32>,
      %gather3A_1011 = tpu.vector_load_idx %arg12[%add3A_717, %broadcast_in_dim3A_1007] : memref<512x32xf32, #tpu.memory_space<vmem>>[vector<16xi32>, vector<16xi32>], vector<16xf32>,
      %mul3A_1012 = arith.mulf %gather3A_1008, %gather3A_1009 : vector<16xf32>
      %mul3A_1013 = arith.mulf %mul3A_1012, %gather3A_1010 : vector<16xf32>
      %add3A_1014 = arith.addf %add3A_1003, %mul3A_1013 : vector<16xf32>
      %mul3A_1015 = arith.mulf %mul3A_1012, %gather3A_1011 : vector<16xf32>
      %add3A_1016 = arith.addf %add3A_1005, %mul3A_1015 : vector<16xf32>
      %broadcast_in_dim3A_1017 = arith.constant 27 : i32
      %broadcast_in_dim3A_1018 = vector.broadcast %broadcast_in_dim3A_1017 : i32 to vector<16xi32>
      %gather3A_1019 = tpu.vector_load_idx %arg10[%add3A_717, %broadcast_in_dim3A_1018] : memref<512x32xf32, #tpu.memory_space<vmem>>[vector<16xi32>, vector<16xi32>], vector<16xf32>,
      %gather3A_1020 = tpu.vector_load_idx %arg13[%add3A_717, %broadcast_in_dim3A_1018] : memref<512x32xf32, #tpu.memory_space<vmem>>[vector<16xi32>, vector<16xi32>], vector<16xf32>,
      %gather3A_1021 = tpu.vector_load_idx %arg11[%add3A_717, %broadcast_in_dim3A_1018] : memref<512x32xf32, #tpu.memory_space<vmem>>[vector<16xi32>, vector<16xi32>], vector<16xf32>,
      %gather3A_1022 = tpu.vector_load_idx %arg12[%add3A_717, %broadcast_in_dim3A_1018] : memref<512x32xf32, #tpu.memory_space<vmem>>[vector<16xi32>, vector<16xi32>], vector<16xf32>,
      %mul3A_1023 = arith.mulf %gather3A_1019, %gather3A_1020 : vector<16xf32>
      %mul3A_1024 = arith.mulf %mul3A_1023, %gather3A_1021 : vector<16xf32>
      %add3A_1025 = arith.addf %add3A_1014, %mul3A_1024 : vector<16xf32>
      %mul3A_1026 = arith.mulf %mul3A_1023, %gather3A_1022 : vector<16xf32>
      %add3A_1027 = arith.addf %add3A_1016, %mul3A_1026 : vector<16xf32>
      %broadcast_in_dim3A_1028 = arith.constant 28 : i32
      %broadcast_in_dim3A_1029 = vector.broadcast %broadcast_in_dim3A_1028 : i32 to vector<16xi32>
      %gather3A_1030 = tpu.vector_load_idx %arg10[%add3A_717, %broadcast_in_dim3A_1029] : memref<512x32xf32, #tpu.memory_space<vmem>>[vector<16xi32>, vector<16xi32>], vector<16xf32>,
      %gather3A_1031 = tpu.vector_load_idx %arg13[%add3A_717, %broadcast_in_dim3A_1029] : memref<512x32xf32, #tpu.memory_space<vmem>>[vector<16xi32>, vector<16xi32>], vector<16xf32>,
      %gather3A_1032 = tpu.vector_load_idx %arg11[%add3A_717, %broadcast_in_dim3A_1029] : memref<512x32xf32, #tpu.memory_space<vmem>>[vector<16xi32>, vector<16xi32>], vector<16xf32>,
      %gather3A_1033 = tpu.vector_load_idx %arg12[%add3A_717, %broadcast_in_dim3A_1029] : memref<512x32xf32, #tpu.memory_space<vmem>>[vector<16xi32>, vector<16xi32>], vector<16xf32>,
      %mul3A_1034 = arith.mulf %gather3A_1030, %gather3A_1031 : vector<16xf32>
      %mul3A_1035 = arith.mulf %mul3A_1034, %gather3A_1032 : vector<16xf32>
      %add3A_1036 = arith.addf %add3A_1025, %mul3A_1035 : vector<16xf32>
      %mul3A_1037 = arith.mulf %mul3A_1034, %gather3A_1033 : vector<16xf32>
      %add3A_1038 = arith.addf %add3A_1027, %mul3A_1037 : vector<16xf32>
      %broadcast_in_dim3A_1039 = arith.constant 29 : i32
      %broadcast_in_dim3A_1040 = vector.broadcast %broadcast_in_dim3A_1039 : i32 to vector<16xi32>
      %gather3A_1041 = tpu.vector_load_idx %arg10[%add3A_717, %broadcast_in_dim3A_1040] : memref<512x32xf32, #tpu.memory_space<vmem>>[vector<16xi32>, vector<16xi32>], vector<16xf32>,
      %gather3A_1042 = tpu.vector_load_idx %arg13[%add3A_717, %broadcast_in_dim3A_1040] : memref<512x32xf32, #tpu.memory_space<vmem>>[vector<16xi32>, vector<16xi32>], vector<16xf32>,
      %gather3A_1043 = tpu.vector_load_idx %arg11[%add3A_717, %broadcast_in_dim3A_1040] : memref<512x32xf32, #tpu.memory_space<vmem>>[vector<16xi32>, vector<16xi32>], vector<16xf32>,
      %gather3A_1044 = tpu.vector_load_idx %arg12[%add3A_717, %broadcast_in_dim3A_1040] : memref<512x32xf32, #tpu.memory_space<vmem>>[vector<16xi32>, vector<16xi32>], vector<16xf32>,
      %mul3A_1045 = arith.mulf %gather3A_1041, %gather3A_1042 : vector<16xf32>
      %mul3A_1046 = arith.mulf %mul3A_1045, %gather3A_1043 : vector<16xf32>
      %add3A_1047 = arith.addf %add3A_1036, %mul3A_1046 : vector<16xf32>
      %mul3A_1048 = arith.mulf %mul3A_1045, %gather3A_1044 : vector<16xf32>
      %add3A_1049 = arith.addf %add3A_1038, %mul3A_1048 : vector<16xf32>
      %broadcast_in_dim3A_1050 = arith.constant 30 : i32
      %broadcast_in_dim3A_1051 = vector.broadcast %broadcast_in_dim3A_1050 : i32 to vector<16xi32>
      %gather3A_1052 = tpu.vector_load_idx %arg10[%add3A_717, %broadcast_in_dim3A_1051] : memref<512x32xf32, #tpu.memory_space<vmem>>[vector<16xi32>, vector<16xi32>], vector<16xf32>,
      %gather3A_1053 = tpu.vector_load_idx %arg13[%add3A_717, %broadcast_in_dim3A_1051] : memref<512x32xf32, #tpu.memory_space<vmem>>[vector<16xi32>, vector<16xi32>], vector<16xf32>,
      %gather3A_1054 = tpu.vector_load_idx %arg11[%add3A_717, %broadcast_in_dim3A_1051] : memref<512x32xf32, #tpu.memory_space<vmem>>[vector<16xi32>, vector<16xi32>], vector<16xf32>,
      %gather3A_1055 = tpu.vector_load_idx %arg12[%add3A_717, %broadcast_in_dim3A_1051] : memref<512x32xf32, #tpu.memory_space<vmem>>[vector<16xi32>, vector<16xi32>], vector<16xf32>,
      %mul3A_1056 = arith.mulf %gather3A_1052, %gather3A_1053 : vector<16xf32>
      %mul3A_1057 = arith.mulf %mul3A_1056, %gather3A_1054 : vector<16xf32>
      %add3A_1058 = arith.addf %add3A_1047, %mul3A_1057 : vector<16xf32>
      %mul3A_1059 = arith.mulf %mul3A_1056, %gather3A_1055 : vector<16xf32>
      %add3A_1060 = arith.addf %add3A_1049, %mul3A_1059 : vector<16xf32>
      %broadcast_in_dim3A_1061 = arith.constant 31 : i32
      %broadcast_in_dim3A_1062 = vector.broadcast %broadcast_in_dim3A_1061 : i32 to vector<16xi32>
      %gather3A_1063 = tpu.vector_load_idx %arg10[%add3A_717, %broadcast_in_dim3A_1062] : memref<512x32xf32, #tpu.memory_space<vmem>>[vector<16xi32>, vector<16xi32>], vector<16xf32>,
      %gather3A_1064 = tpu.vector_load_idx %arg13[%add3A_717, %broadcast_in_dim3A_1062] : memref<512x32xf32, #tpu.memory_space<vmem>>[vector<16xi32>, vector<16xi32>], vector<16xf32>,
      %gather3A_1065 = tpu.vector_load_idx %arg11[%add3A_717, %broadcast_in_dim3A_1062] : memref<512x32xf32, #tpu.memory_space<vmem>>[vector<16xi32>, vector<16xi32>], vector<16xf32>,
      %gather3A_1066 = tpu.vector_load_idx %arg12[%add3A_717, %broadcast_in_dim3A_1062] : memref<512x32xf32, #tpu.memory_space<vmem>>[vector<16xi32>, vector<16xi32>], vector<16xf32>,
      %mul3A_1067 = arith.mulf %gather3A_1063, %gather3A_1064 : vector<16xf32>
      %mul3A_1068 = arith.mulf %mul3A_1067, %gather3A_1065 : vector<16xf32>
      %add3A_1069 = arith.addf %add3A_1058, %mul3A_1068 : vector<16xf32>
      %mul3A_1070 = arith.mulf %mul3A_1067, %gather3A_1066 : vector<16xf32>
      %add3A_1071 = arith.addf %add3A_1060, %mul3A_1070 : vector<16xf32>
      %mul3A_1072 = arith.constant 16 : i32
      %mul3A_1073 = arith.muli %add3A_713, %mul3A_1072 : i32
      %swap3A = arith.index_cast %mul3A_1073 : i32 to index
      %swap3A_1074 = tpu.vector_load %arg14[%swap3A] {strides = array<i32>} : memref<512xf32, #tpu.memory_space<vmem>>, vector<16xf32>,
      tpu.vector_store %arg14[%swap3A], %add3A_1069 {strides = array<i32>} : memref<512xf32, #tpu.memory_space<vmem>>, vector<16xf32>,
      %mul3A_1075 = arith.constant 16 : i32
      %mul3A_1076 = arith.muli %add3A_713, %mul3A_1075 : i32
      %swap3A_1077 = arith.index_cast %mul3A_1076 : i32 to index
      %swap3A_1078 = tpu.vector_load %arg15[%swap3A_1077] {strides = array<i32>} : memref<512xf32, #tpu.memory_space<vmem>>, vector<16xf32>,
      tpu.vector_store %arg15[%swap3A_1077], %add3A_1071 {strides = array<i32>} : memref<512xf32, #tpu.memory_space<vmem>>, vector<16xf32>,
    }
    %scan3A_708 = arith.constant 32 : i32
    "tpu.region"() ({
      %run_scoped3A = tpu.sem_alloc : memref<!tpu.dma_semaphore, #tpu.memory_space<semaphore_mem>>
      %dma_start3A_709 = tpu.memref_slice %arg7[%mul3A_2] : memref<16384xf32, #tpu.memory_space<hbm>> -> memref<512xf32, #tpu.memory_space<hbm>>
      %dma_start3A_710 = tpu.memref_slice %arg7[%mul3A_2] : memref<16384xf32, #tpu.memory_space<hbm>> -> memref<512xf32, #tpu.memory_space<hbm>>
      tpu.enqueue_dma source(%arg14 : memref<512xf32, #tpu.memory_space<vmem>>) target(%dma_start3A_710 : memref<512xf32, #tpu.memory_space<hbm>>) target_semaphore(%run_scoped3A : memref<!tpu.dma_semaphore, #tpu.memory_space<semaphore_mem>>)
      %dma_wait3A_711 = tpu.memref_slice %arg7[%mul3A_2] : memref<16384xf32, #tpu.memory_space<hbm>> -> memref<512xf32, #tpu.memory_space<hbm>>
      %dma_wait3A_712 = tpu.memref_slice %arg7[%mul3A_2] : memref<16384xf32, #tpu.memory_space<hbm>> -> memref<512xf32, #tpu.memory_space<hbm>>
      tpu.wait_dma2 semaphore(%run_scoped3A : memref<!tpu.dma_semaphore, #tpu.memory_space<semaphore_mem>>) src(%arg14 : memref<512xf32, #tpu.memory_space<vmem>>) dst(%dma_wait3A_712 : memref<512xf32, #tpu.memory_space<hbm>>)
      tpu.yield
    }) : () -> ()
    "tpu.region"() ({
      %run_scoped3A = tpu.sem_alloc : memref<!tpu.dma_semaphore, #tpu.memory_space<semaphore_mem>>
      %dma_start3A_709 = tpu.memref_slice %arg8[%mul3A_2] : memref<16384xf32, #tpu.memory_space<hbm>> -> memref<512xf32, #tpu.memory_space<hbm>>
      %dma_start3A_710 = tpu.memref_slice %arg8[%mul3A_2] : memref<16384xf32, #tpu.memory_space<hbm>> -> memref<512xf32, #tpu.memory_space<hbm>>
      tpu.enqueue_dma source(%arg15 : memref<512xf32, #tpu.memory_space<vmem>>) target(%dma_start3A_710 : memref<512xf32, #tpu.memory_space<hbm>>) target_semaphore(%run_scoped3A : memref<!tpu.dma_semaphore, #tpu.memory_space<semaphore_mem>>)
      %dma_wait3A_711 = tpu.memref_slice %arg8[%mul3A_2] : memref<16384xf32, #tpu.memory_space<hbm>> -> memref<512xf32, #tpu.memory_space<hbm>>
      %dma_wait3A_712 = tpu.memref_slice %arg8[%mul3A_2] : memref<16384xf32, #tpu.memory_space<hbm>> -> memref<512xf32, #tpu.memory_space<hbm>>
      tpu.wait_dma2 semaphore(%run_scoped3A : memref<!tpu.dma_semaphore, #tpu.memory_space<semaphore_mem>>) src(%arg15 : memref<512xf32, #tpu.memory_space<vmem>>) dst(%dma_wait3A_712 : memref<512xf32, #tpu.memory_space<hbm>>)
      tpu.yield
    }) : () -> ()
    return
  }
}

</mosaic_0001>

<sc_bundles>
// kernel: kernel.3.cloned.1.call-start
scs
__scs_entry_jumppad:
0x0: {  	(pc) =	sbr.rel $0x88, $3  }
0x1: {  	(tag) =	ssettag $0x0;
	lr =	simm.s32 $0x1  }
0x2: {  	[smem:$0x3F9C] =	sst lr;
	_ =	strace $0xD0000000  }
0x3: {  	_ = 	snop  }
0x4: {  	_ = 	snop  }
0x5: {  	_ = 	snop  }
0x6: {  	_ = 	snop  }
0x7: {  	_ = 	snop  }
__scs_overlays_trampoline_lowered:
0x8: {  	[smem:$0x3FAB] =	sst s0  }
0x9: {  	[smem:$0x3FAC] =	sst s1  }
0xa: {  	[smem:$0x3FAD] =	sst s2  }
0xb: {  	[smem:$0x3FAE] =	sst s3  }
0xc: {  	[smem:$0x3FAF] =	sst s4  }
0xd: {  	[smem:$0x3FB0] =	sst s5  }
0xe: {  	[smem:$0x3FB1] =	sst s6  }
0xf: {  	[smem:$0x3FB2] =	sst s7  }
0x10: {  	[smem:$0x3FB3] =	sst s8  }
0x11: {  	[smem:$0x3FB4] =	sst s9;
	s0 =	simm.s32 @!p0 $0x0  }
0x12: {  	s1 =	sld [smem:$0x3F9A];
	s0 =	simm.s32 @p0 $0x1  }
0x13: {  	[smem:$0x3FB5] =	sst s0;
	s0 =	simm.s32 @!p1 $0x0  }
0x14: {  	s2 =	sld [smem:$0x3F99];
	s0 =	simm.s32 @p1 $0x1  }
0x15: {  	[smem:$0x3FB6] =	sst s0;
	s0 =	simm.s32 @!p2 $0x0  }
0x16: {  	s3 =	sld [smem:$0x3FDB];
	s0 =	simm.s32 @p2 $0x1  }
0x17: {  	s4 =	simm.s32 $0x1BF5;
	[smem:$0x3FB8] =	sst s0  }
0x18: {  	s0 =	sld [smem:$0x3F9B];
	_ =	swait.ge [sflag:s4], $0x0  }
0x19: {  	s7 =	sld [smem:$0x3F9C]  }
0x1a: {  	s8 =	sadd.s32 $0xFFFFE003, lr  }
0x1b: {  	s9 =	sadd.s32 $0xFFFFFEF7, lr;
	s5 =	simm.s32 $0xFFFFFFFF;
	p2 =	slt.u32 s8, $0xFFFFF086  }
0x1c: {  	p1 =	slt.u32 s9, $0xF7A;
	s5 =	simm.s32 @!p2 $0x0  }
0x1d: {  	s5 =	simm.s32 @p1 $0x1;
	p0 =	seq.s32 s7, s2  }
0x1e: {  	s7 =	smul.u32 @!p0 $0xF7A, s2;
	p2 =	seq.s32 @!p0 s5, $0x0  }
0x1f: {  	s9 =	smul.u32 $0xF7A, s1;
	s8 =	simm.s32 @!p0 $0x1BF5;
	p2 =	por !p2, p0  }
0x20: {  	[sflag:s8] =	ssyncset.s32 @!p0 $0xFFFFF086;
	s6 =	sadd.s32 @!p0 s3, s7;
	s7 =	simm.s32 @!p0 $0x108  }
0x21: {  	s3 =	sadd.s32 s3, s9;
	s6 =	sadd.s32 @!p0 $0x88, s6;
	s7 =	simm.s32 @p2 $0x1082  }
0x22: {  	[simem:s7], [sflag:s8] =	dma.local @!p0 [hbm:s6], $0xF7A  }
0x23: {  	s9 =	sor.u32 $0xD0000000, s2;
	s6 =	simm.s32 $0x108;
	_ =	swait.ge @!p0 [sflag:s8], $0x0  }
0x24: {  	s3 =	sadd.s32 $0x88, s3;
	s6 =	simm.s32 @!p1 $0x1082;
	[sflag:s4] =	ssyncset.s32 $0xFFFFF086  }
0x25: {  	[simem:s6], [sflag:s4] =	dma.local [hbm:s3], $0xF7A  }
0x26: {  	[smem:$0x3F9C] =	sst s1;
	(tag) =	ssettag s2;
	_ =	strace s9  }
0x27: {  	s1 =	sld [smem:$0x3FAC]  }
0x28: {  	s2 =	sld [smem:$0x3FAD]  }
0x29: {  	s4 =	sld [smem:$0x3FAF]  }
0x2a: {  	p0 =	seq.s32 s5, $0x0;
	s5 =	sld [smem:$0x3FB0]  }
0x2b: {  	s6 =	sld [smem:$0x3FB1]  }
0x2c: {  	s7 =	sld [smem:$0x3FB2]  }
0x2d: {  	s3 =	simm.s32 $0x108;
	s8 =	sld [smem:$0x3FB3]  }
0x2e: {  	s3 =	simm.s32 @!p0 $0x1082;
	s9 =	sld [smem:$0x3FB4]  }
0x2f: {  	lr =	sadd.s32 s0, s3;
	s0 =	sld [smem:$0x3FAB]  }
0x30: {  	s3 =	sld [smem:$0x3FAE]  }
0x31: {  	[smem:$0x3FB7] =	sst s10  }
0x32: {  	s10 =	sld [smem:$0x3FB5];
	_ =	sdelay $0x3  }
0x33: {  	p0 =	seq.s32 s10, $0x1;
	s10 =	sld [smem:$0x3FB7];
	_ =	sdelay $0x3  }
0x34: {  	[smem:$0x3FB7] =	sst s10  }
0x35: {  	s10 =	sld [smem:$0x3FB6];
	_ =	sdelay $0x3  }
0x36: {  	p1 =	seq.s32 s10, $0x1;
	s10 =	sld [smem:$0x3FB7];
	_ =	sdelay $0x3  }
0x37: {  	[smem:$0x3FB7] =	sst s10  }
0x38: {  	s10 =	sld [smem:$0x3FB8]  }
0x39: {  	_ = 	snop;
	(pc) =	sbr.ind lr, $3  }
0x3a: {  	_ = 	snop  }
0x3b: {  	_ = 	snop  }
0x3c: {  	p2 =	seq.s32 s10, $0x1;
	s10 =	sld [smem:$0x3FB7]  }
0x3d: {  	_ =	shalt  }
0x3e: {  	_ =	shalt  }
0x3f: {  	_ =	shalt  }
0x40: {  	_ =	shalt  }
0x41: {  	_ =	shalt  }
0x42: {  	_ =	shalt  }
0x43: {  	_ =	shalt  }
0x44: {  	_ =	shalt  }
0x45: {  	_ =	shalt  }
0x46: {  	_ =	shalt  }
0x47: {  	_ =	shalt  }
0x48: {  	_ =	shalt  }
0x49: {  	_ =	shalt  }
0x4a: {  	_ =	shalt  }
0x4b: {  	_ =	shalt  }
0x4c: {  	_ =	shalt  }
0x4d: {  	_ =	shalt  }
0x4e: {  	_ =	shalt  }
0x4f: {  	_ =	shalt  }
0x50: {  	_ =	shalt  }
0x51: {  	_ =	shalt  }
0x52: {  	_ =	shalt  }
0x53: {  	_ =	shalt  }
0x54: {  	_ =	shalt  }
0x55: {  	_ =	shalt  }
0x56: {  	_ =	shalt  }
0x57: {  	_ =	shalt  }
0x58: {  	_ =	shalt  }
0x59: {  	_ =	shalt  }
0x5a: {  	_ =	shalt  }
0x5b: {  	_ =	shalt  }
0x5c: {  	_ =	shalt  }
0x5d: {  	_ =	shalt  }
0x5e: {  	_ =	shalt  }
0x5f: {  	_ =	shalt  }
0x60: {  	_ =	shalt  }
0x61: {  	_ =	shalt  }
0x62: {  	_ =	shalt  }
0x63: {  	_ =	shalt  }
0x64: {  	_ =	shalt  }
0x65: {  	_ =	shalt  }
0x66: {  	_ =	shalt  }
0x67: {  	_ =	shalt  }
0x68: {  	_ =	shalt  }
0x69: {  	_ =	shalt  }
0x6a: {  	_ =	shalt  }
0x6b: {  	_ =	shalt  }
0x6c: {  	_ =	shalt  }
0x6d: {  	_ =	shalt  }
0x6e: {  	_ =	shalt  }
0x6f: {  	_ =	shalt  }
0x70: {  	_ =	shalt  }
0x71: {  	_ =	shalt  }
0x72: {  	_ =	shalt  }
0x73: {  	_ =	shalt  }
0x74: {  	_ =	shalt  }
0x75: {  	_ =	shalt  }
0x76: {  	_ =	shalt  }
0x77: {  	_ =	shalt  }
0x78: {  	_ =	shalt  }
0x79: {  	_ =	shalt  }
0x7a: {  	_ =	shalt  }
0x7b: {  	_ =	shalt  }
0x7c: {  	_ =	shalt  }
0x7d: {  	_ =	shalt  }
0x7e: {  	_ =	shalt  }
0x7f: {  	_ =	shalt  }
0x80: {  	_ =	shalt  }
0x81: {  	_ =	shalt  }
0x82: {  	_ =	shalt  }
0x83: {  	_ =	shalt  }
0x84: {  	_ =	shalt  }
0x85: {  	_ =	shalt  }
0x86: {  	_ =	shalt  }
0x87: {  	_ =	shalt  }
.Lfunc_end0:
.L_simem_size_0:
called_computation_lowered:
.L_overlay_start_0:
0x88: {  	s2 =	sld [smem:$0x3FD9]  }
0x89: {  	s3 =	sld [smem:$0x3FFE];
	_ =	sdelay $0x1  }
0x8a: {  	s1 =	srdreg.scid  }
0x8b: {  	s0 =	sand.u32 $0x1, s1  }
0x8c: {  	s14 =	sshll.u32 s0, $0xA;
	s2 =	sadd.s32 s3, s2  }
0x8d: {  	s2 =	sadd.s32 s2, s14  }
0x8e: {  	[smem:$0x3FC3] =	sst s2  }
0x8f: {  	_ = 	snop  }
0x90: {  	s2 =	sld [smem:$0x3FC9]  }
0x91: {  	s15 =	sld [smem:$0x3FD0]  }
0x92: {  	s4 =	sld [smem:$0x3FC8]  }
0x93: {  	s5 =	sld [smem:$0x3FC7]  }
0x94: {  	s7 =	simm.s32 $0xA;
	s8 =	simm.s32 $0x10;
	s6 =	sld [smem:$0x3FC6]  }
0x95: {  	[smem:s8], [sflag:s7] =	dma.local [hbm:s15], $0x1  }
0x96: {  	_ =	swait.eq [sflag:s7], $0x1  }
0x97: {  	[sflag:s7] =	ssyncset.done $0x0  }
0x98: {  	s16 =	sld [smem:$0x10];
	[sflag:s7] =	ssyncadd.s32 $0xFFFFFFFF  }
0x99: {  	s17 =	sld [smem:$0x11];
	(tm) =	ssettm $0x1  }
0x9a: {  	s18 =	sld [smem:$0x3FFB];
	_ =	sdelay $0x3  }
0x9b: {  	_ =	strace s18  }
0x9c: {  	s8 =	sld [smem:$0x3FFC];
	_ =	sdelay $0x3  }
0x9d: {  	_ =	strace s8  }
0x9e: {  	s8 =	sld [smem:$0x3FFD];
	_ =	sdelay $0x3  }
0x9f: {  	_ =	strace s8  }
0xa0: {  	_ =	strace $0x8FFFFFFF  }
0xa1: {  	s19 =	sld [smem:$0x3FDB];
	_ =	sdelay $0x1  }
0xa2: {  	s9 =	simm.s32 $_scs_section_size  }
0xa3: {  	s10 =	simm.s32 $_size__tile_overlayer_lowered;
	s11 =	simm.s32 $_tile_overlayer_lowered  }
0xa4: {  	s22 =	simm.s32 $0x1BFF;
	s21 =	sshll.u32 s11, $0x1;
	s8 =	sadd.s32 s9, s19  }
0xa5: {  	s12 =	simm.s32 $0x0;
	s20 =	sshll.u32 s10, $0x1;
	s10 =	sadd.s32 s21, s8  }
0xa6: {  	[timem:s12], [sflag:s22] =	dma.local [hbm:s10], s20  }
0xa7: {  	_ =	swait.ge [sflag:s22], s20  }
0xa8: {  	s9 =	ssub.s32 $0x0, s20;
	[sflag:s22] =	ssyncset.done $0x0  }
0xa9: {  	[sflag:s22] =	ssyncadd.s32 s9;
	_ =	sdelay $0x1  }
0xaa: {  	s23 =	simm.s32 $0x1B8B  }
0xab: {  	_ =	swait.ge [sflag:s23], $0x1  }
0xac: {  	[sflag:s23] =	ssyncset.done $0x0  }
0xad: {  	s25 =	simm.s32 $0x1B8E;
	s24 =	sld [smem:$0x3FFE];
	[sflag:s23] =	ssyncadd.s32 $0xFFFFFFFF  }
0xae: {  	s26 =	simm.s32 $execute0_lowered;
	[smem:$0x3FD2] =	sst s25  }
0xaf: {  	s10 =	sshll.u32 s26, $0x1;
	_ =	strace $0x80000046;
	[dreg:$0x1] =	wrdreg $0xFFFFFFFF  }
0xb0: {  	s28 =	simm.s32 $_size_execute0_lowered;
	s8 =	sadd.s32 s8, s10;
	[dreg:$0x0] =	wrdreg $0x0  }
0xb1: {  	s10 =	sshll.u32 s28, $0x1;
	[dreg:$0x2] =	wrdreg s8  }
0xb2: {  	[dreg:$0x3] =	wrdreg s10  }
0xb3: {  	[dreg:$0x4] =	wrdreg $0xC0  }
0xb4: {  	_ =	task [dreg:s12], $0x5FFFF  }
0xb5: {  	[dreg:$0x1] =	wrdreg $0xFFFFFFFF  }
0xb6: {  	[dreg:$0x0] =	wrdreg $0x60  }
0xb7: {  	[dreg:$0x2] =	wrdreg s2  }
0xb8: {  	[dreg:$0x3] =	wrdreg s4  }
0xb9: {  	[dreg:$0x4] =	wrdreg s5  }
0xba: {  	[dreg:$0x5] =	wrdreg s6  }
0xbb: {  	[dreg:$0x6] =	wrdreg s24  }
0xbc: {  	[dreg:$0x7] =	wrdreg s16  }
0xbd: {  	[dreg:$0x8] =	wrdreg s17  }
0xbe: {  	[dreg:$0x9] =	wrdreg $0x9  }
0xbf: {  	_ =	task.clear_ibuf [dreg:s12], $0xAFFFF;
	_ =	strace $0x90000046  }
0xc0: {  	s29 =	simm.s32 $0x9;
	_ =	strace $0x80000048  }
0xc1: {  	_ =	swait.ge [sflag:s29], $0x1  }
0xc2: {  	[sflag:s29] =	ssyncadd.s32 $0xFFFFFFFF  }
0xc3: {  	_ =	strace $0x90000048  }
0xc4: {  	_ =	sfence  }
0xc5: {  	s30 =	sld [smem:$0x0];
	_ =	sdelay $0x2  }
0xc6: {  	s31 =	sshll.u32 s1, $0xD;
	s1 =	sshrl.u32 s1, $0x2  }
0xc7: {  	s3 =	sand.u32 $0x4000, s31;
	s1 =	sadd.s32 s1, s30  }
0xc8: {  	s0 =	sor.u32 s3, s0;
	s1 =	sshll.u32 s1, $0x11  }
0xc9: {  	s0 =	sor.u32 s1, s0  }
0xca: {  	s0 =	sadd.s32 $0x8F2B, s0  }
0xcb: {  	[sflag:s0] =	ssyncadd.remote.s32 $0x1  }
0xcc: {  	_ =	sfence.sel $0xFFFF  }
0xcd: {  	[dreg:$0x0] =	wrdreg $0xFFFFFFFF;
	(pc) =	sbr.abs _section_cstart, $3  }
0xce: {  	[dreg:$0x1] =	wrdreg $0xFFFFFFFF  }
0xcf: {  	_ =	task.clear_ibuf [dreg:s12], $0x2FFFF;
	_ =	strace $0x9FFFFFFF  }
0xd0: {  	(tm) =	ssettm $0x7FFFFFFF  }
0xd1: {  	_ =	shalt  }
tec
execute0_lowered:
.L_overlay_start_1:
0x0: {  	(tag) =	ssettag $0x1  }
0x1: {  	s0 =	rddreg [dreg:$0x0]  }
0x2: {  	s1 =	rddreg [dreg:$0x1]  }
0x3: {  	s4 =	rddreg [dreg:$0x2]  }
0x4: {  	s5 =	rddreg [dreg:$0x3]  }
0x5: {  	s3 =	rddreg [dreg:$0x4]  }
0x6: {  	s6 =	rddreg [dreg:$0x5]  }
0x7: {  	s7 =	rddreg [dreg:$0x6]  }
0x8: {  	s2 =	simm.s32 $0x0;
	s8 =	srdreg.scid;
	s10 =	stileid.u32  }
0x9: {  	s28 =	simm.s32 $0x800;
	s29 =	simm.s32 $0x8800;
	s8 =	sand.u32 $0x1, s8  }
0xa: {  	s10 =	sshll.u32 s10, $0x7;
	s9 =	ssub.s32 $0x2, s8;
	s8 =	sshll.u32 s8, $0x6  }
0xb: {  	s30 =	simm.s32 $0x10800;
	[smem:$0x7FF] =	sst s2;
	s8 =	sor.u32 s8, s10  }
0xc: {  	s31 =	simm.s32 $0x10A00;
	_ =	strace $0x80000047;
	s10 =	sadd.s32 s0, s8  }
0xd: {  	s11 =	sshrl.u32 s9, $0x1;
	s15 =	sadd.s32 s1, s8;
	[dreg:$0x8] =	wrdreg s10  }
0xe: {  	s9 =	ssub.s32 s9, s11;
	s20 =	sadd.s32 s4, s8;
	[dreg:$0xc] =	wrdreg s15  }
0xf: {  	s11 =	sor.u32 $0x10, s8;
	s24 =	sadd.s32 s5, s8;
	[dreg:$0x10] =	wrdreg s20  }
0x10: {  	s13 =	sor.u32 $0x20, s8;
	s12 =	sadd.s32 s0, s11;
	[dreg:$0x14] =	wrdreg s24  }
0x11: {  	s19 =	sor.u32 $0x30, s8;
	s14 =	sadd.s32 s0, s13;
	[dreg:$0x9] =	wrdreg s12  }
0x12: {  	s3 =	sadd.s32 $0xF42C00, s3;
	s0 =	sadd.s32 s0, s19;
	[dreg:$0xa] =	wrdreg s14  }
0x13: {  	s16 =	sadd.s32 s1, s11;
	s17 =	sadd.s32 s1, s13;
	[dreg:$0xb] =	wrdreg s0  }
0x14: {  	s18 =	sadd.s32 s1, s19;
	s21 =	sadd.s32 s4, s11;
	[dreg:$0xd] =	wrdreg s16  }
0x15: {  	s22 =	sadd.s32 s4, s13;
	s23 =	sadd.s32 s4, s19;
	[dreg:$0xe] =	wrdreg s17  }
0x16: {  	s25 =	sadd.s32 s5, s11;
	s26 =	sadd.s32 s5, s13;
	[dreg:$0xf] =	wrdreg s18  }
0x17: {  	s19 =	sadd.s32 s5, s19;
	s20 =	sadd.s32 s6, s8;
	[dreg:$0x11] =	wrdreg s21  }
0x18: {  	s6 =	simm.s32 $0x1;
	s10 =	simm.s32 $0x0;
	[dreg:$0x12] =	wrdreg s22  }
0x19: {  	s4 =	simm.s32 $0x280;
	s13 =	simm.s32 $0x300;
	[dreg:$0x13] =	wrdreg s23  }
0x1a: {  	s24 =	simm.s32 $0x380;
	s15 =	simm.s32 $0x500;
	[dreg:$0x15] =	wrdreg s25  }
0x1b: {  	v0 =	vlaneseq.u32;
	s5 =	simm.s32 $0x580;
	[dreg:$0x16] =	wrdreg s26;
	s21 =	sadd.s32 s7, s8  }
0x1c: {  	v46 =	vmul.u32 $0x20, v0;
	s22 =	smax.u32 s9, $0x1;
	s23 =	simm.s32 $0x80;
	s7 =	simm.s32 $0x4800  }
0x1d: {  	s8 =	simm.s32 $0xC800;
	s9 =	simm.s32 $0x2;
	s12 =	simm.s32 $0x200  }
0x1e: {  	[tilespmem:$0x1FFF0] =	vst v46;
	s14 =	simm.s32 $0x400;
	s25 =	simm.s32 $0x480;
	s26 =	simm.s32 $0x700  }
.LBB2_1:
0x1f: {  	s0 =	rddreg [dreg:$0x8]  }
0x20: {  	[tilespmem:s2], [sflag:$0x1] =	stream.linear.gather [hbm4b:s0+s2], $0x80, $0x38;
	[tilespmem:$0x10C00] =	vst v63  }
0x21: {  	s16 =	rddreg [dreg:$0x9]  }
0x22: {  	[tilespmem:s23], [sflag:$0x1] =	stream.linear.gather [hbm4b:s16+s2], $0x80, $0x38;
	[tilespmem:$0x10C00] =	vst v63  }
0x23: {  	s17 =	rddreg [dreg:$0xa];
	s1 =	simm.s32 $0x100  }
0x24: {  	[tilespmem:s1], [sflag:$0x1] =	stream.linear.gather [hbm4b:s17+s2], $0x80, $0x38;
	[tilespmem:$0x10C00] =	vst v63  }
0x25: {  	s18 =	rddreg [dreg:$0xb];
	s11 =	simm.s32 $0x180  }
0x26: {  	[tilespmem:s11], [sflag:$0x1] =	stream.linear.gather [hbm4b:s18+s2], $0x80, $0x38;
	[tilespmem:$0x10C00] =	vst v63  }
0x27: {  	s16 =	rddreg [dreg:$0xc]  }
0x28: {  	[tilespmem:s12], [sflag:$0x1] =	stream.linear.gather [hbm4b:s16+s2], $0x80, $0x38;
	[tilespmem:$0x10C00] =	vst v63  }
0x29: {  	s17 =	rddreg [dreg:$0xd]  }
0x2a: {  	[tilespmem:s4], [sflag:$0x1] =	stream.linear.gather [hbm4b:s17+s2], $0x80, $0x38;
	[tilespmem:$0x10C00] =	vst v63  }
0x2b: {  	s18 =	rddreg [dreg:$0xe]  }
0x2c: {  	[tilespmem:s13], [sflag:$0x1] =	stream.linear.gather [hbm4b:s18+s2], $0x80, $0x38;
	[tilespmem:$0x10C00] =	vst v63  }
0x2d: {  	s16 =	rddreg [dreg:$0xf]  }
0x2e: {  	[tilespmem:s24], [sflag:$0x1] =	stream.linear.gather [hbm4b:s16+s2], $0x80, $0x38;
	[tilespmem:$0x10C00] =	vst v63  }
0x2f: {  	s17 =	rddreg [dreg:$0x10]  }
0x30: {  	[tilespmem:s14], [sflag:$0x1] =	stream.linear.gather [hbm4b:s17+s2], $0x80, $0x38;
	[tilespmem:$0x10C00] =	vst v63  }
0x31: {  	s18 =	rddreg [dreg:$0x11]  }
0x32: {  	[tilespmem:s25], [sflag:$0x1] =	stream.linear.gather [hbm4b:s18+s2], $0x80, $0x38;
	[tilespmem:$0x10C00] =	vst v63  }
0x33: {  	s16 =	rddreg [dreg:$0x12]  }
0x34: {  	[tilespmem:s15], [sflag:$0x1] =	stream.linear.gather [hbm4b:s16+s2], $0x80, $0x38;
	[tilespmem:$0x10C00] =	vst v63  }
0x35: {  	s17 =	rddreg [dreg:$0x13]  }
0x36: {  	[tilespmem:s5], [sflag:$0x1] =	stream.linear.gather [hbm4b:s17+s2], $0x80, $0x38;
	[tilespmem:$0x10C00] =	vst v63  }
0x37: {  	s0 =	simm.s32 $0x600;
	s16 =	rddreg [dreg:$0x14]  }
0x38: {  	[tilespmem:s0], [sflag:$0x1] =	stream.linear.gather [hbm4b:s16+s2], $0x80, $0x38;
	[tilespmem:$0x10C00] =	vst v63  }
0x39: {  	s17 =	rddreg [dreg:$0x15];
	s16 =	simm.s32 $0x680  }
0x3a: {  	[tilespmem:s16], [sflag:$0x1] =	stream.linear.gather [hbm4b:s17+s2], $0x80, $0x38;
	[tilespmem:$0x10C00] =	vst v63  }
0x3b: {  	s18 =	rddreg [dreg:$0x16]  }
0x3c: {  	[tilespmem:s26], [sflag:$0x1] =	stream.linear.gather [hbm4b:s18+s2], $0x80, $0x38;
	[tilespmem:$0x10C00] =	vst v63  }
0x3d: {  	s17 =	simm.s32 $0x780  }
0x3e: {  	[tilespmem:s17], [sflag:$0x1] =	stream.linear.gather [hbm4b:s19+s2], $0x80, $0x38;
	[tilespmem:$0x10C00] =	vst v63  }
0x3f: {  	_ =	swait.ge [sflag:s6], $0x80  }
0x40: {  	[sflag:s6] =	ssyncset.done $0x0  }
0x41: {  	[sflag:s6] =	ssyncadd.s32 $0xFFFFFF80  }
0x42: {  	_ =	swait.ge [sflag:s6], $0x80  }
0x43: {  	[sflag:s6] =	ssyncset.done $0x0  }
0x44: {  	[sflag:s6] =	ssyncadd.s32 $0xFFFFFF80  }
0x45: {  	_ =	swait.ge [sflag:s6], $0x80  }
0x46: {  	[sflag:s6] =	ssyncset.done $0x0  }
0x47: {  	[sflag:s6] =	ssyncadd.s32 $0xFFFFFF80  }
0x48: {  	_ =	swait.ge [sflag:s6], $0x80  }
0x49: {  	[sflag:s6] =	ssyncset.done $0x0  }
0x4a: {  	[sflag:s6] =	ssyncadd.s32 $0xFFFFFF80  }
0x4b: {  	_ =	swait.ge [sflag:s6], $0x80  }
0x4c: {  	[sflag:s6] =	ssyncset.done $0x0  }
0x4d: {  	[sflag:s6] =	ssyncadd.s32 $0xFFFFFF80  }
0x4e: {  	_ =	swait.ge [sflag:s6], $0x80  }
0x4f: {  	[sflag:s6] =	ssyncset.done $0x0  }
0x50: {  	[sflag:s6] =	ssyncadd.s32 $0xFFFFFF80  }
0x51: {  	_ =	swait.ge [sflag:s6], $0x80  }
0x52: {  	[sflag:s6] =	ssyncset.done $0x0  }
0x53: {  	[sflag:s6] =	ssyncadd.s32 $0xFFFFFF80  }
0x54: {  	_ =	swait.ge [sflag:s6], $0x80  }
0x55: {  	[sflag:s6] =	ssyncset.done $0x0  }
0x56: {  	[sflag:s6] =	ssyncadd.s32 $0xFFFFFF80  }
0x57: {  	_ =	swait.ge [sflag:s6], $0x80  }
0x58: {  	[sflag:s6] =	ssyncset.done $0x0  }
0x59: {  	[sflag:s6] =	ssyncadd.s32 $0xFFFFFF80  }
0x5a: {  	_ =	swait.ge [sflag:s6], $0x80  }
0x5b: {  	[sflag:s6] =	ssyncset.done $0x0  }
0x5c: {  	[sflag:s6] =	ssyncadd.s32 $0xFFFFFF80  }
0x5d: {  	_ =	swait.ge [sflag:s6], $0x80  }
0x5e: {  	[sflag:s6] =	ssyncset.done $0x0  }
0x5f: {  	[sflag:s6] =	ssyncadd.s32 $0xFFFFFF80  }
0x60: {  	_ =	swait.ge [sflag:s6], $0x80  }
0x61: {  	[sflag:s6] =	ssyncset.done $0x0  }
0x62: {  	[sflag:s6] =	ssyncadd.s32 $0xFFFFFF80  }
0x63: {  	_ =	swait.ge [sflag:s6], $0x80  }
0x64: {  	[sflag:s6] =	ssyncset.done $0x0  }
0x65: {  	[sflag:s6] =	ssyncadd.s32 $0xFFFFFF80  }
0x66: {  	_ =	swait.ge [sflag:s6], $0x80  }
0x67: {  	[sflag:s6] =	ssyncset.done $0x0  }
0x68: {  	[sflag:s6] =	ssyncadd.s32 $0xFFFFFF80  }
0x69: {  	_ =	swait.ge [sflag:s6], $0x80  }
0x6a: {  	[sflag:s6] =	ssyncset.done $0x0  }
0x6b: {  	[sflag:s6] =	ssyncadd.s32 $0xFFFFFF80  }
0x6c: {  	_ =	swait.ge [sflag:s6], $0x80  }
0x6d: {  	[sflag:s6] =	ssyncset.done $0x0  }
0x6e: {  	[sflag:s6] =	ssyncadd.s32 $0xFFFFFF80  }
0x6f: {  	[tilespmem:s28], [sflag:$0x1] =	stream.indirect.gather [hbm4b:s3+s23], $0x20, s2, s23, $0xb8;
	[tilespmem:$0x10C00] =	vst v63  }
0x70: {  	s18 =	simm.s32 $0x1800  }
0x71: {  	[tilespmem:s18], [sflag:$0x1] =	stream.indirect.gather [hbm4b:s3+s23], $0x20, s23, s23, $0xb8;
	[tilespmem:$0x10C00] =	vst v63  }
0x72: {  	s18 =	simm.s32 $0x2800  }
0x73: {  	[tilespmem:s18], [sflag:$0x1] =	stream.indirect.gather [hbm4b:s3+s23], $0x20, s1, s23, $0xb8;
	[tilespmem:$0x10C00] =	vst v63  }
0x74: {  	s18 =	simm.s32 $0x3800  }
0x75: {  	[tilespmem:s18], [sflag:$0x1] =	stream.indirect.gather [hbm4b:s3+s23], $0x20, s11, s23, $0xb8;
	[tilespmem:$0x10C00] =	vst v63  }
0x76: {  	_ = 	snop  }
0x77: {  	[tilespmem:s7], [sflag:$0x1] =	stream.indirect.gather [hbm4b:s3+s23], $0x20, s12, s23, $0xb8;
	[tilespmem:$0x10C00] =	vst v63  }
0x78: {  	s11 =	simm.s32 $0x5800  }
0x79: {  	[tilespmem:s11], [sflag:$0x1] =	stream.indirect.gather [hbm4b:s3+s23], $0x20, s4, s23, $0xb8;
	[tilespmem:$0x10C00] =	vst v63  }
0x7a: {  	s18 =	simm.s32 $0x6800  }
0x7b: {  	[tilespmem:s18], [sflag:$0x1] =	stream.indirect.gather [hbm4b:s3+s23], $0x20, s13, s23, $0xb8;
	[tilespmem:$0x10C00] =	vst v63  }
0x7c: {  	s11 =	simm.s32 $0x7800  }
0x7d: {  	[tilespmem:s11], [sflag:$0x1] =	stream.indirect.gather [hbm4b:s3+s23], $0x20, s24, s23, $0xb8;
	[tilespmem:$0x10C00] =	vst v63  }
0x7e: {  	_ = 	snop  }
0x7f: {  	[tilespmem:s29], [sflag:$0x1] =	stream.indirect.gather [hbm4b:s3+s23], $0x20, s14, s23, $0xb8;
	[tilespmem:$0x10C00] =	vst v63  }
0x80: {  	s18 =	simm.s32 $0x9800  }
0x81: {  	[tilespmem:s18], [sflag:$0x1] =	stream.indirect.gather [hbm4b:s3+s23], $0x20, s25, s23, $0xb8;
	[tilespmem:$0x10C00] =	vst v63  }
0x82: {  	s11 =	simm.s32 $0xA800  }
0x83: {  	[tilespmem:s11], [sflag:$0x1] =	stream.indirect.gather [hbm4b:s3+s23], $0x20, s15, s23, $0xb8;
	[tilespmem:$0x10C00] =	vst v63  }
0x84: {  	s18 =	simm.s32 $0xB800  }
0x85: {  	[tilespmem:s18], [sflag:$0x1] =	stream.indirect.gather [hbm4b:s3+s23], $0x20, s5, s23, $0xb8;
	[tilespmem:$0x10C00] =	vst v63  }
0x86: {  	_ = 	snop  }
0x87: {  	[tilespmem:s8], [sflag:$0x1] =	stream.indirect.gather [hbm4b:s3+s23], $0x20, s0, s23, $0xb8;
	[tilespmem:$0x10C00] =	vst v63  }
0x88: {  	s1 =	simm.s32 $0xD800  }
0x89: {  	[tilespmem:s1], [sflag:$0x1] =	stream.indirect.gather [hbm4b:s3+s23], $0x20, s16, s23, $0xb8;
	[tilespmem:$0x10C00] =	vst v63  }
0x8a: {  	s11 =	simm.s32 $0xE800  }
0x8b: {  	[tilespmem:s11], [sflag:$0x1] =	stream.indirect.gather [hbm4b:s3+s23], $0x20, s26, s23, $0xb8;
	[tilespmem:$0x10C00] =	vst v63  }
0x8c: {  	s16 =	simm.s32 $0xF800  }
0x8d: {  	[tilespmem:s16], [sflag:$0x1] =	stream.indirect.gather [hbm4b:s3+s23], $0x20, s17, s23, $0xb8;
	[tilespmem:$0x10C00] =	vst v63  }
0x8e: {  	_ =	swait.ge [sflag:s6], $0x1000  }
0x8f: {  	[sflag:s6] =	ssyncset.done $0x0  }
0x90: {  	[sflag:s6] =	ssyncadd.s32 $0xFFFFF000  }
0x91: {  	_ =	swait.ge [sflag:s6], $0x1000  }
0x92: {  	[sflag:s6] =	ssyncset.done $0x0  }
0x93: {  	[sflag:s6] =	ssyncadd.s32 $0xFFFFF000  }
0x94: {  	_ =	swait.ge [sflag:s6], $0x1000  }
0x95: {  	[sflag:s6] =	ssyncset.done $0x0  }
0x96: {  	[sflag:s6] =	ssyncadd.s32 $0xFFFFF000  }
0x97: {  	_ =	swait.ge [sflag:s6], $0x1000  }
0x98: {  	[sflag:s6] =	ssyncset.done $0x0  }
0x99: {  	[sflag:s6] =	ssyncadd.s32 $0xFFFFF000  }
0x9a: {  	_ =	swait.ge [sflag:s6], $0x1000  }
0x9b: {  	[sflag:s6] =	ssyncset.done $0x0  }
0x9c: {  	[sflag:s6] =	ssyncadd.s32 $0xFFFFF000  }
0x9d: {  	_ =	swait.ge [sflag:s6], $0x1000  }
0x9e: {  	[sflag:s6] =	ssyncset.done $0x0  }
0x9f: {  	[sflag:s6] =	ssyncadd.s32 $0xFFFFF000  }
0xa0: {  	_ =	swait.ge [sflag:s6], $0x1000  }
0xa1: {  	[sflag:s6] =	ssyncset.done $0x0  }
0xa2: {  	[sflag:s6] =	ssyncadd.s32 $0xFFFFF000  }
0xa3: {  	_ =	swait.ge [sflag:s6], $0x1000  }
0xa4: {  	[sflag:s6] =	ssyncset.done $0x0  }
0xa5: {  	[sflag:s6] =	ssyncadd.s32 $0xFFFFF000  }
0xa6: {  	_ =	swait.ge [sflag:s6], $0x1000  }
0xa7: {  	[sflag:s6] =	ssyncset.done $0x0  }
0xa8: {  	[sflag:s6] =	ssyncadd.s32 $0xFFFFF000  }
0xa9: {  	_ =	swait.ge [sflag:s6], $0x1000  }
0xaa: {  	[sflag:s6] =	ssyncset.done $0x0  }
0xab: {  	[sflag:s6] =	ssyncadd.s32 $0xFFFFF000  }
0xac: {  	_ =	swait.ge [sflag:s6], $0x1000  }
0xad: {  	[sflag:s6] =	ssyncset.done $0x0  }
0xae: {  	[sflag:s6] =	ssyncadd.s32 $0xFFFFF000  }
0xaf: {  	_ =	swait.ge [sflag:s6], $0x1000  }
0xb0: {  	[sflag:s6] =	ssyncset.done $0x0  }
0xb1: {  	[sflag:s6] =	ssyncadd.s32 $0xFFFFF000  }
0xb2: {  	_ =	swait.ge [sflag:s6], $0x1000  }
0xb3: {  	[sflag:s6] =	ssyncset.done $0x0  }
0xb4: {  	[sflag:s6] =	ssyncadd.s32 $0xFFFFF000  }
0xb5: {  	_ =	swait.ge [sflag:s6], $0x1000  }
0xb6: {  	v0 =	vmov s2;
	[sflag:s6] =	ssyncset.done $0x0  }
0xb7: {  	v0 =	vshll.u32 v0, $0x5;
	[sflag:s6] =	ssyncadd.s32 $0xFFFFF000  }
0xb8: {  	v6 =	vor.u32 v46, v0;
	_ =	swait.ge [sflag:s6], $0x1000  }
0xb9: {  	v15 =	vor.u32 $0x1E, v6;
	[sflag:s6] =	ssyncset.done $0x0  }
0xba: {  	v9 =	vor.u32 $0xB, v6;
	[sflag:s6] =	ssyncadd.s32 $0xFFFFF000  }
0xbb: {  	_ =	swait.ge [sflag:s6], $0x1000  }
0xbc: {  	v10 =	vor.u32 $0xA, v6;
	[sflag:s6] =	ssyncset.done $0x0  }
0xbd: {  	[sflag:s6] =	ssyncadd.s32 $0xFFFFF000  }
0xbe: {  	v11 =	vor.u32 $0x9, v6;
	v1 =	vld.idx.msk [tilespmem:v15+s7+$0x0], $0xffff  }
0xbf: {  	v26 =	vld.idx.msk [tilespmem:v9+s29+$0x0], $0xffff  }
0xc0: {  	v13 =	vor.u32 $0x8, v6;
	v27 =	vld.idx.msk [tilespmem:v9+s7+$0x0], $0xffff  }
0xc1: {  	v30 =	vld.idx.msk [tilespmem:v10+s29+$0x0], $0xffff  }
0xc2: {  	v14 =	vor.u32 $0x7, v6;
	v32 =	vld.idx.msk [tilespmem:v10+s7+$0x0], $0xffff  }
0xc3: {  	v34 =	vld.idx.msk [tilespmem:v11+s29+$0x0], $0xffff  }
0xc4: {  	v18 =	vor.u32 $0x5, v6;
	v36 =	vld.idx.msk [tilespmem:v11+s7+$0x0], $0xffff  }
0xc5: {  	v38 =	vld.idx.msk [tilespmem:v13+s29+$0x0], $0xffff  }
0xc6: {  	v20 =	vor.u32 $0x4, v6;
	v40 =	vld.idx.msk [tilespmem:v13+s7+$0x0], $0xffff  }
0xc7: {  	v41 =	vld.idx.msk [tilespmem:v14+s29+$0x0], $0xffff  }
0xc8: {  	v12 =	vor.u32 $0x1D, v6;
	v42 =	vld.idx.msk [tilespmem:v14+s7+$0x0], $0xffff  }
0xc9: {  	v22 =	vor.u32 $0x3, v6;
	v45 =	vld.idx.msk [tilespmem:v18+s29+$0x0], $0xffff  }
0xca: {  	v46 =	vld.idx.msk [tilespmem:v18+s7+$0x0], $0xffff  }
0xcb: {  	v25 =	vor.u32 $0x1, v6;
	v47 =	vld.idx.msk [tilespmem:v20+s29+$0x0], $0xffff  }
0xcc: {  	v48 =	vld.idx.msk [tilespmem:v20+s7+$0x0], $0xffff  }
0xcd: {  	[tilespmem:$0x1FDD0] =	vst v1;
	v1 =	vld.idx.msk [tilespmem:v12+s29+$0x0], $0xffff  }
0xce: {  	v37 =	vld.idx.msk [tilespmem:v22+s29+$0x0], $0xffff  }
0xcf: {  	v35 =	vld.idx.msk [tilespmem:v22+s7+$0x0], $0xffff  }
0xd0: {  	v49 =	vld.idx.msk [tilespmem:v25+s29+$0x0], $0xffff  }
0xd1: {  	v50 =	vld.idx.msk [tilespmem:v25+s7+$0x0], $0xffff  }
0xd2: {  	v0 =	vor.u32 $0xE, v6;
	[tilespmem:$0x1FDC0] =	vst v1;
	v1 =	vld.idx.msk [tilespmem:v12+s7+$0x0], $0xffff  }
0xd3: {  	v39 =	vld.idx.msk [tilespmem:v25+s8+$0x0], $0xffff  }
0xd4: {  	v25 =	vld.idx.msk [tilespmem:v25+s28+$0x0], $0xffff  }
0xd5: {  	v53 =	vld.idx.msk [tilespmem:v22+s8+$0x0], $0xffff  }
0xd6: {  	v54 =	vld.idx.msk [tilespmem:v22+s28+$0x0], $0xffff  }
0xd7: {  	[tilespmem:$0x1FDB0] =	vst v1;
	v1 =	vld.idx.msk [tilespmem:v0+s29+$0x0], $0xffff  }
0xd8: {  	v24 =	vor.u32 $0x2, v6;
	v4 =	vld.idx.msk [tilespmem:v11+s8+$0x0], $0xffff  }
0xd9: {  	v22 =	vld.idx.msk [tilespmem:v11+s28+$0x0], $0xffff  }
0xda: {  	v11 =	vld.idx.msk [tilespmem:v10+s8+$0x0], $0xffff  }
0xdb: {  	v5 =	vld.idx.msk [tilespmem:v10+s28+$0x0], $0xffff;
	v10 =	vor.u32 $0x1C, v6  }
0xdc: {  	v7 =	vor.u32 $0xD, v6;
	[tilespmem:$0x1FD30] =	vst v1;
	v1 =	vld.idx.msk [tilespmem:v0+s7+$0x0], $0xffff  }
0xdd: {  	v51 =	vld.idx.msk [tilespmem:v24+s8+$0x0], $0xffff  }
0xde: {  	v21 =	vld.idx.msk [tilespmem:v0+s8+$0x0], $0xffff  }
0xdf: {  	v19 =	vld.idx.msk [tilespmem:v0+s28+$0x0], $0xffff  }
0xe0: {  	v0 =	vld.idx.msk [tilespmem:v10+s29+$0x0], $0xffff  }
0xe1: {  	[tilespmem:$0x1FD20] =	vst v1;
	v1 =	vld.idx.msk [tilespmem:v7+s29+$0x0], $0xffff  }
0xe2: {  	v55 =	vld.idx.msk [tilespmem:v20+s8+$0x0], $0xffff  }
0xe3: {  	v61 =	vld.idx.msk [tilespmem:v14+s8+$0x0], $0xffff  }
0xe4: {  	v62 =	vld.idx.msk [tilespmem:v14+s28+$0x0], $0xffff  }
0xe5: {  	v14 =	vor.u32 $0x1B, v6;
	[tilespmem:$0x1FDA0] =	vst v0;
	v0 =	vld.idx.msk [tilespmem:v10+s7+$0x0], $0xffff  }
0xe6: {  	v8 =	vor.u32 $0xC, v6;
	[tilespmem:$0x1FD10] =	vst v1;
	v1 =	vld.idx.msk [tilespmem:v7+s7+$0x0], $0xffff  }
0xe7: {  	v56 =	vld.idx.msk [tilespmem:v20+s28+$0x0], $0xffff  }
0xe8: {  	v57 =	vld.idx.msk [tilespmem:v18+s8+$0x0], $0xffff  }
0xe9: {  	v58 =	vld.idx.msk [tilespmem:v18+s28+$0x0], $0xffff  }
0xea: {  	[tilespmem:$0x1FD90] =	vst v0;
	v0 =	vld.idx.msk [tilespmem:v14+s29+$0x0], $0xffff  }
0xeb: {  	[tilespmem:$0x1FD00] =	vst v1;
	v1 =	vld.idx.msk [tilespmem:v8+s29+$0x0], $0xffff  }
0xec: {  	v18 =	vld.idx.msk [tilespmem:v6+s8+$0x0], $0xffff  }
0xed: {  	v16 =	vor.u32 $0x6, v6;
	v33 =	vld.idx.msk [tilespmem:v6+s28+$0x0], $0xffff  }
0xee: {  	v2 =	vld.idx.msk [tilespmem:v14+s7+$0x0], $0xffff  }
0xef: {  	[tilespmem:$0x1FD80] =	vst v0;
	v0 =	vld.idx.msk [tilespmem:v6+s7+$0x0], $0xffff  }
0xf0: {  	v20 =	vor.u32 $0x1A, v6;
	[tilespmem:$0x1FCF0] =	vst v1;
	v1 =	vld.idx.msk [tilespmem:v6+s29+$0x0], $0xffff  }
0xf1: {  	v52 =	vld.idx.msk [tilespmem:v24+s28+$0x0], $0xffff  }
0xf2: {  	v43 =	vld.idx.msk [tilespmem:v16+s29+$0x0], $0xffff;
	v18 =	vmul.f32 v18, v33  }
0xf3: {  	v29 =	vld.idx.msk [tilespmem:v24+s7+$0x0], $0xffff  }
0xf4: {  	v31 =	vld.idx.msk [tilespmem:v24+s29+$0x0], $0xffff;
	v25 =	vmul.f32 v39, v25;
	v0 =	vmul.f32 v0, v18  }
0xf5: {  	[tilespmem:$0x1FD70] =	vst v2;
	v2 =	vld.idx.msk [tilespmem:v20+s29+$0x0], $0xffff;
	v1 =	vmul.f32 v1, v18  }
0xf6: {  	v59 =	vld.idx.msk [tilespmem:v16+s8+$0x0], $0xffff;
	v51 =	vmul.f32 v51, v52;
	v52 =	vmul.f32 v50, v25;
	v0 =	vadd.f32 $0.0e+00, v0  }
0xf7: {  	v60 =	vld.idx.msk [tilespmem:v16+s28+$0x0], $0xffff;
	v49 =	vmul.f32 v49, v25;
	v1 =	vadd.f32 $0.0e+00, v1  }
0xf8: {  	v44 =	vld.idx.msk [tilespmem:v16+s7+$0x0], $0xffff;
	v0 =	vadd.f32 v52, v0;
	v52 =	vmul.f32 v53, v54;
	v53 =	vmul.f32 v29, v51  }
0xf9: {  	v63 =	vld.idx.msk [tilespmem:v13+s8+$0x0], $0xffff;
	v1 =	vadd.f32 v49, v1;
	v49 =	vmul.f32 v31, v51  }
0xfa: {  	v24 =	vor.u32 $0x19, v6;
	[tilespmem:$0x1FD60] =	vst v2;
	v2 =	vld.idx.msk [tilespmem:v20+s7+$0x0], $0xffff;
	v0 =	vadd.f32 v53, v0;
	v54 =	vmul.f32 v35, v52  }
0xfb: {  	v3 =	vld.idx.msk [tilespmem:v13+s28+$0x0], $0xffff;
	v53 =	vmul.f32 v55, v56;
	v1 =	vadd.f32 v49, v1;
	v49 =	vmul.f32 v37, v52  }
0xfc: {  	v13 =	vld.idx.msk [tilespmem:v9+s8+$0x0], $0xffff;
	v60 =	vmul.f32 v59, v60;
	v62 =	vmul.f32 v61, v62;
	v0 =	vadd.f32 v54, v0  }
0xfd: {  	v9 =	vld.idx.msk [tilespmem:v9+s28+$0x0], $0xffff;
	v54 =	vmul.f32 v57, v58;
	v47 =	vmul.f32 v47, v53;
	v1 =	vadd.f32 v49, v1  }
0xfe: {  	v28 =	vor.u32 $0x18, v6;
	v23 =	vld.idx.msk [tilespmem:v8+s7+$0x0], $0xffff;
	v44 =	vmul.f32 v44, v60;
	v43 =	vmul.f32 v43, v60  }
0xff: {  	v60 =	vor.u32 $0xF, v6;
	[tilespmem:$0x1FD50] =	vst v2;
	v2 =	vld.idx.msk [tilespmem:v24+s29+$0x0], $0xffff;
	v45 =	vmul.f32 v45, v54;
	v1 =	vadd.f32 v47, v1  }
0x100: {  	v16 =	vld.idx.msk [tilespmem:v8+s8+$0x0], $0xffff;
	v33 =	vor.u32 $0x17, v6;
	v3 =	vmul.f32 v63, v3;
	v4 =	vmul.f32 v4, v22  }
0x101: {  	v5 =	vmul.f32 v11, v5;
	v8 =	vld.idx.msk [tilespmem:v8+s28+$0x0], $0xffff;
	v48 =	vmul.f32 v48, v53;
	v1 =	vadd.f32 v45, v1  }
0x102: {  	v17 =	vld.idx.msk [tilespmem:v7+s8+$0x0], $0xffff;
	v39 =	vor.u32 $0x16, v6;
	v9 =	vmul.f32 v13, v9;
	v41 =	vmul.f32 v41, v62  }
0x103: {  	v50 =	vld.idx.msk [tilespmem:v28+s29+$0x0], $0xffff;
	v0 =	vadd.f32 v48, v0;
	v46 =	vmul.f32 v46, v54;
	v1 =	vadd.f32 v43, v1  }
0x104: {  	v42 =	vmul.f32 v42, v62;
	v22 =	vmul.f32 v40, v3;
	v13 =	vld.idx.msk [tilespmem:v60+s29+$0x0], $0xffff;
	[tilespmem:$0x1FD40] =	vst v2;
	v2 =	vor.u32 $0x15, v6  }
0x105: {  	v3 =	vmul.f32 v38, v3;
	v7 =	vld.idx.msk [tilespmem:v7+s28+$0x0], $0xffff;
	v0 =	vadd.f32 v46, v0;
	v1 =	vadd.f32 v41, v1  }
0x106: {  	v8 =	vmul.f32 v16, v8;
	v16 =	vld.idx.msk [tilespmem:v60+s8+$0x0], $0xffff;
	v51 =	vor.u32 $0x14, v6;
	v52 =	vor.u32 $0x13, v6  }
0x107: {  	v29 =	vld.idx.msk [tilespmem:v33+s29+$0x0], $0xffff;
	v0 =	vadd.f32 v44, v0;
	v1 =	vadd.f32 v3, v1;
	v3 =	vmul.f32 v34, v4  }
0x108: {  	v35 =	vld.idx.msk [tilespmem:v39+s29+$0x0], $0xffff  }
0x109: {  	v55 =	vld.idx.msk [tilespmem:v2+s29+$0x0], $0xffff;
	v0 =	vadd.f32 v42, v0;
	v1 =	vadd.f32 v3, v1;
	v3 =	vmul.f32 v30, v5  }
0x10a: {  	v11 =	vmul.f32 v36, v4;
	v53 =	vld.idx.msk [tilespmem:v2+s7+$0x0], $0xffff;
	v49 =	vor.u32 $0x12, v6  }
0x10b: {  	v54 =	vld.idx.msk [tilespmem:v51+s7+$0x0], $0xffff;
	v0 =	vadd.f32 v22, v0;
	v1 =	vadd.f32 v3, v1;
	v3 =	vmul.f32 v26, v9  }
0x10c: {  	v47 =	vor.u32 $0x11, v6;
	v57 =	vld.idx.msk [tilespmem:v52+s29+$0x0], $0xffff  }
0x10d: {  	v0 =	vadd.f32 v11, v0;
	v11 =	vmul.f32 v32, v5;
	v1 =	vadd.f32 v3, v1;
	v3 =	vld [tilespmem:$0x1FCF0]  }
0x10e: {  	v58 =	vld.idx.msk [tilespmem:v52+s7+$0x0], $0xffff  }
0x10f: {  	v59 =	vld.idx.msk [tilespmem:v49+s29+$0x0], $0xffff;
	v0 =	vadd.f32 v11, v0;
	v11 =	vmul.f32 v27, v9  }
0x110: {  	v61 =	vld.idx.msk [tilespmem:v49+s7+$0x0], $0xffff  }
0x111: {  	v23 =	vmul.f32 v23, v8;
	v45 =	vor.u32 $0x10, v6;
	v62 =	vld.idx.msk [tilespmem:v47+s29+$0x0], $0xffff;
	v0 =	vadd.f32 v11, v0  }
0x112: {  	v63 =	vld.idx.msk [tilespmem:v47+s7+$0x0], $0xffff;
	v3 =	vmul.f32 v3, v8  }
0x113: {  	v0 =	vadd.f32 v23, v0;
	v23 =	vld [tilespmem:$0x1FD00]  }
0x114: {  	v1 =	vadd.f32 v3, v1;
	v3 =	vld [tilespmem:$0x1FD10]  }
0x115: {  	v19 =	vmul.f32 v21, v19;
	v21 =	vld.idx.msk [tilespmem:v47+s28+$0x0], $0xffff  }
0x116: {  	v7 =	vmul.f32 v17, v7;
	v22 =	vld.idx.msk [tilespmem:v45+s29+$0x0], $0xffff  }
0x117: {  	v17 =	vld.idx.msk [tilespmem:v45+s28+$0x0], $0xffff  }
0x118: {  	v11 =	vld.idx.msk [tilespmem:v45+s8+$0x0], $0xffff;
	v23 =	vmul.f32 v23, v7  }
0x119: {  	v9 =	vld.idx.msk [tilespmem:v60+s28+$0x0], $0xffff;
	v3 =	vmul.f32 v3, v7  }
0x11a: {  	v0 =	vadd.f32 v23, v0;
	v23 =	vld [tilespmem:$0x1FD20]  }
0x11b: {  	v1 =	vadd.f32 v3, v1;
	v3 =	vld [tilespmem:$0x1FD30]  }
0x11c: {  	v5 =	vld.idx.msk [tilespmem:v60+s7+$0x0], $0xffff  }
0x11d: {  	v4 =	vld.idx.msk [tilespmem:v45+s7+$0x0], $0xffff  }
0x11e: {  	v8 =	vld.idx.msk [tilespmem:v47+s8+$0x0], $0xffff  }
0x11f: {  	v9 =	vmul.f32 v16, v9;
	v16 =	vld.idx.msk [tilespmem:v49+s28+$0x0], $0xffff;
	v23 =	vmul.f32 v23, v19  }
0x120: {  	v7 =	vld.idx.msk [tilespmem:v49+s8+$0x0], $0xffff;
	v3 =	vmul.f32 v3, v19  }
0x121: {  	v11 =	vmul.f32 v11, v17;
	v17 =	vld.idx.msk [tilespmem:v52+s28+$0x0], $0xffff;
	v5 =	vmul.f32 v5, v9;
	v0 =	vadd.f32 v23, v0  }
0x122: {  	v19 =	vld.idx.msk [tilespmem:v52+s8+$0x0], $0xffff;
	v1 =	vadd.f32 v3, v1;
	v3 =	vmul.f32 v13, v9  }
0x123: {  	v4 =	vmul.f32 v4, v11;
	v0 =	vadd.f32 v5, v0;
	v5 =	vmul.f32 v8, v21;
	v8 =	vld.idx.msk [tilespmem:v51+s28+$0x0], $0xffff  }
0x124: {  	v9 =	vld.idx.msk [tilespmem:v51+s8+$0x0], $0xffff;
	v1 =	vadd.f32 v3, v1;
	v3 =	vmul.f32 v22, v11  }
0x125: {  	v0 =	vadd.f32 v4, v0;
	v4 =	vmul.f32 v63, v5;
	v7 =	vmul.f32 v7, v16;
	v11 =	vld.idx.msk [tilespmem:v2+s8+$0x0], $0xffff  }
0x126: {  	v2 =	vld.idx.msk [tilespmem:v2+s28+$0x0], $0xffff;
	v1 =	vadd.f32 v3, v1;
	v3 =	vmul.f32 v62, v5  }
0x127: {  	v56 =	vld.idx.msk [tilespmem:v51+s29+$0x0], $0xffff;
	v0 =	vadd.f32 v4, v0;
	v4 =	vmul.f32 v61, v7;
	v13 =	vmul.f32 v19, v17  }
0x128: {  	v16 =	vld.idx.msk [tilespmem:v39+s28+$0x0], $0xffff;
	v1 =	vadd.f32 v3, v1;
	v3 =	vmul.f32 v59, v7  }
0x129: {  	v0 =	vadd.f32 v4, v0;
	v5 =	vld.idx.msk [tilespmem:v39+s8+$0x0], $0xffff;
	v4 =	vmul.f32 v58, v13;
	v8 =	vmul.f32 v9, v8  }
0x12a: {  	v9 =	vld.idx.msk [tilespmem:v33+s28+$0x0], $0xffff;
	v1 =	vadd.f32 v3, v1;
	v3 =	vmul.f32 v57, v13  }
0x12b: {  	v7 =	vld.idx.msk [tilespmem:v33+s8+$0x0], $0xffff;
	v0 =	vadd.f32 v4, v0;
	v4 =	vmul.f32 v54, v8;
	v2 =	vmul.f32 v11, v2  }
0x12c: {  	v11 =	vld.idx.msk [tilespmem:v28+s28+$0x0], $0xffff;
	v1 =	vadd.f32 v3, v1;
	v3 =	vmul.f32 v56, v8  }
0x12d: {  	v13 =	vld.idx.msk [tilespmem:v28+s8+$0x0], $0xffff;
	v0 =	vadd.f32 v4, v0;
	v4 =	vmul.f32 v53, v2  }
0x12e: {  	v37 =	vld.idx.msk [tilespmem:v39+s7+$0x0], $0xffff;
	v5 =	vmul.f32 v5, v16;
	v2 =	vmul.f32 v55, v2;
	v1 =	vadd.f32 v3, v1  }
0x12f: {  	v25 =	vld.idx.msk [tilespmem:v28+s7+$0x0], $0xffff  }
0x130: {  	v31 =	vld.idx.msk [tilespmem:v33+s7+$0x0], $0xffff;
	v7 =	vmul.f32 v7, v9;
	v1 =	vadd.f32 v2, v1;
	v2 =	vmul.f32 v35, v5  }
0x131: {  	v16 =	vld.idx.msk [tilespmem:v24+s28+$0x0], $0xffff  }
0x132: {  	v8 =	vld.idx.msk [tilespmem:v24+s8+$0x0], $0xffff;
	v11 =	vmul.f32 v13, v11;
	v1 =	vadd.f32 v2, v1;
	v2 =	vmul.f32 v29, v7  }
0x133: {  	v0 =	vadd.f32 v4, v0;
	v4 =	vmul.f32 v37, v5  }
0x134: {  	v18 =	vld.idx.msk [tilespmem:v24+s7+$0x0], $0xffff;
	v1 =	vadd.f32 v2, v1;
	v2 =	vmul.f32 v50, v11  }
0x135: {  	v0 =	vadd.f32 v4, v0;
	v4 =	vmul.f32 v31, v7  }
0x136: {  	v1 =	vadd.f32 v2, v1;
	v2 =	vld [tilespmem:$0x1FD40]  }
0x137: {  	v0 =	vadd.f32 v4, v0;
	v4 =	vmul.f32 v25, v11;
	v8 =	vmul.f32 v8, v16  }
0x138: {  	v9 =	vld.idx.msk [tilespmem:v20+s28+$0x0], $0xffff  }
0x139: {  	v3 =	vld.idx.msk [tilespmem:v20+s8+$0x0], $0xffff;
	v0 =	vadd.f32 v4, v0;
	v4 =	vmul.f32 v18, v8;
	_ =	sdelay $0x1  }
0x13a: {  	v0 =	vadd.f32 v4, v0;
	v4 =	vld [tilespmem:$0x1FD50];
	v2 =	vmul.f32 v2, v8;
	_ =	sdelay $0x1  }
0x13b: {  	v1 =	vadd.f32 v2, v1;
	v2 =	vld [tilespmem:$0x1FD60]  }
0x13c: {  	v3 =	vmul.f32 v3, v9  }
0x13d: {  	v13 =	vld.idx.msk [tilespmem:v14+s28+$0x0], $0xffff  }
0x13e: {  	v5 =	vld.idx.msk [tilespmem:v14+s8+$0x0], $0xffff;
	v4 =	vmul.f32 v4, v3;
	_ =	sdelay $0x1  }
0x13f: {  	v0 =	vadd.f32 v4, v0;
	v4 =	vld [tilespmem:$0x1FD70];
	v2 =	vmul.f32 v2, v3;
	_ =	sdelay $0x1  }
0x140: {  	v1 =	vadd.f32 v2, v1;
	v2 =	vld [tilespmem:$0x1FD80]  }
0x141: {  	v5 =	vmul.f32 v5, v13  }
0x142: {  	v7 =	vld.idx.msk [tilespmem:v10+s8+$0x0], $0xffff  }
0x143: {  	v10 =	vld.idx.msk [tilespmem:v10+s28+$0x0], $0xffff;
	v4 =	vmul.f32 v4, v5;
	_ =	sdelay $0x1  }
0x144: {  	v0 =	vadd.f32 v4, v0;
	v4 =	vld [tilespmem:$0x1FD90];
	v2 =	vmul.f32 v2, v5;
	_ =	sdelay $0x1  }
0x145: {  	v1 =	vadd.f32 v2, v1;
	v2 =	vld [tilespmem:$0x1FDA0]  }
0x146: {  	v7 =	vmul.f32 v7, v10  }
0x147: {  	v9 =	vld.idx.msk [tilespmem:v12+s28+$0x0], $0xffff  }
0x148: {  	v6 =	vor.u32 $0x1F, v6;
	v11 =	vld.idx.msk [tilespmem:v12+s8+$0x0], $0xffff;
	v4 =	vmul.f32 v4, v7;
	_ =	sdelay $0x1  }
0x149: {  	v0 =	vadd.f32 v4, v0;
	v4 =	vld [tilespmem:$0x1FDB0];
	v2 =	vmul.f32 v2, v7  }
0x14a: {  	v12 =	vld.idx.msk [tilespmem:v15+s28+$0x0], $0xffff  }
0x14b: {  	v1 =	vadd.f32 v2, v1;
	v2 =	vld [tilespmem:$0x1FDC0]  }
0x14c: {  	v10 =	vld.idx.msk [tilespmem:v6+s28+$0x0], $0xffff;
	v9 =	vmul.f32 v11, v9  }
0x14d: {  	v11 =	vld.idx.msk [tilespmem:v6+s7+$0x0], $0xffff  }
0x14e: {  	v8 =	vld.idx.msk [tilespmem:v15+s8+$0x0], $0xffff;
	v4 =	vmul.f32 v4, v9  }
0x14f: {  	v3 =	vld.idx.msk [tilespmem:v6+s8+$0x0], $0xffff  }
0x150: {  	v0 =	vadd.f32 v4, v0;
	v4 =	vld [tilespmem:$0x1FDD0];
	v2 =	vmul.f32 v2, v9  }
0x151: {  	v5 =	vld.idx.msk [tilespmem:v15+s29+$0x0], $0xffff  }
0x152: {  	v1 =	vadd.f32 v2, v1;
	v2 =	vld [tilespmem:$0x1FFF0]  }
0x153: {  	v6 =	vld.idx.msk [tilespmem:v6+s29+$0x0], $0xffff;
	v7 =	vmul.f32 v8, v12  }
0x154: {  	s18 =	simm.s32 $0x10  }
0x155: {  	v3 =	vmul.f32 v3, v10;
	v8 =	vmov s18;
	v4 =	vmul.f32 v4, v7  }
0x156: {  	v8 =	vshll.u32 v8, $0x5;
	v5 =	vmul.f32 v5, v7  }
0x157: {  	v0 =	vadd.f32 v4, v0;
	v4 =	vmul.f32 v11, v3;
	v9 =	vor.u32 v2, v8  }
0x158: {  	v3 =	vmul.f32 v6, v3;
	v1 =	vadd.f32 v5, v1;
	v2 =	vor.u32 $0x1E, v9  }
0x159: {  	v0 =	vadd.f32 v4, v0  }
0x15a: {  	v1 =	vadd.f32 v3, v1  }
0x15b: {  	[tilespmem:s30+$0x0] =	vst v0  }
0x15c: {  	[tilespmem:s31+$0x0] =	vst v1  }
0x15d: {  	v5 =	vor.u32 $0x1D, v9;
	v0 =	vld.idx.msk [tilespmem:v2+s7+$0x0], $0xffff;
	_ =	sdelay $0x4  }
0x15e: {  	[tilespmem:$0x1FDF0] =	vst v0;
	v0 =	vld.idx.msk [tilespmem:v5+s29+$0x0], $0xffff;
	_ =	sdelay $0x4  }
0x15f: {  	v11 =	vor.u32 $0x1C, v9;
	[tilespmem:$0x1FE00] =	vst v0;
	v0 =	vld.idx.msk [tilespmem:v5+s7+$0x0], $0xffff;
	_ =	sdelay $0x4  }
0x160: {  	[tilespmem:$0x1FE20] =	vst v0;
	v0 =	vld.idx.msk [tilespmem:v11+s29+$0x0], $0xffff;
	_ =	sdelay $0x4  }
0x161: {  	v14 =	vor.u32 $0x1B, v9;
	[tilespmem:$0x1FE30] =	vst v0;
	v0 =	vld.idx.msk [tilespmem:v11+s7+$0x0], $0xffff;
	_ =	sdelay $0x4  }
0x162: {  	[tilespmem:$0x1FE40] =	vst v0;
	v0 =	vld.idx.msk [tilespmem:v14+s29+$0x0], $0xffff;
	_ =	sdelay $0x4  }
0x163: {  	v17 =	vor.u32 $0x1A, v9;
	[tilespmem:$0x1FE50] =	vst v0;
	v0 =	vld.idx.msk [tilespmem:v14+s7+$0x0], $0xffff;
	_ =	sdelay $0x4  }
0x164: {  	[tilespmem:$0x1FE60] =	vst v0;
	v0 =	vld.idx.msk [tilespmem:v17+s29+$0x0], $0xffff;
	_ =	sdelay $0x4  }
0x165: {  	v20 =	vor.u32 $0x19, v9;
	[tilespmem:$0x1FE70] =	vst v0;
	v0 =	vld.idx.msk [tilespmem:v17+s7+$0x0], $0xffff;
	_ =	sdelay $0x4  }
0x166: {  	[tilespmem:$0x1FE80] =	vst v0;
	v0 =	vld.idx.msk [tilespmem:v20+s29+$0x0], $0xffff;
	_ =	sdelay $0x4  }
0x167: {  	v23 =	vor.u32 $0x18, v9;
	[tilespmem:$0x1FE90] =	vst v0;
	v0 =	vld.idx.msk [tilespmem:v20+s7+$0x0], $0xffff;
	_ =	sdelay $0x4  }
0x168: {  	[tilespmem:$0x1FEA0] =	vst v0;
	v0 =	vld.idx.msk [tilespmem:v23+s29+$0x0], $0xffff;
	_ =	sdelay $0x4  }
0x169: {  	v26 =	vor.u32 $0x17, v9;
	[tilespmem:$0x1FEB0] =	vst v0;
	v0 =	vld.idx.msk [tilespmem:v23+s7+$0x0], $0xffff;
	_ =	sdelay $0x4  }
0x16a: {  	[tilespmem:$0x1FEC0] =	vst v0;
	v0 =	vld.idx.msk [tilespmem:v26+s29+$0x0], $0xffff;
	_ =	sdelay $0x4  }
0x16b: {  	v29 =	vor.u32 $0x16, v9;
	[tilespmem:$0x1FED0] =	vst v0;
	v0 =	vld.idx.msk [tilespmem:v26+s7+$0x0], $0xffff;
	_ =	sdelay $0x4  }
0x16c: {  	[tilespmem:$0x1FEE0] =	vst v0;
	v0 =	vld.idx.msk [tilespmem:v29+s29+$0x0], $0xffff;
	_ =	sdelay $0x4  }
0x16d: {  	v32 =	vor.u32 $0x15, v9;
	[tilespmem:$0x1FEF0] =	vst v0;
	v0 =	vld.idx.msk [tilespmem:v29+s7+$0x0], $0xffff;
	_ =	sdelay $0x4  }
0x16e: {  	[tilespmem:$0x1FF00] =	vst v0;
	v0 =	vld.idx.msk [tilespmem:v32+s29+$0x0], $0xffff;
	_ =	sdelay $0x4  }
0x16f: {  	v35 =	vor.u32 $0x14, v9;
	[tilespmem:$0x1FF10] =	vst v0;
	v0 =	vld.idx.msk [tilespmem:v32+s7+$0x0], $0xffff;
	_ =	sdelay $0x4  }
0x170: {  	[tilespmem:$0x1FF20] =	vst v0;
	v0 =	vld.idx.msk [tilespmem:v35+s29+$0x0], $0xffff;
	_ =	sdelay $0x4  }
0x171: {  	v38 =	vor.u32 $0x13, v9;
	[tilespmem:$0x1FF30] =	vst v0;
	v0 =	vld.idx.msk [tilespmem:v35+s7+$0x0], $0xffff;
	_ =	sdelay $0x4  }
0x172: {  	[tilespmem:$0x1FF40] =	vst v0;
	v0 =	vld.idx.msk [tilespmem:v38+s29+$0x0], $0xffff;
	_ =	sdelay $0x4  }
0x173: {  	v41 =	vor.u32 $0x12, v9;
	[tilespmem:$0x1FF50] =	vst v0;
	v0 =	vld.idx.msk [tilespmem:v38+s7+$0x0], $0xffff;
	_ =	sdelay $0x4  }
0x174: {  	[tilespmem:$0x1FF60] =	vst v0;
	v0 =	vld.idx.msk [tilespmem:v41+s29+$0x0], $0xffff;
	_ =	sdelay $0x3  }
0x175: {  	v53 =	vor.u32 $0xE, v9  }
0x176: {  	v44 =	vor.u32 $0x11, v9;
	[tilespmem:$0x1FF70] =	vst v0;
	v0 =	vld.idx.msk [tilespmem:v41+s7+$0x0], $0xffff;
	_ =	sdelay $0x1  }
0x177: {  	v56 =	vor.u32 $0xD, v9;
	_ =	sdelay $0x1  }
0x178: {  	v59 =	vor.u32 $0xC, v9;
	v48 =	vld.idx.msk [tilespmem:v53+s29+$0x0], $0xffff  }
0x179: {  	[tilespmem:$0x1FF80] =	vst v0;
	v0 =	vld.idx.msk [tilespmem:v44+s29+$0x0], $0xffff  }
0x17a: {  	v49 =	vld.idx.msk [tilespmem:v53+s7+$0x0], $0xffff  }
0x17b: {  	v62 =	vor.u32 $0xB, v9;
	v51 =	vld.idx.msk [tilespmem:v56+s29+$0x0], $0xffff  }
0x17c: {  	v52 =	vld.idx.msk [tilespmem:v56+s7+$0x0], $0xffff  }
0x17d: {  	v1 =	vor.u32 $0xA, v9;
	v54 =	vld.idx.msk [tilespmem:v59+s29+$0x0], $0xffff  }
0x17e: {  	v47 =	vor.u32 $0x10, v9;
	[tilespmem:$0x1FF90] =	vst v0;
	v0 =	vld.idx.msk [tilespmem:v44+s7+$0x0], $0xffff  }
0x17f: {  	v55 =	vld.idx.msk [tilespmem:v59+s7+$0x0], $0xffff  }
0x180: {  	v10 =	vor.u32 $0x8, v9;
	v57 =	vld.idx.msk [tilespmem:v62+s29+$0x0], $0xffff  }
0x181: {  	v58 =	vld.idx.msk [tilespmem:v62+s7+$0x0], $0xffff  }
0x182: {  	v15 =	vor.u32 $0x7, v9;
	v60 =	vld.idx.msk [tilespmem:v1+s29+$0x0], $0xffff  }
0x183: {  	[tilespmem:$0x1FFA0] =	vst v0;
	v0 =	vld.idx.msk [tilespmem:v47+s29+$0x0], $0xffff  }
0x184: {  	v61 =	vld.idx.msk [tilespmem:v1+s7+$0x0], $0xffff  }
0x185: {  	v19 =	vor.u32 $0x6, v9;
	v3 =	vld.idx.msk [tilespmem:v10+s29+$0x0], $0xffff  }
0x186: {  	v4 =	vld.idx.msk [tilespmem:v10+s7+$0x0], $0xffff  }
0x187: {  	v24 =	vor.u32 $0x5, v9;
	v6 =	vld.idx.msk [tilespmem:v15+s29+$0x0], $0xffff  }
0x188: {  	v50 =	vor.u32 $0xF, v9;
	[tilespmem:$0x1FFB0] =	vst v0;
	v0 =	vld.idx.msk [tilespmem:v47+s7+$0x0], $0xffff  }
0x189: {  	v8 =	vld.idx.msk [tilespmem:v15+s7+$0x0], $0xffff  }
0x18a: {  	v28 =	vor.u32 $0x4, v9;
	v12 =	vld.idx.msk [tilespmem:v19+s29+$0x0], $0xffff  }
0x18b: {  	v13 =	vld.idx.msk [tilespmem:v19+s7+$0x0], $0xffff  }
0x18c: {  	v33 =	vor.u32 $0x3, v9;
	v16 =	vld.idx.msk [tilespmem:v24+s29+$0x0], $0xffff  }
0x18d: {  	[tilespmem:$0x1FFC0] =	vst v0;
	v0 =	vld.idx.msk [tilespmem:v50+s29+$0x0], $0xffff  }
0x18e: {  	v18 =	vld.idx.msk [tilespmem:v24+s7+$0x0], $0xffff  }
0x18f: {  	v34 =	vor.u32 $0x2, v9;
	v21 =	vld.idx.msk [tilespmem:v28+s29+$0x0], $0xffff  }
0x190: {  	v22 =	vld.idx.msk [tilespmem:v28+s7+$0x0], $0xffff  }
0x191: {  	[tilespmem:$0x1FE10] =	vst v5;
	v25 =	vld.idx.msk [tilespmem:v33+s29+$0x0], $0xffff;
	v5 =	vor.u32 $0x9, v9  }
0x192: {  	[tilespmem:$0x1FFD0] =	vst v0;
	v0 =	vld.idx.msk [tilespmem:v50+s7+$0x0], $0xffff  }
0x193: {  	v27 =	vld.idx.msk [tilespmem:v33+s7+$0x0], $0xffff  }
0x194: {  	v30 =	vld.idx.msk [tilespmem:v34+s29+$0x0], $0xffff  }
0x195: {  	v31 =	vld.idx.msk [tilespmem:v34+s7+$0x0], $0xffff  }
0x196: {  	[tilespmem:$0x1FDE0] =	vst v2;
	v63 =	vld.idx.msk [tilespmem:v5+s29+$0x0], $0xffff  }
0x197: {  	s0 =	simm.s32 $0x10A00;
	s1 =	simm.s32 $0x20;
	s11 =	simm.s32 $0x10800;
	v36 =	vor.u32 $0x1, v9;
	[tilespmem:$0x1FFE0] =	vst v0;
	v0 =	vld.idx.msk [tilespmem:v5+s7+$0x0], $0xffff  }
.LBB2_2:
0x198: {  	_ =	sdelay $0x3  }
0x199: {  	v37 =	vld.idx.msk [tilespmem:v36+s29+$0x0], $0xffff  }
0x19a: {  	v39 =	vld.idx.msk [tilespmem:v36+s7+$0x0], $0xffff  }
0x19b: {  	v40 =	vld.idx.msk [tilespmem:v9+s29+$0x0], $0xffff  }
0x19c: {  	v42 =	vld.idx.msk [tilespmem:v9+s7+$0x0], $0xffff  }
0x19d: {  	v43 =	vld.idx.msk [tilespmem:v9+s8+$0x0], $0xffff  }
0x19e: {  	v2 =	vld.idx.msk [tilespmem:v9+s28+$0x0], $0xffff  }
0x19f: {  	v45 =	vld.idx.msk [tilespmem:v36+s8+$0x0], $0xffff  }
0x1a0: {  	v36 =	vld.idx.msk [tilespmem:v36+s28+$0x0], $0xffff  }
0x1a1: {  	v46 =	vld.idx.msk [tilespmem:v34+s8+$0x0], $0xffff  }
0x1a2: {  	v34 =	vld.idx.msk [tilespmem:v34+s28+$0x0], $0xffff  }
0x1a3: {  	v7 =	vld.idx.msk [tilespmem:v33+s8+$0x0], $0xffff;
	v2 =	vmul.f32 v43, v2  }
0x1a4: {  	v33 =	vld.idx.msk [tilespmem:v33+s28+$0x0], $0xffff  }
0x1a5: {  	v43 =	vld.idx.msk [tilespmem:v28+s8+$0x0], $0xffff;
	v36 =	vmul.f32 v45, v36;
	v42 =	vmul.f32 v42, v2  }
0x1a6: {  	v28 =	vld.idx.msk [tilespmem:v28+s28+$0x0], $0xffff;
	v2 =	vmul.f32 v40, v2  }
0x1a7: {  	v34 =	vmul.f32 v46, v34;
	v40 =	vld.idx.msk [tilespmem:v24+s8+$0x0], $0xffff;
	v39 =	vmul.f32 v39, v36;
	v42 =	vadd.f32 $0.0e+00, v42  }
0x1a8: {  	v24 =	vld.idx.msk [tilespmem:v24+s28+$0x0], $0xffff;
	v36 =	vmul.f32 v37, v36;
	v2 =	vadd.f32 $0.0e+00, v2  }
0x1a9: {  	v7 =	vmul.f32 v7, v33;
	v37 =	vld.idx.msk [tilespmem:v19+s8+$0x0], $0xffff;
	v31 =	vmul.f32 v31, v34;
	v39 =	vadd.f32 v39, v42  }
0x1aa: {  	v19 =	vld.idx.msk [tilespmem:v19+s28+$0x0], $0xffff;
	v30 =	vmul.f32 v30, v34;
	v2 =	vadd.f32 v36, v2  }
0x1ab: {  	v45 =	vld.idx.msk [tilespmem:v15+s8+$0x0], $0xffff;
	v27 =	vmul.f32 v27, v7;
	v28 =	vmul.f32 v43, v28;
	v31 =	vadd.f32 v31, v39  }
0x1ac: {  	v15 =	vld.idx.msk [tilespmem:v15+s28+$0x0], $0xffff;
	v7 =	vmul.f32 v25, v7;
	v2 =	vadd.f32 v30, v2  }
0x1ad: {  	v25 =	vld.idx.msk [tilespmem:v10+s8+$0x0], $0xffff;
	v22 =	vmul.f32 v22, v28;
	v24 =	vmul.f32 v40, v24;
	v27 =	vadd.f32 v27, v31  }
0x1ae: {  	v10 =	vld.idx.msk [tilespmem:v10+s28+$0x0], $0xffff;
	v2 =	vadd.f32 v7, v2;
	v7 =	vmul.f32 v21, v28  }
0x1af: {  	v19 =	vmul.f32 v37, v19;
	v18 =	vmul.f32 v18, v24;
	v21 =	vld.idx.msk [tilespmem:v5+s8+$0x0], $0xffff;
	v22 =	vadd.f32 v22, v27  }
0x1b0: {  	v5 =	vld.idx.msk [tilespmem:v5+s28+$0x0], $0xffff;
	v2 =	vadd.f32 v7, v2;
	v7 =	vmul.f32 v16, v24  }
0x1b1: {  	v15 =	vmul.f32 v45, v15;
	v13 =	vmul.f32 v13, v19;
	v16 =	vld.idx.msk [tilespmem:v1+s8+$0x0], $0xffff;
	v18 =	vadd.f32 v18, v22  }
0x1b2: {  	v1 =	vld.idx.msk [tilespmem:v1+s28+$0x0], $0xffff;
	v2 =	vadd.f32 v7, v2;
	v7 =	vmul.f32 v12, v19  }
0x1b3: {  	v8 =	vmul.f32 v8, v15;
	v10 =	vmul.f32 v25, v10;
	v12 =	vld.idx.msk [tilespmem:v62+s8+$0x0], $0xffff;
	v13 =	vadd.f32 v13, v18  }
0x1b4: {  	v6 =	vmul.f32 v6, v15;
	v18 =	vld.idx.msk [tilespmem:v62+s28+$0x0], $0xffff;
	v2 =	vadd.f32 v7, v2  }
0x1b5: {  	v4 =	vmul.f32 v4, v10;
	v5 =	vmul.f32 v21, v5;
	v7 =	vld.idx.msk [tilespmem:v59+s8+$0x0], $0xffff;
	v8 =	vadd.f32 v8, v13  }
0x1b6: {  	v3 =	vmul.f32 v3, v10;
	v13 =	vld.idx.msk [tilespmem:v59+s28+$0x0], $0xffff;
	v2 =	vadd.f32 v6, v2  }
0x1b7: {  	v0 =	vmul.f32 v0, v5;
	v1 =	vmul.f32 v16, v1;
	v6 =	vld.idx.msk [tilespmem:v56+s8+$0x0], $0xffff;
	v4 =	vadd.f32 v4, v8  }
0x1b8: {  	v8 =	vld.idx.msk [tilespmem:v56+s28+$0x0], $0xffff;
	v2 =	vadd.f32 v3, v2;
	v3 =	vmul.f32 v63, v5  }
0x1b9: {  	v5 =	vld.idx.msk [tilespmem:v53+s8+$0x0], $0xffff;
	v10 =	vmul.f32 v12, v18;
	v0 =	vadd.f32 v0, v4;
	v4 =	vmul.f32 v61, v1  }
0x1ba: {  	v12 =	vld.idx.msk [tilespmem:v53+s28+$0x0], $0xffff  }
0x1bb: {  	v7 =	vmul.f32 v7, v13;
	v0 =	vadd.f32 v4, v0;
	v4 =	vmul.f32 v58, v10;
	_ =	sdelay $0x1  }
0x1bc: {  	v6 =	vmul.f32 v6, v8;
	v0 =	vadd.f32 v4, v0;
	v4 =	vmul.f32 v55, v7  }
0x1bd: {  	v2 =	vadd.f32 v3, v2;
	v1 =	vmul.f32 v60, v1  }
0x1be: {  	v5 =	vmul.f32 v5, v12;
	v0 =	vadd.f32 v4, v0;
	v4 =	vmul.f32 v52, v6  }
0x1bf: {  	v3 =	vld.idx.msk [tilespmem:v50+s8+$0x0], $0xffff;
	v1 =	vadd.f32 v1, v2  }
0x1c0: {  	v13 =	vld.idx.msk [tilespmem:v50+s28+$0x0], $0xffff;
	v2 =	vmul.f32 v57, v10;
	v0 =	vadd.f32 v4, v0;
	v4 =	vmul.f32 v49, v5;
	_ =	sdelay $0x1  }
0x1c1: {  	v1 =	vadd.f32 v2, v1;
	v2 =	vmul.f32 v54, v7;
	v0 =	vadd.f32 v4, v0;
	v4 =	vld [tilespmem:$0x1FFE0];
	_ =	sdelay $0x1  }
0x1c2: {  	v1 =	vadd.f32 v2, v1;
	v2 =	vmul.f32 v51, v6  }
0x1c3: {  	v3 =	vmul.f32 v3, v13  }
0x1c4: {  	v10 =	vld.idx.msk [tilespmem:v47+s8+$0x0], $0xffff;
	v1 =	vadd.f32 v2, v1;
	v2 =	vmul.f32 v48, v5  }
0x1c5: {  	v8 =	vld.idx.msk [tilespmem:v47+s28+$0x0], $0xffff;
	v4 =	vmul.f32 v4, v3  }
0x1c6: {  	v1 =	vadd.f32 v2, v1;
	v2 =	vld [tilespmem:$0x1FFD0]  }
0x1c7: {  	v0 =	vadd.f32 v4, v0;
	v4 =	vld [tilespmem:$0x1FFC0];
	_ =	sdelay $0x2  }
0x1c8: {  	v8 =	vmul.f32 v10, v8  }
0x1c9: {  	v7 =	vld.idx.msk [tilespmem:v44+s8+$0x0], $0xffff;
	v2 =	vmul.f32 v2, v3  }
0x1ca: {  	v12 =	vld.idx.msk [tilespmem:v44+s28+$0x0], $0xffff;
	v4 =	vmul.f32 v4, v8  }
0x1cb: {  	v1 =	vadd.f32 v2, v1;
	v2 =	vld [tilespmem:$0x1FFB0]  }
0x1cc: {  	v0 =	vadd.f32 v4, v0;
	v4 =	vld [tilespmem:$0x1FFA0];
	_ =	sdelay $0x2  }
0x1cd: {  	v7 =	vmul.f32 v7, v12  }
0x1ce: {  	v6 =	vld.idx.msk [tilespmem:v41+s8+$0x0], $0xffff;
	v2 =	vmul.f32 v2, v8  }
0x1cf: {  	v13 =	vld.idx.msk [tilespmem:v41+s28+$0x0], $0xffff;
	v4 =	vmul.f32 v4, v7  }
0x1d0: {  	v1 =	vadd.f32 v2, v1;
	v2 =	vld [tilespmem:$0x1FF90]  }
0x1d1: {  	v0 =	vadd.f32 v4, v0;
	v4 =	vld [tilespmem:$0x1FF80];
	_ =	sdelay $0x2  }
0x1d2: {  	v6 =	vmul.f32 v6, v13  }
0x1d3: {  	v5 =	vld.idx.msk [tilespmem:v38+s8+$0x0], $0xffff;
	v2 =	vmul.f32 v2, v7  }
0x1d4: {  	v10 =	vld.idx.msk [tilespmem:v38+s28+$0x0], $0xffff;
	v4 =	vmul.f32 v4, v6  }
0x1d5: {  	v1 =	vadd.f32 v2, v1;
	v2 =	vld [tilespmem:$0x1FF70]  }
0x1d6: {  	v0 =	vadd.f32 v4, v0;
	v4 =	vld [tilespmem:$0x1FF60];
	_ =	sdelay $0x2  }
0x1d7: {  	v5 =	vmul.f32 v5, v10  }
0x1d8: {  	v12 =	vld.idx.msk [tilespmem:v35+s28+$0x0], $0xffff;
	v2 =	vmul.f32 v2, v6  }
0x1d9: {  	v3 =	vld.idx.msk [tilespmem:v35+s8+$0x0], $0xffff;
	v4 =	vmul.f32 v4, v5  }
0x1da: {  	v1 =	vadd.f32 v2, v1;
	v2 =	vld [tilespmem:$0x1FF50]  }
0x1db: {  	v0 =	vadd.f32 v4, v0;
	v4 =	vld [tilespmem:$0x1FF40];
	_ =	sdelay $0x2  }
0x1dc: {  	v3 =	vmul.f32 v3, v12  }
0x1dd: {  	v13 =	vld.idx.msk [tilespmem:v32+s28+$0x0], $0xffff;
	v2 =	vmul.f32 v2, v5  }
0x1de: {  	v8 =	vld.idx.msk [tilespmem:v32+s8+$0x0], $0xffff;
	v4 =	vmul.f32 v4, v3  }
0x1df: {  	v1 =	vadd.f32 v2, v1;
	v2 =	vld [tilespmem:$0x1FF30]  }
0x1e0: {  	v0 =	vadd.f32 v4, v0;
	v4 =	vld [tilespmem:$0x1FF20];
	_ =	sdelay $0x2  }
0x1e1: {  	v8 =	vmul.f32 v8, v13  }
0x1e2: {  	v10 =	vld.idx.msk [tilespmem:v29+s28+$0x0], $0xffff;
	v2 =	vmul.f32 v2, v3  }
0x1e3: {  	v7 =	vld.idx.msk [tilespmem:v29+s8+$0x0], $0xffff;
	v4 =	vmul.f32 v4, v8  }
0x1e4: {  	v1 =	vadd.f32 v2, v1;
	v2 =	vld [tilespmem:$0x1FF10]  }
0x1e5: {  	v0 =	vadd.f32 v4, v0;
	v4 =	vld [tilespmem:$0x1FF00];
	_ =	sdelay $0x2  }
0x1e6: {  	v7 =	vmul.f32 v7, v10  }
0x1e7: {  	v12 =	vld.idx.msk [tilespmem:v26+s28+$0x0], $0xffff;
	v2 =	vmul.f32 v2, v8  }
0x1e8: {  	v6 =	vld.idx.msk [tilespmem:v26+s8+$0x0], $0xffff;
	v4 =	vmul.f32 v4, v7  }
0x1e9: {  	v1 =	vadd.f32 v2, v1;
	v2 =	vld [tilespmem:$0x1FEF0]  }
0x1ea: {  	v0 =	vadd.f32 v4, v0;
	v4 =	vld [tilespmem:$0x1FEE0];
	_ =	sdelay $0x2  }
0x1eb: {  	v6 =	vmul.f32 v6, v12  }
0x1ec: {  	v13 =	vld.idx.msk [tilespmem:v23+s28+$0x0], $0xffff;
	v2 =	vmul.f32 v2, v7  }
0x1ed: {  	v5 =	vld.idx.msk [tilespmem:v23+s8+$0x0], $0xffff;
	v4 =	vmul.f32 v4, v6  }
0x1ee: {  	v1 =	vadd.f32 v2, v1;
	v2 =	vld [tilespmem:$0x1FED0]  }
0x1ef: {  	v0 =	vadd.f32 v4, v0;
	v4 =	vld [tilespmem:$0x1FEC0];
	_ =	sdelay $0x2  }
0x1f0: {  	v5 =	vmul.f32 v5, v13  }
0x1f1: {  	v10 =	vld.idx.msk [tilespmem:v20+s28+$0x0], $0xffff;
	v2 =	vmul.f32 v2, v6  }
0x1f2: {  	v3 =	vld.idx.msk [tilespmem:v20+s8+$0x0], $0xffff;
	v4 =	vmul.f32 v4, v5  }
0x1f3: {  	v1 =	vadd.f32 v2, v1;
	v2 =	vld [tilespmem:$0x1FEB0]  }
0x1f4: {  	v0 =	vadd.f32 v4, v0;
	v4 =	vld [tilespmem:$0x1FEA0];
	_ =	sdelay $0x2  }
0x1f5: {  	v3 =	vmul.f32 v3, v10  }
0x1f6: {  	v12 =	vld.idx.msk [tilespmem:v17+s28+$0x0], $0xffff;
	v2 =	vmul.f32 v2, v5  }
0x1f7: {  	v8 =	vld.idx.msk [tilespmem:v17+s8+$0x0], $0xffff;
	v4 =	vmul.f32 v4, v3  }
0x1f8: {  	v1 =	vadd.f32 v2, v1;
	v2 =	vld [tilespmem:$0x1FE90]  }
0x1f9: {  	v0 =	vadd.f32 v4, v0;
	v4 =	vld [tilespmem:$0x1FE80];
	_ =	sdelay $0x2  }
0x1fa: {  	v8 =	vmul.f32 v8, v12  }
0x1fb: {  	v13 =	vld.idx.msk [tilespmem:v14+s28+$0x0], $0xffff;
	v2 =	vmul.f32 v2, v3  }
0x1fc: {  	v7 =	vld.idx.msk [tilespmem:v14+s8+$0x0], $0xffff;
	v4 =	vmul.f32 v4, v8  }
0x1fd: {  	v1 =	vadd.f32 v2, v1;
	v2 =	vld [tilespmem:$0x1FE70]  }
0x1fe: {  	v0 =	vadd.f32 v4, v0;
	v4 =	vld [tilespmem:$0x1FE60]  }
0x1ff: {  	v10 =	vld.idx.msk [tilespmem:v11+s28+$0x0], $0xffff  }
0x200: {  	v6 =	vld.idx.msk [tilespmem:v11+s8+$0x0], $0xffff  }
0x201: {  	v7 =	vmul.f32 v7, v13;
	v11 =	vld [tilespmem:$0x1FE10]  }
0x202: {  	v2 =	vmul.f32 v2, v8  }
0x203: {  	v4 =	vmul.f32 v4, v7  }
0x204: {  	v1 =	vadd.f32 v2, v1;
	v2 =	vld [tilespmem:$0x1FE50]  }
0x205: {  	v0 =	vadd.f32 v4, v0;
	v4 =	vld [tilespmem:$0x1FE40]  }
0x206: {  	v14 =	vld [tilespmem:$0x1FDE0];
	_ =	sdelay $0x1  }
0x207: {  	v6 =	vmul.f32 v6, v10  }
0x208: {  	v5 =	vld.idx.msk [tilespmem:v11+s8+$0x0], $0xffff;
	v2 =	vmul.f32 v2, v7  }
0x209: {  	v9 =	vor.u32 $0x1F, v9;
	v11 =	vld.idx.msk [tilespmem:v11+s28+$0x0], $0xffff;
	v4 =	vmul.f32 v4, v6  }
0x20a: {  	v1 =	vadd.f32 v2, v1;
	v2 =	vld [tilespmem:$0x1FE30]  }
0x20b: {  	v0 =	vadd.f32 v4, v0;
	v4 =	vld [tilespmem:$0x1FE20]  }
0x20c: {  	v46 =	vld [tilespmem:$0x1FFF0]  }
0x20d: {  	v12 =	vld.idx.msk [tilespmem:v14+s28+$0x0], $0xffff  }
0x20e: {  	v10 =	vld.idx.msk [tilespmem:v9+s28+$0x0], $0xffff;
	v5 =	vmul.f32 v5, v11  }
0x20f: {  	v3 =	vld.idx.msk [tilespmem:v14+s8+$0x0], $0xffff;
	v2 =	vmul.f32 v2, v6  }
0x210: {  	v8 =	vld.idx.msk [tilespmem:v9+s8+$0x0], $0xffff;
	v4 =	vmul.f32 v4, v5  }
0x211: {  	v1 =	vadd.f32 v2, v1;
	v2 =	vld [tilespmem:$0x1FE00]  }
0x212: {  	v0 =	vadd.f32 v4, v0;
	v4 =	vld [tilespmem:$0x1FDF0]  }
0x213: {  	v7 =	vld.idx.msk [tilespmem:v14+s29+$0x0], $0xffff  }
0x214: {  	v11 =	vld.idx.msk [tilespmem:v9+s7+$0x0], $0xffff  }
0x215: {  	v3 =	vmul.f32 v3, v12;
	v6 =	vld.idx.msk [tilespmem:v9+s29+$0x0], $0xffff  }
0x216: {  	v2 =	vmul.f32 v2, v5  }
0x217: {  	v9 =	vmov s1;
	v5 =	vmul.f32 v8, v10;
	v4 =	vmul.f32 v4, v3  }
0x218: {  	v8 =	vshll.u32 v9, $0x5;
	v1 =	vadd.f32 v2, v1;
	v2 =	vmul.f32 v7, v3  }
0x219: {  	v9 =	vor.u32 v46, v8;
	v3 =	vmul.f32 v11, v5;
	v0 =	vadd.f32 v4, v0  }
0x21a: {  	v1 =	vadd.f32 v2, v1;
	v2 =	vmul.f32 v6, v5;
	v4 =	vor.u32 $0x1E, v9  }
0x21b: {  	v0 =	vadd.f32 v3, v0  }
0x21c: {  	s11 =	sadd.s32 $0x10, s11;
	v1 =	vadd.f32 v2, v1  }
0x21d: {  	s0 =	sadd.s32 $0x10, s0;
	[tilespmem:s11+$0x0] =	vst v0  }
0x21e: {  	[tilespmem:s0+$0x0] =	vst v1  }
0x21f: {  	v5 =	vor.u32 $0x1D, v9;
	v0 =	vld.idx.msk [tilespmem:v4+s7+$0x0], $0xffff;
	_ =	sdelay $0x4  }
0x220: {  	[tilespmem:$0x1FDF0] =	vst v0;
	v0 =	vld.idx.msk [tilespmem:v5+s29+$0x0], $0xffff;
	_ =	sdelay $0x4  }
0x221: {  	v11 =	vor.u32 $0x1C, v9;
	[tilespmem:$0x1FE00] =	vst v0;
	v0 =	vld.idx.msk [tilespmem:v5+s7+$0x0], $0xffff;
	_ =	sdelay $0x4  }
0x222: {  	[tilespmem:$0x1FE20] =	vst v0;
	v0 =	vld.idx.msk [tilespmem:v11+s29+$0x0], $0xffff;
	_ =	sdelay $0x4  }
0x223: {  	v14 =	vor.u32 $0x1B, v9;
	[tilespmem:$0x1FE30] =	vst v0;
	v0 =	vld.idx.msk [tilespmem:v11+s7+$0x0], $0xffff;
	_ =	sdelay $0x4  }
0x224: {  	[tilespmem:$0x1FE40] =	vst v0;
	v0 =	vld.idx.msk [tilespmem:v14+s29+$0x0], $0xffff;
	_ =	sdelay $0x4  }
0x225: {  	v17 =	vor.u32 $0x1A, v9;
	[tilespmem:$0x1FE50] =	vst v0;
	v0 =	vld.idx.msk [tilespmem:v14+s7+$0x0], $0xffff;
	_ =	sdelay $0x4  }
0x226: {  	[tilespmem:$0x1FE60] =	vst v0;
	v0 =	vld.idx.msk [tilespmem:v17+s29+$0x0], $0xffff;
	_ =	sdelay $0x4  }
0x227: {  	v20 =	vor.u32 $0x19, v9;
	[tilespmem:$0x1FE70] =	vst v0;
	v0 =	vld.idx.msk [tilespmem:v17+s7+$0x0], $0xffff;
	_ =	sdelay $0x4  }
0x228: {  	[tilespmem:$0x1FE80] =	vst v0;
	v0 =	vld.idx.msk [tilespmem:v20+s29+$0x0], $0xffff;
	_ =	sdelay $0x4  }
0x229: {  	v23 =	vor.u32 $0x18, v9;
	[tilespmem:$0x1FE90] =	vst v0;
	v0 =	vld.idx.msk [tilespmem:v20+s7+$0x0], $0xffff;
	_ =	sdelay $0x4  }
0x22a: {  	[tilespmem:$0x1FEA0] =	vst v0;
	v0 =	vld.idx.msk [tilespmem:v23+s29+$0x0], $0xffff;
	_ =	sdelay $0x4  }
0x22b: {  	v26 =	vor.u32 $0x17, v9;
	[tilespmem:$0x1FEB0] =	vst v0;
	v0 =	vld.idx.msk [tilespmem:v23+s7+$0x0], $0xffff;
	_ =	sdelay $0x4  }
0x22c: {  	[tilespmem:$0x1FEC0] =	vst v0;
	v0 =	vld.idx.msk [tilespmem:v26+s29+$0x0], $0xffff;
	_ =	sdelay $0x4  }
0x22d: {  	v29 =	vor.u32 $0x16, v9;
	[tilespmem:$0x1FED0] =	vst v0;
	v0 =	vld.idx.msk [tilespmem:v26+s7+$0x0], $0xffff;
	_ =	sdelay $0x4  }
0x22e: {  	[tilespmem:$0x1FEE0] =	vst v0;
	v0 =	vld.idx.msk [tilespmem:v29+s29+$0x0], $0xffff;
	_ =	sdelay $0x4  }
0x22f: {  	v32 =	vor.u32 $0x15, v9;
	[tilespmem:$0x1FEF0] =	vst v0;
	v0 =	vld.idx.msk [tilespmem:v29+s7+$0x0], $0xffff;
	_ =	sdelay $0x4  }
0x230: {  	[tilespmem:$0x1FF00] =	vst v0;
	v0 =	vld.idx.msk [tilespmem:v32+s29+$0x0], $0xffff;
	_ =	sdelay $0x4  }
0x231: {  	v35 =	vor.u32 $0x14, v9;
	[tilespmem:$0x1FF10] =	vst v0;
	v0 =	vld.idx.msk [tilespmem:v32+s7+$0x0], $0xffff;
	_ =	sdelay $0x4  }
0x232: {  	[tilespmem:$0x1FF20] =	vst v0;
	v0 =	vld.idx.msk [tilespmem:v35+s29+$0x0], $0xffff;
	_ =	sdelay $0x4  }
0x233: {  	v38 =	vor.u32 $0x13, v9;
	[tilespmem:$0x1FF30] =	vst v0;
	v0 =	vld.idx.msk [tilespmem:v35+s7+$0x0], $0xffff;
	_ =	sdelay $0x4  }
0x234: {  	[tilespmem:$0x1FF40] =	vst v0;
	v0 =	vld.idx.msk [tilespmem:v38+s29+$0x0], $0xffff;
	_ =	sdelay $0x4  }
0x235: {  	v41 =	vor.u32 $0x12, v9;
	[tilespmem:$0x1FF50] =	vst v0;
	v0 =	vld.idx.msk [tilespmem:v38+s7+$0x0], $0xffff;
	_ =	sdelay $0x4  }
0x236: {  	[tilespmem:$0x1FF60] =	vst v0;
	v0 =	vld.idx.msk [tilespmem:v41+s29+$0x0], $0xffff;
	_ =	sdelay $0x3  }
0x237: {  	v53 =	vor.u32 $0xE, v9  }
0x238: {  	v44 =	vor.u32 $0x11, v9;
	[tilespmem:$0x1FF70] =	vst v0;
	v0 =	vld.idx.msk [tilespmem:v41+s7+$0x0], $0xffff;
	_ =	sdelay $0x1  }
0x239: {  	v56 =	vor.u32 $0xD, v9;
	_ =	sdelay $0x1  }
0x23a: {  	v59 =	vor.u32 $0xC, v9;
	v48 =	vld.idx.msk [tilespmem:v53+s29+$0x0], $0xffff  }
0x23b: {  	[tilespmem:$0x1FF80] =	vst v0;
	v0 =	vld.idx.msk [tilespmem:v44+s29+$0x0], $0xffff  }
0x23c: {  	v49 =	vld.idx.msk [tilespmem:v53+s7+$0x0], $0xffff  }
0x23d: {  	v62 =	vor.u32 $0xB, v9;
	v51 =	vld.idx.msk [tilespmem:v56+s29+$0x0], $0xffff  }
0x23e: {  	v52 =	vld.idx.msk [tilespmem:v56+s7+$0x0], $0xffff  }
0x23f: {  	v10 =	vor.u32 $0x8, v9;
	v54 =	vld.idx.msk [tilespmem:v59+s29+$0x0], $0xffff  }
0x240: {  	v47 =	vor.u32 $0x10, v9;
	[tilespmem:$0x1FF90] =	vst v0;
	v0 =	vld.idx.msk [tilespmem:v44+s7+$0x0], $0xffff  }
0x241: {  	v55 =	vld.idx.msk [tilespmem:v59+s7+$0x0], $0xffff  }
0x242: {  	v15 =	vor.u32 $0x7, v9;
	v57 =	vld.idx.msk [tilespmem:v62+s29+$0x0], $0xffff  }
0x243: {  	v58 =	vld.idx.msk [tilespmem:v62+s7+$0x0], $0xffff  }
0x244: {  	v19 =	vor.u32 $0x6, v9;
	v3 =	vld.idx.msk [tilespmem:v10+s29+$0x0], $0xffff  }
0x245: {  	[tilespmem:$0x1FFA0] =	vst v0;
	v0 =	vld.idx.msk [tilespmem:v47+s29+$0x0], $0xffff  }
0x246: {  	[tilespmem:$0x1FDE0] =	vst v4;
	v4 =	vld.idx.msk [tilespmem:v10+s7+$0x0], $0xffff  }
0x247: {  	v24 =	vor.u32 $0x5, v9;
	v6 =	vld.idx.msk [tilespmem:v15+s29+$0x0], $0xffff  }
0x248: {  	v8 =	vld.idx.msk [tilespmem:v15+s7+$0x0], $0xffff  }
0x249: {  	v28 =	vor.u32 $0x4, v9;
	v12 =	vld.idx.msk [tilespmem:v19+s29+$0x0], $0xffff  }
0x24a: {  	v50 =	vor.u32 $0xF, v9;
	[tilespmem:$0x1FFB0] =	vst v0;
	v0 =	vld.idx.msk [tilespmem:v47+s7+$0x0], $0xffff  }
0x24b: {  	v13 =	vld.idx.msk [tilespmem:v19+s7+$0x0], $0xffff  }
0x24c: {  	v33 =	vor.u32 $0x3, v9;
	v16 =	vld.idx.msk [tilespmem:v24+s29+$0x0], $0xffff  }
0x24d: {  	v18 =	vld.idx.msk [tilespmem:v24+s7+$0x0], $0xffff  }
0x24e: {  	v34 =	vor.u32 $0x2, v9;
	v21 =	vld.idx.msk [tilespmem:v28+s29+$0x0], $0xffff  }
0x24f: {  	[tilespmem:$0x1FFC0] =	vst v0;
	v0 =	vld.idx.msk [tilespmem:v50+s29+$0x0], $0xffff  }
0x250: {  	v22 =	vld.idx.msk [tilespmem:v28+s7+$0x0], $0xffff  }
0x251: {  	v1 =	vor.u32 $0xA, v9;
	v25 =	vld.idx.msk [tilespmem:v33+s29+$0x0], $0xffff  }
0x252: {  	v27 =	vld.idx.msk [tilespmem:v33+s7+$0x0], $0xffff  }
0x253: {  	[tilespmem:$0x1FE10] =	vst v5;
	v30 =	vld.idx.msk [tilespmem:v34+s29+$0x0], $0xffff;
	v5 =	vor.u32 $0x9, v9  }
0x254: {  	p0 =	sne.s32 s1, $0x1F0;
	[tilespmem:$0x1FFD0] =	vst v0;
	v0 =	vld.idx.msk [tilespmem:v50+s7+$0x0], $0xffff  }
.Ltmp0:
0x255: {  	v31 =	vld.idx.msk [tilespmem:v34+s7+$0x0], $0xffff;
	(pc) =	sbr.rel @p0 .LBB2_2-.Ltmp0, $4  }
0x256: {  	v60 =	vld.idx.msk [tilespmem:v1+s29+$0x0], $0xffff  }
0x257: {  	v61 =	vld.idx.msk [tilespmem:v1+s7+$0x0], $0xffff  }
0x258: {  	v63 =	vld.idx.msk [tilespmem:v5+s29+$0x0], $0xffff  }
0x259: {  	s1 =	sadd.s32 $0x10, s1;
	v36 =	vor.u32 $0x1, v9;
	[tilespmem:$0x1FFE0] =	vst v0;
	v0 =	vld.idx.msk [tilespmem:v5+s7+$0x0], $0xffff  }
0x25a: {  	_ =	sdelay $0x3  }
0x25b: {  	v2 =	vld.idx.msk [tilespmem:v36+s29+$0x0], $0xffff  }
0x25c: {  	v7 =	vld.idx.msk [tilespmem:v36+s7+$0x0], $0xffff  }
0x25d: {  	v37 =	vld.idx.msk [tilespmem:v36+s8+$0x0], $0xffff  }
0x25e: {  	v36 =	vld.idx.msk [tilespmem:v36+s28+$0x0], $0xffff  }
0x25f: {  	v39 =	vld.idx.msk [tilespmem:v9+s8+$0x0], $0xffff  }
0x260: {  	v40 =	vld.idx.msk [tilespmem:v9+s28+$0x0], $0xffff  }
0x261: {  	v42 =	vld.idx.msk [tilespmem:v9+s29+$0x0], $0xffff  }
0x262: {  	v43 =	vld.idx.msk [tilespmem:v9+s7+$0x0], $0xffff  }
0x263: {  	v45 =	vld.idx.msk [tilespmem:v34+s8+$0x0], $0xffff  }
0x264: {  	v34 =	vld.idx.msk [tilespmem:v34+s28+$0x0], $0xffff  }
0x265: {  	v39 =	vmul.f32 v39, v40;
	v40 =	vld.idx.msk [tilespmem:v33+s8+$0x0], $0xffff  }
0x266: {  	v33 =	vld.idx.msk [tilespmem:v33+s28+$0x0], $0xffff  }
0x267: {  	v36 =	vmul.f32 v37, v36;
	v37 =	vmul.f32 v43, v39;
	v43 =	vld.idx.msk [tilespmem:v28+s8+$0x0], $0xffff  }
0x268: {  	v28 =	vld.idx.msk [tilespmem:v28+s28+$0x0], $0xffff  }
0x269: {  	v34 =	vmul.f32 v45, v34;
	v39 =	vmul.f32 v42, v39;
	v42 =	vld.idx.msk [tilespmem:v24+s8+$0x0], $0xffff  }
0x26a: {  	v24 =	vld.idx.msk [tilespmem:v24+s28+$0x0], $0xffff  }
0x26b: {  	v31 =	vmul.f32 v31, v34;
	v30 =	vmul.f32 v30, v34;
	v34 =	vld.idx.msk [tilespmem:v1+s8+$0x0], $0xffff  }
0x26c: {  	v7 =	vmul.f32 v7, v36;
	v2 =	vmul.f32 v2, v36;
	v36 =	vld.idx.msk [tilespmem:v1+s28+$0x0], $0xffff  }
0x26d: {  	v37 =	vadd.f32 $0.0e+00, v37;
	v45 =	vadd.f32 $0.0e+00, v39;
	v39 =	vld.idx.msk [tilespmem:v19+s28+$0x0], $0xffff  }
0x26e: {  	v33 =	vmul.f32 v40, v33;
	v40 =	vld.idx.msk [tilespmem:v15+s8+$0x0], $0xffff  }
0x26f: {  	v7 =	vadd.f32 v7, v37;
	v37 =	vld.idx.msk [tilespmem:v19+s8+$0x0], $0xffff  }
0x270: {  	v2 =	vadd.f32 v2, v45;
	v45 =	vld.idx.msk [tilespmem:v10+s8+$0x0], $0xffff  }
0x271: {  	v28 =	vmul.f32 v43, v28;
	v43 =	vld.idx.msk [tilespmem:v15+s28+$0x0], $0xffff  }
0x272: {  	v27 =	vmul.f32 v27, v33;
	v25 =	vmul.f32 v25, v33;
	v33 =	vld.idx.msk [tilespmem:v5+s28+$0x0], $0xffff  }
0x273: {  	v24 =	vmul.f32 v42, v24;
	v42 =	vld.idx.msk [tilespmem:v59+s28+$0x0], $0xffff  }
0x274: {  	v1 =	vmul.f32 v34, v36;
	v36 =	vld.idx.msk [tilespmem:v44+s28+$0x0], $0xffff  }
0x275: {  	v2 =	vadd.f32 v30, v2;
	v30 =	vld.idx.msk [tilespmem:v5+s8+$0x0], $0xffff  }
0x276: {  	v7 =	vadd.f32 v31, v7;
	v31 =	vld.idx.msk [tilespmem:v44+s8+$0x0], $0xffff  }
0x277: {  	v44 =	vld [tilespmem:$0x1FFE0]  }
0x278: {  	v22 =	vmul.f32 v22, v28;
	v21 =	vmul.f32 v21, v28;
	v28 =	vld.idx.msk [tilespmem:v10+s28+$0x0], $0xffff  }
0x279: {  	v18 =	vmul.f32 v18, v24;
	v16 =	vmul.f32 v16, v24;
	v24 =	vld.idx.msk [tilespmem:v50+s28+$0x0], $0xffff  }
0x27a: {  	v2 =	vadd.f32 v25, v2;
	v25 =	vld.idx.msk [tilespmem:v47+s8+$0x0], $0xffff  }
0x27b: {  	v19 =	vmul.f32 v37, v39;
	v37 =	vld.idx.msk [tilespmem:v62+s8+$0x0], $0xffff  }
0x27c: {  	v39 =	vld.idx.msk [tilespmem:v62+s28+$0x0], $0xffff  }
0x27d: {  	v15 =	vmul.f32 v40, v43;
	v40 =	vld.idx.msk [tilespmem:v59+s8+$0x0], $0xffff  }
0x27e: {  	v43 =	vld.idx.msk [tilespmem:v56+s8+$0x0], $0xffff  }
0x27f: {  	v59 =	vld.idx.msk [tilespmem:v56+s28+$0x0], $0xffff  }
0x280: {  	v2 =	vadd.f32 v21, v2;
	v21 =	vld.idx.msk [tilespmem:v50+s8+$0x0], $0xffff  }
0x281: {  	v50 =	vld [tilespmem:$0x1FFB0]  }
0x282: {  	v7 =	vadd.f32 v27, v7;
	v56 =	vld.idx.msk [tilespmem:v29+s8+$0x0], $0xffff  }
0x283: {  	v5 =	vmul.f32 v30, v33;
	v30 =	vld.idx.msk [tilespmem:v47+s28+$0x0], $0xffff  }
0x284: {  	v7 =	vadd.f32 v22, v7;
	v47 =	vld.idx.msk [tilespmem:v38+s28+$0x0], $0xffff  }
0x285: {  	v2 =	vadd.f32 v16, v2;
	v16 =	vld.idx.msk [tilespmem:v53+s8+$0x0], $0xffff  }
0x286: {  	v7 =	vadd.f32 v18, v7;
	v18 =	vld.idx.msk [tilespmem:v53+s28+$0x0], $0xffff  }
0x287: {  	v10 =	vmul.f32 v45, v28;
	v53 =	vld [tilespmem:$0x1FFA0];
	v45 =	vmul.f32 v63, v5  }
0x288: {  	v63 =	vmul.f32 v61, v1;
	v1 =	vmul.f32 v60, v1;
	v60 =	vld.idx.msk [tilespmem:v26+s8+$0x0], $0xffff  }
0x289: {  	v61 =	vld [tilespmem:$0x1FF60]  }
0x28a: {  	v12 =	vmul.f32 v12, v19;
	v62 =	vmul.f32 v37, v39;
	v37 =	vld.idx.msk [tilespmem:v41+s8+$0x0], $0xffff  }
0x28b: {  	v0 =	vmul.f32 v0, v5;
	v5 =	vmul.f32 v43, v59;
	v43 =	vld.idx.msk [tilespmem:v38+s8+$0x0], $0xffff  }
0x28c: {  	v59 =	vld.idx.msk [tilespmem:v29+s28+$0x0], $0xffff  }
0x28d: {  	v6 =	vmul.f32 v6, v15;
	v2 =	vadd.f32 v12, v2;
	v29 =	vld.idx.msk [tilespmem:v17+s28+$0x0], $0xffff  }
0x28e: {  	v38 =	vld.idx.msk [tilespmem:v11+s28+$0x0], $0xffff  }
0x28f: {  	v2 =	vadd.f32 v6, v2;
	v6 =	vmul.f32 v40, v42;
	v42 =	vld.idx.msk [tilespmem:v41+s28+$0x0], $0xffff  }
0x290: {  	v22 =	vmul.f32 v57, v62;
	v57 =	vld [tilespmem:$0x1FF80]  }
0x291: {  	v13 =	vmul.f32 v13, v19;
	v19 =	vmul.f32 v58, v62;
	v58 =	vld [tilespmem:$0x1FF70]  }
0x292: {  	v62 =	vld [tilespmem:$0x1FF50]  }
0x293: {  	v41 =	vld [tilespmem:$0x1FEA0]  }
0x294: {  	v34 =	vmul.f32 v51, v5;
	v51 =	vld.idx.msk [tilespmem:v35+s28+$0x0], $0xffff  }
0x295: {  	v33 =	vmul.f32 v52, v5;
	v52 =	vld.idx.msk [tilespmem:v32+s8+$0x0], $0xffff  }
0x296: {  	v8 =	vmul.f32 v8, v15;
	v7 =	vadd.f32 v13, v7;
	v5 =	vmul.f32 v31, v36;
	v31 =	vld [tilespmem:$0x1FEE0]  }
0x297: {  	v4 =	vmul.f32 v4, v10;
	v36 =	vld [tilespmem:$0x1FEB0]  }
0x298: {  	v3 =	vmul.f32 v3, v10;
	v7 =	vadd.f32 v8, v7;
	v28 =	vmul.f32 v54, v6;
	v54 =	vld [tilespmem:$0x1FF90]  }
0x299: {  	v27 =	vmul.f32 v55, v6;
	v55 =	vld.idx.msk [tilespmem:v32+s28+$0x0], $0xffff  }
0x29a: {  	v4 =	vadd.f32 v4, v7;
	v2 =	vadd.f32 v3, v2;
	v3 =	vmul.f32 v16, v18;
	v16 =	vld.idx.msk [tilespmem:v23+s8+$0x0], $0xffff  }
0x29b: {  	v18 =	vld [tilespmem:$0x1FF40]  }
0x29c: {  	v6 =	vmul.f32 v25, v30;
	v25 =	vld.idx.msk [tilespmem:v20+s28+$0x0], $0xffff;
	v0 =	vadd.f32 v0, v4  }
0x29d: {  	v30 =	vld.idx.msk [tilespmem:v14+s8+$0x0], $0xffff;
	v2 =	vadd.f32 v45, v2  }
0x29e: {  	v32 =	vld [tilespmem:$0x1FED0];
	v0 =	vadd.f32 v63, v0  }
0x29f: {  	v45 =	vld [tilespmem:$0x1FFD0];
	v1 =	vadd.f32 v1, v2  }
0x2a0: {  	v40 =	vmul.f32 v48, v3;
	v48 =	vld.idx.msk [tilespmem:v35+s8+$0x0], $0xffff;
	v0 =	vadd.f32 v19, v0  }
0x2a1: {  	v39 =	vmul.f32 v49, v3;
	v49 =	vld [tilespmem:$0x1FFC0];
	v1 =	vadd.f32 v22, v1  }
0x2a2: {  	v4 =	vmul.f32 v21, v24;
	v21 =	vld.idx.msk [tilespmem:v23+s28+$0x0], $0xffff;
	v0 =	vadd.f32 v27, v0  }
0x2a3: {  	v23 =	vld [tilespmem:$0x1FF20];
	v1 =	vadd.f32 v28, v1  }
0x2a4: {  	v24 =	vld [tilespmem:$0x1FF10];
	v0 =	vadd.f32 v33, v0  }
0x2a5: {  	v35 =	vld [tilespmem:$0x1FEC0];
	v1 =	vadd.f32 v34, v1  }
0x2a6: {  	v3 =	vmul.f32 v37, v42;
	v42 =	vld [tilespmem:$0x1FE90];
	v12 =	vmul.f32 v44, v4;
	v0 =	vadd.f32 v39, v0  }
0x2a7: {  	v63 =	vld.idx.msk [tilespmem:v26+s28+$0x0], $0xffff;
	v2 =	vmul.f32 v45, v4;
	v1 =	vadd.f32 v40, v1  }
0x2a8: {  	v26 =	vld.idx.msk [tilespmem:v17+s8+$0x0], $0xffff;
	v0 =	vadd.f32 v12, v0;
	v12 =	vmul.f32 v49, v6  }
0x2a9: {  	v44 =	vld [tilespmem:$0x1FDE0];
	v1 =	vadd.f32 v2, v1;
	v2 =	vmul.f32 v50, v6  }
0x2aa: {  	v19 =	vld [tilespmem:$0x1FF30];
	v0 =	vadd.f32 v12, v0;
	v12 =	vmul.f32 v53, v5  }
0x2ab: {  	v22 =	vld.idx.msk [tilespmem:v20+s8+$0x0], $0xffff;
	v1 =	vadd.f32 v2, v1;
	v2 =	vmul.f32 v54, v5  }
0x2ac: {  	v4 =	vmul.f32 v43, v47;
	v47 =	vld [tilespmem:$0x1FE80];
	v0 =	vadd.f32 v12, v0;
	v12 =	vmul.f32 v57, v3  }
0x2ad: {  	v27 =	vld [tilespmem:$0x1FF00];
	v1 =	vadd.f32 v2, v1;
	v2 =	vmul.f32 v58, v3  }
0x2ae: {  	v28 =	vld [tilespmem:$0x1FEF0];
	v6 =	vmul.f32 v48, v51;
	v0 =	vadd.f32 v12, v0;
	v12 =	vmul.f32 v61, v4  }
0x2af: {  	v37 =	vor.u32 $0x1F, v9;
	v33 =	vld.idx.msk [tilespmem:v14+s28+$0x0], $0xffff;
	v1 =	vadd.f32 v2, v1;
	v2 =	vmul.f32 v62, v4  }
0x2b0: {  	v34 =	vld.idx.msk [tilespmem:v11+s8+$0x0], $0xffff;
	v5 =	vmul.f32 v52, v55;
	v0 =	vadd.f32 v12, v0;
	v12 =	vmul.f32 v18, v6  }
0x2b1: {  	v39 =	vld [tilespmem:$0x1FE10];
	v1 =	vadd.f32 v2, v1;
	v2 =	vmul.f32 v19, v6  }
0x2b2: {  	v45 =	vld.idx.msk [tilespmem:v44+s8+$0x0], $0xffff;
	v3 =	vmul.f32 v56, v59;
	v0 =	vadd.f32 v12, v0;
	v12 =	vmul.f32 v23, v5  }
0x2b3: {  	v48 =	vld [tilespmem:$0x1FE70];
	v1 =	vadd.f32 v2, v1;
	v2 =	vmul.f32 v24, v5  }
0x2b4: {  	v49 =	vld.idx.msk [tilespmem:v44+s28+$0x0], $0xffff;
	v4 =	vmul.f32 v60, v63;
	v0 =	vadd.f32 v12, v0;
	v12 =	vmul.f32 v27, v3  }
0x2b5: {  	v50 =	vld.idx.msk [tilespmem:v37+s8+$0x0], $0xffff;
	v1 =	vadd.f32 v2, v1;
	v2 =	vmul.f32 v28, v3  }
0x2b6: {  	v51 =	vld [tilespmem:$0x1FE60];
	v6 =	vmul.f32 v16, v21;
	v0 =	vadd.f32 v12, v0;
	v12 =	vmul.f32 v31, v4  }
0x2b7: {  	v52 =	vld [tilespmem:$0x1FE50];
	v1 =	vadd.f32 v2, v1;
	v2 =	vmul.f32 v32, v4  }
0x2b8: {  	v53 =	vld.idx.msk [tilespmem:v37+s28+$0x0], $0xffff;
	v5 =	vmul.f32 v22, v25;
	v0 =	vadd.f32 v12, v0;
	v12 =	vmul.f32 v35, v6  }
0x2b9: {  	v55 =	vld [tilespmem:$0x1FE40];
	v1 =	vadd.f32 v2, v1;
	v2 =	vmul.f32 v36, v6  }
0x2ba: {  	v40 =	vld.idx.msk [tilespmem:v39+s8+$0x0], $0xffff;
	v3 =	vmul.f32 v26, v29;
	v11 =	vmul.f32 v41, v5;
	v0 =	vadd.f32 v12, v0  }
0x2bb: {  	v43 =	vld.idx.msk [tilespmem:v39+s28+$0x0], $0xffff;
	v1 =	vadd.f32 v2, v1;
	v2 =	vmul.f32 v42, v5  }
0x2bc: {  	v56 =	vld [tilespmem:$0x1FE30];
	v4 =	vmul.f32 v30, v33;
	v0 =	vadd.f32 v11, v0;
	v11 =	vmul.f32 v47, v3  }
0x2bd: {  	v58 =	vld [tilespmem:$0x1FE20];
	v1 =	vadd.f32 v2, v1;
	v2 =	vmul.f32 v48, v3  }
0x2be: {  	v7 =	vmul.f32 v34, v38;
	v59 =	vld [tilespmem:$0x1FE00];
	v0 =	vadd.f32 v11, v0;
	v11 =	vmul.f32 v51, v4  }
0x2bf: {  	v60 =	vld [tilespmem:$0x1FDF0];
	v1 =	vadd.f32 v2, v1;
	v2 =	vmul.f32 v52, v4  }
0x2c0: {  	v54 =	vld.idx.msk [tilespmem:v44+s29+$0x0], $0xffff;
	v5 =	vmul.f32 v40, v43;
	v0 =	vadd.f32 v11, v0;
	v11 =	vmul.f32 v55, v7  }
0x2c1: {  	v57 =	vld.idx.msk [tilespmem:v37+s7+$0x0], $0xffff;
	v1 =	vadd.f32 v2, v1;
	v2 =	vmul.f32 v56, v7  }
0x2c2: {  	v6 =	vld.idx.msk [tilespmem:v37+s29+$0x0], $0xffff;
	v3 =	vmul.f32 v45, v49;
	v10 =	vmul.f32 v58, v5;
	v0 =	vadd.f32 v11, v0  }
0x2c3: {  	v1 =	vadd.f32 v2, v1;
	v2 =	vmul.f32 v59, v5  }
0x2c4: {  	v4 =	vmul.f32 v50, v53;
	v5 =	vmul.f32 v60, v3;
	v0 =	vadd.f32 v10, v0  }
0x2c5: {  	v61 =	vmul.f32 v54, v3;
	v1 =	vadd.f32 v2, v1  }
0x2c6: {  	v62 =	vmul.f32 v57, v4;
	v0 =	vadd.f32 v5, v0  }
0x2c7: {  	v63 =	vmul.f32 v6, v4;
	v1 =	vadd.f32 v61, v1  }
0x2c8: {  	v0 =	vadd.f32 v62, v0  }
0x2c9: {  	s1 =	sadd.s32 $0x10, s11;
	v1 =	vadd.f32 v63, v1  }
0x2ca: {  	s0 =	sadd.s32 $0x10, s0;
	[tilespmem:s1+$0x0] =	vst v0  }
0x2cb: {  	[tilespmem:s0+$0x0] =	vst v1  }
0x2cc: {  	[hbm4b:s20+s2] =	stream.linear.scatter [tilespmem:s30], [sflag:$0x2], $0x200, $0x38;
	[tilespmem:$0x10C00] =	vst v63  }
0x2cd: {  	s10 =	sadd.s32 $0x1, s10;
	_ =	swait.ge [sflag:s9], $0x200  }
0x2ce: {  	p0 =	sne.s32 s10, s22;
	[sflag:s9] =	ssyncset.done $0x0  }
.Ltmp1:
0x2cf: {  	[sflag:s9] =	ssyncadd.s32 $0xFFFFFE00;
	(pc) =	sbr.rel @p0 .LBB2_1-.Ltmp1, $4  }
0x2d0: {  	[hbm4b:s21+s2] =	stream.linear.scatter [tilespmem:s31], [sflag:$0x2], $0x200, $0x38;
	[tilespmem:$0x10C00] =	vst v63  }
0x2d1: {  	_ =	swait.ge [sflag:s9], $0x200  }
0x2d2: {  	[sflag:s9] =	ssyncset.done $0x0  }
0x2d3: {  	[sflag:s9] =	ssyncadd.s32 $0xFFFFFE00  }
0x2d4: {  	_ =	sfence.sel $0x180000  }
0x2d5: {  	[bflag:$0x0] =	sbarrier.arrive $0xFFFF  }
0x2d6: {  	_ =	strace $0x90000047  }
0x2d7: {  	s0 =	stileid.u32;
	[bflag:$0x2] =	sbarrier.arrive $0xFFFF  }
0x2d8: {  	p0 =	sne.s32 s0, $0x0;
	s0 =	rddreg [dreg:$0x7]  }
0x2d9: {  	s0 =	sadd.s32 @!p0 $0x100000, s0  }
0x2da: {  	[sflag:s0] =	ssyncadd.tile.s32 @!p0 $0x1;
	_ =	shalt  }
.Lfunc_end2:
_tile_overlayer_lowered:
.L_overlay_start_2:
0x2db: {  	(tag) =	ssettag $0x2  }
0x2dc: {  	s0 =	rddreg [dreg:$0x0];
	s2 =	stileid.u32  }
0x2dd: {  	s1 =	rddreg [dreg:$0x1];
	p0 =	sne.s32 s2, $0x0  }
0x2de: {  	s3 =	rddreg [dreg:$0x2];
	[bflag:$0x3] =	sbarrier.arrive $0xFFFF;
	s2 =	simm.s32 @!p0 $0x1C02  }
0x2df: {  	[timem:s3], [sflag:s2] =	dma.local @!p0 [hbm:s0], s1  }
0x2e0: {  	s0 =	simm.s32 @!p0 $0x2  }
0x2e1: {  	_ =	swait.ge @!p0 [sflag:s0], s1  }
0x2e2: {  	s1 =	ssub.s32 @!p0 $0x0, s1;
	[sflag:s0] =	ssyncset.done @!p0 $0x0  }
0x2e3: {  	[sflag:s0] =	ssyncadd.s32 @!p0 s1  }
0x2e4: {  	[bflag:$0x3] =	sbarrier.arrive $0xFFFF  }
0x2e5: {  	_ =	shalt  }

</sc_bundles>
